<compile_context>
chip_gen: v7x
topology: tpu7x:2x2x1
jax: 0.10.2.dev20260603
libtpu: 0.0.44.dev20260713+nightly
codegen_flags: <defaults>
</compile_context>

<pallas_src>
import functools

import jax
import jax.numpy as jnp
from jax import lax
from jax.experimental import pallas as pl
from jax.experimental.pallas import tpu as pltpu
from jax.experimental.pallas import tpu_sc as plsc

N = 10000
E = 320000
D = 128
NC = 2
NS = 16
NW = NC * NS
EPT = E // NW
CHUNK = 104
NFULL = EPT // CHUNK
REM = EPT - NFULL * CHUNK
RPT = 624
TAIL = N - NS * RPT

NB = 3
DB = 6
UNROLL = 12


def _sc_hop(h, src, dst, zeros):
    mesh = plsc.VectorSubcoreMesh(core_axis_name="c", subcore_axis_name="s",
                                  num_cores=NC, num_subcores=NS)

    @functools.partial(
        pl.kernel,
        mesh=mesh,
        out_type=jax.ShapeDtypeStruct((NC, N, D), jnp.float32),
        scratch_types=(
            [pltpu.VMEM((EPT,), jnp.int32)]
            + [pltpu.VMEM((CHUNK, D), jnp.float32) for _ in range(NB)]
            + [pltpu.VMEM((CHUNK,), jnp.int32) for _ in range(DB)]
            + [pltpu.VMEM((REM,), jnp.int32)]
            + [pltpu.VMEM_SHARED((N, D), jnp.float32)]
            + [pltpu.SemaphoreType.DMA for _ in range(1 + DB + 2 * NB + 1)]
        ),
    )
    def hop(h_hbm, src_hbm, dst_hbm, z_hbm, out_hbm, *refs):
        srcall = refs[0]
        rbs = refs[1:1 + NB]
        dbs = refs[1 + NB:1 + NB + DB]
        dst_r = refs[1 + NB + DB]
        agg = refs[1 + NB + DB + 1]
        sems = refs[1 + NB + DB + 2:]
        lsem = sems[0]
        isems = sems[1:1 + DB]
        gsems = sems[1 + DB:1 + DB + NB]
        ssems = sems[1 + DB + NB:1 + DB + 2 * NB]
        rsem = sems[1 + DB + 2 * NB]

        c = lax.axis_index("c")
        s = lax.axis_index("s")
        wid = s * NC + c

        lsrc = pltpu.async_copy(src_hbm.at[pl.ds(wid * EPT, EPT)], srcall,
                                lsem)
        row0 = s * RPT
        pltpu.sync_copy(z_hbm.at[pl.ds(row0, RPT)], agg.at[pl.ds(row0, RPT)])

        @pl.when(s == NS - 1)
        def _zero_tail():
            pltpu.sync_copy(z_hbm.at[pl.ds(NS * RPT, TAIL)],
                            agg.at[pl.ds(NS * RPT, TAIL)])
        lsrc.wait()
        plsc.subcore_barrier()

        def idx_issue(j, k):
            base = wid * EPT + j * CHUNK
            return pltpu.async_copy(dst_hbm.at[pl.ds(base, CHUNK)],
                                    dbs[k % DB], isems[k % DB])

        def gather(j, p):
            return pltpu.async_copy(
                h_hbm.at[srcall.at[pl.ds(j * CHUNK, CHUNK)]], rbs[p], gsems[p])

        def scat(k, p):
            return pltpu.async_copy(rbs[p], agg.at[dbs[k % DB]], ssems[p],
                                    add=True)

        def emit(j0, n):
            ii = [None] * n
            gd = [None] * n
            sd = [None] * n
            for k in range(min(n, DB)):
                ii[k] = idx_issue(j0 + k, k)
            for k in range(n):
                if k >= NB:
                    sd[k - NB].wait()
                    nk = k - NB + DB
                    if nk < n:
                        ii[nk] = idx_issue(j0 + nk, nk)
                gd[k] = gather(j0 + k, k % NB)
                if k >= 1:
                    gd[k - 1].wait()
                    ii[k - 1].wait()
                    sd[k - 1] = scat(k - 1, (k - 1) % NB)
            gd[n - 1].wait()
            ii[n - 1].wait()
            sd[n - 1] = scat(n - 1, (n - 1) % NB)
            for k in range(max(0, n - NB), n):
                sd[k].wait()

        def body(i, carry):
            emit(UNROLL * i, UNROLL)
            return carry
        lax.fori_loop(0, NFULL // UNROLL, body, 0)

        rbase = NFULL * CHUNK
        ir = pltpu.async_copy(dst_hbm.at[pl.ds(wid * EPT + rbase, REM)],
                              dst_r, rsem)
        gr = pltpu.async_copy(
            h_hbm.at[srcall.at[pl.ds(rbase, REM)]], rbs[0].at[pl.ds(0, REM)],
            rsem)
        ir.wait()
        gr.wait()
        pltpu.sync_copy(rbs[0].at[pl.ds(0, REM)], agg.at[dst_r], add=True)

        plsc.subcore_barrier()
        pltpu.sync_copy(agg.at[pl.ds(row0, RPT)],
                        out_hbm.at[c, pl.ds(row0, RPT)])

        @pl.when(s == NS - 1)
        def _copy_tail():
            pltpu.sync_copy(agg.at[pl.ds(NS * RPT, TAIL)],
                            out_hbm.at[c, pl.ds(NS * RPT, TAIL)])

    return hop(h, src, dst, zeros)


_DOT = dict(preferred_element_type=jnp.float32,
            precision=lax.Precision.HIGHEST)
_BR = 1000


def _tc_mid(p, h, wr, wt):
    def body(p_ref, h_ref, wr_ref, wt_ref, o_ref):
        agg = p_ref[0] + p_ref[1]
        y = lax.dot_general(agg, wr_ref[...], (((1,), (1,)), ((), ())), **_DOT)
        y = y + lax.dot_general(h_ref[...], wt_ref[...],
                                (((1,), (1,)), ((), ())), **_DOT)
        o_ref[...] = jnp.maximum(y, 0.0)

    return pl.pallas_call(
        body,
        grid=(N // _BR,),
        in_specs=[
            pl.BlockSpec((NC, _BR, D), lambda i: (0, i, 0)),
            pl.BlockSpec((_BR, D), lambda i: (i, 0)),
            pl.BlockSpec((D, D), lambda i: (0, 0)),
            pl.BlockSpec((D, D), lambda i: (0, 0)),
        ],
        out_specs=pl.BlockSpec((_BR, D), lambda i: (i, 0)),
        out_shape=jax.ShapeDtypeStruct((N, D), jnp.float32),
    )(p, h, wr, wt)


def _tc_final(p, h, wr_s, wt_s):
    ksel = wr_s.shape[0]

    def body(p_ref, h_ref, wr_ref, wt_ref, o_ref):
        agg = p_ref[0] + p_ref[1]
        y = lax.dot_general(agg, wr_ref[...], (((1,), (1,)), ((), ())), **_DOT)
        y = y + lax.dot_general(h_ref[...], wt_ref[...],
                                (((1,), (1,)), ((), ())), **_DOT)
        o_ref[...] = jnp.sum(jnp.maximum(y, 0.0), axis=1, keepdims=True)

    return pl.pallas_call(
        body,
        grid=(N // _BR,),
        in_specs=[
            pl.BlockSpec((NC, _BR, D), lambda i: (0, i, 0)),
            pl.BlockSpec((_BR, D), lambda i: (i, 0)),
            pl.BlockSpec((ksel, D), lambda i: (0, 0)),
            pl.BlockSpec((ksel, D), lambda i: (0, 0)),
        ],
        out_specs=pl.BlockSpec((_BR, 1), lambda i: (i, 0)),
        out_shape=jax.ShapeDtypeStruct((N, 1), jnp.float32),
    )(p, h, wr_s, wt_s)


def kernel(x, edge_index, batch, W_rel, W_root):
    del batch
    src = edge_index[0]
    dst = edge_index[1]
    step = 4
    wr_s = W_rel[step - 1::step]
    wt_s = W_root[step - 1::step]

    zeros = jnp.zeros((N, D), jnp.float32)
    p1 = _sc_hop(x, src, dst, zeros)
    h1 = _tc_mid(p1, x, W_rel, W_root)
    p2 = _sc_hop(h1, src, dst, zeros)
    out = _tc_final(p2, h1, wr_s, wt_s)
    return out[:, 0]

# --- scband reference (transcript-rebuilt; emitter-appended) ---
"""Pipeline reference for scband-gconv-5686536700488 (READ-ONLY COPY).

The authoritative reference and input builder live on the scoring server;
editing this copy changes nothing except your own understanding.
"""

import jax, jax.numpy as jnp
import numpy as np

N_NODES = 10000
N_EDGES = 320000
D_FEAT = 128
K_HOPS = 2

def setup_inputs(seed: int = 0) -> dict:
    key = jax.random.key(seed)
    k1, k2, k3, k4 = jax.random.split(key, 4)
    x = jax.random.normal(k1, (N_NODES, D_FEAT), dtype=jnp.float32)
    edge_index = jax.random.randint(k2, (2, N_EDGES), 0, N_NODES, dtype=jnp.int32)
    batch = jnp.zeros((N_NODES,), dtype=jnp.int32)
    # GraphConv(num_node_features, num_node_features, aggr='add', bias=False)
    # has two weight matrices: lin_rel (applied to aggregated neighbors)
    # and lin_root (applied to self features). Linear y = x @ W.T, W: [out, in].
    W_rel = jax.random.normal(k3, (D_FEAT, D_FEAT), dtype=jnp.float32) * 0.05
    W_root = jax.random.normal(k4, (D_FEAT, D_FEAT), dtype=jnp.float32) * 0.05
    return {"x": x, "edge_index": edge_index, "batch": batch, "W_rel": W_rel, "W_root": W_root}

def reference(x, edge_index, batch, W_rel, W_root):
    src = edge_index[0]
    dst = edge_index[1]
    h = x
    for _ in range(K_HOPS):
        # message: gather source node features along each edge
        msg = jnp.take(h, src, axis=0)
        # aggregate with 'add' (scatter-add at destination nodes)
        agg = jax.ops.segment_sum(msg, dst, num_segments=N_NODES)
        # GraphConv: out = lin_rel(agg) + lin_root(x)
        h = agg @ W_rel.T + h @ W_root.T
        h = jax.nn.relu(h)
    step = 1 << K_HOPS
    h = h[:, step - 1::step]
    out = jnp.sum(h, axis=1)
    return out

if __name__ == "__main__":
    import jax
    _d = setup_inputs()
    print(jax.jit(kernel)(*tuple(_d.values())))

</pallas_src>

<mosaic_0001>
#map = affine_map<(d0, d1) -> (0, 0)>
#map1 = affine_map<(d0, d1) -> (0)>
#map2 = affine_map<(d0, d1) -> (0, 0, 0)>
module attributes {stable_mosaic.version = 14 : i64} {
  func.func @hop(%arg0: i32, %arg1: i32, %arg2: memref<10000x128xf32, #tpu.memory_space<hbm>>, %arg3: memref<320000xi32, #tpu.memory_space<hbm>>, %arg4: memref<320000xi32, #tpu.memory_space<hbm>>, %arg5: memref<10000x128xf32, #tpu.memory_space<hbm>>, %arg6: memref<2x10000x128xf32, #tpu.memory_space<hbm>>, %arg7: memref<10000xi32, #tpu.memory_space<vmem>>, %arg8: memref<104x128xf32, #tpu.memory_space<vmem>>, %arg9: memref<104x128xf32, #tpu.memory_space<vmem>>, %arg10: memref<104x128xf32, #tpu.memory_space<vmem>>, %arg11: memref<104xi32, #tpu.memory_space<vmem>>, %arg12: memref<104xi32, #tpu.memory_space<vmem>>, %arg13: memref<104xi32, #tpu.memory_space<vmem>>, %arg14: memref<104xi32, #tpu.memory_space<vmem>>, %arg15: memref<104xi32, #tpu.memory_space<vmem>>, %arg16: memref<104xi32, #tpu.memory_space<vmem>>, %arg17: memref<16xi32, #tpu.memory_space<vmem>>, %arg18: memref<10000x128xf32, #tpu.memory_space<vmem_shared>>, %arg19: memref<!tpu.dma_semaphore, #tpu.memory_space<semaphore_mem>>, %arg20: memref<!tpu.dma_semaphore, #tpu.memory_space<semaphore_mem>>, %arg21: memref<!tpu.dma_semaphore, #tpu.memory_space<semaphore_mem>>, %arg22: memref<!tpu.dma_semaphore, #tpu.memory_space<semaphore_mem>>, %arg23: memref<!tpu.dma_semaphore, #tpu.memory_space<semaphore_mem>>, %arg24: memref<!tpu.dma_semaphore, #tpu.memory_space<semaphore_mem>>, %arg25: memref<!tpu.dma_semaphore, #tpu.memory_space<semaphore_mem>>, %arg26: memref<!tpu.dma_semaphore, #tpu.memory_space<semaphore_mem>>, %arg27: memref<!tpu.dma_semaphore, #tpu.memory_space<semaphore_mem>>, %arg28: memref<!tpu.dma_semaphore, #tpu.memory_space<semaphore_mem>>, %arg29: memref<!tpu.dma_semaphore, #tpu.memory_space<semaphore_mem>>, %arg30: memref<!tpu.dma_semaphore, #tpu.memory_space<semaphore_mem>>, %arg31: memref<!tpu.dma_semaphore, #tpu.memory_space<semaphore_mem>>, %arg32: memref<!tpu.dma_semaphore, #tpu.memory_space<semaphore_mem>>) attributes {dimension_semantics = [#tpu.dimension_semantics<core_parallel>, #tpu.dimension_semantics<subcore_parallel>], iteration_bounds = array<i64: 2, 16>, scalar_prefetch = 0 : i64, scratch_operands = 26 : i64, tpu.core_type = #tpu.core_type<sc_vector_subcore>, window_params = [{transform_indices = #map}, {transform_indices = #map1}, {transform_indices = #map1}, {transform_indices = #map}, {transform_indices = #map2}]} {
    %mul3A = arith.constant 2 : i32
    %mul3A_0 = arith.muli %arg1, %mul3A : i32
    %add3A = arith.addi %mul3A_0, %arg0 : i32
    %mul3A_1 = arith.constant 10000 : i32
    %mul3A_2 = arith.muli %add3A, %mul3A_1 : i32
    %dma_start3A = tpu.memref_slice %arg3[%mul3A_2] : memref<320000xi32, #tpu.memory_space<hbm>> -> memref<10000xi32, #tpu.memory_space<hbm>>
    %dma_start3A_3 = tpu.memref_slice %arg3[%mul3A_2] : memref<320000xi32, #tpu.memory_space<hbm>> -> memref<10000xi32, #tpu.memory_space<hbm>>
    tpu.enqueue_dma source(%dma_start3A_3 : memref<10000xi32, #tpu.memory_space<hbm>>) target(%arg7 : memref<10000xi32, #tpu.memory_space<vmem>>) target_semaphore(%arg19 : memref<!tpu.dma_semaphore, #tpu.memory_space<semaphore_mem>>)
    %mul3A_4 = arith.constant 624 : i32
    %mul3A_5 = arith.muli %arg1, %mul3A_4 : i32
    "tpu.region"() ({
      %run_scoped3A = tpu.sem_alloc : memref<!tpu.dma_semaphore, #tpu.memory_space<semaphore_mem>>
      %dma_start3A_44 = arith.constant 0 : i32
      %dma_start3A_45 = tpu.memref_slice %arg18[%mul3A_5, %dma_start3A_44] : memref<10000x128xf32, #tpu.memory_space<vmem_shared>> -> memref<624x128xf32, #tpu.memory_space<vmem_shared>>
      %dma_start3A_46 = arith.constant 0 : i32
      %dma_start3A_47 = tpu.memref_slice %arg5[%mul3A_5, %dma_start3A_46] : memref<10000x128xf32, #tpu.memory_space<hbm>> -> memref<624x128xf32, #tpu.memory_space<hbm>>
      tpu.enqueue_dma source(%dma_start3A_47 : memref<624x128xf32, #tpu.memory_space<hbm>>) target(%dma_start3A_45 : memref<624x128xf32, #tpu.memory_space<vmem_shared>>) target_semaphore(%run_scoped3A : memref<!tpu.dma_semaphore, #tpu.memory_space<semaphore_mem>>)
      %dma_wait3A_48 = arith.constant 0 : i32
      %dma_wait3A_49 = tpu.memref_slice %arg18[%mul3A_5, %dma_wait3A_48] : memref<10000x128xf32, #tpu.memory_space<vmem_shared>> -> memref<624x128xf32, #tpu.memory_space<vmem_shared>>
      %dma_wait3A_50 = arith.constant 0 : i32
      %dma_wait3A_51 = tpu.memref_slice %arg5[%mul3A_5, %dma_wait3A_50] : memref<10000x128xf32, #tpu.memory_space<hbm>> -> memref<624x128xf32, #tpu.memory_space<hbm>>
      tpu.wait_dma2 semaphore(%run_scoped3A : memref<!tpu.dma_semaphore, #tpu.memory_space<semaphore_mem>>) src(%dma_wait3A_51 : memref<624x128xf32, #tpu.memory_space<hbm>>) dst(%dma_wait3A_49 : memref<624x128xf32, #tpu.memory_space<vmem_shared>>)
      tpu.yield
    }) : () -> ()
    %eq3A = arith.constant 15 : i32
    %eq3A_6 = arith.cmpi eq, %arg1, %eq3A : i32
    %convert_element_type3A = arith.extui %eq3A_6 : i1 to i32
    %cond3A = arith.constant 0 : i32
    %cond3A_7 = arith.cmpi ne, %convert_element_type3A, %cond3A : i32
    scf.if %cond3A_7 {
      "tpu.region"() ({
        %run_scoped3A = tpu.sem_alloc : memref<!tpu.dma_semaphore, #tpu.memory_space<semaphore_mem>>
        %dma_start3A_44 = arith.constant 9984 : i32
        %dma_start3A_45 = arith.constant 0 : i32
        %dma_start3A_46 = tpu.memref_slice %arg18[%dma_start3A_44, %dma_start3A_45] : memref<10000x128xf32, #tpu.memory_space<vmem_shared>> -> memref<16x128xf32, #tpu.memory_space<vmem_shared>>
        %dma_start3A_47 = arith.constant 9984 : i32
        %dma_start3A_48 = arith.constant 0 : i32
        %dma_start3A_49 = tpu.memref_slice %arg5[%dma_start3A_47, %dma_start3A_48] : memref<10000x128xf32, #tpu.memory_space<hbm>> -> memref<16x128xf32, #tpu.memory_space<hbm>>
        tpu.enqueue_dma source(%dma_start3A_49 : memref<16x128xf32, #tpu.memory_space<hbm>>) target(%dma_start3A_46 : memref<16x128xf32, #tpu.memory_space<vmem_shared>>) target_semaphore(%run_scoped3A : memref<!tpu.dma_semaphore, #tpu.memory_space<semaphore_mem>>)
        %dma_wait3A_50 = arith.constant 9984 : i32
        %dma_wait3A_51 = arith.constant 0 : i32
        %dma_wait3A_52 = tpu.memref_slice %arg18[%dma_wait3A_50, %dma_wait3A_51] : memref<10000x128xf32, #tpu.memory_space<vmem_shared>> -> memref<16x128xf32, #tpu.memory_space<vmem_shared>>
        %dma_wait3A_53 = arith.constant 9984 : i32
        %dma_wait3A_54 = arith.constant 0 : i32
        %dma_wait3A_55 = tpu.memref_slice %arg5[%dma_wait3A_53, %dma_wait3A_54] : memref<10000x128xf32, #tpu.memory_space<hbm>> -> memref<16x128xf32, #tpu.memory_space<hbm>>
        tpu.wait_dma2 semaphore(%run_scoped3A : memref<!tpu.dma_semaphore, #tpu.memory_space<semaphore_mem>>) src(%dma_wait3A_55 : memref<16x128xf32, #tpu.memory_space<hbm>>) dst(%dma_wait3A_52 : memref<16x128xf32, #tpu.memory_space<vmem_shared>>)
        tpu.yield
      }) : () -> ()
    } else {
    }
    %dma_wait3A = tpu.memref_slice %arg3[%mul3A_2] : memref<320000xi32, #tpu.memory_space<hbm>> -> memref<10000xi32, #tpu.memory_space<hbm>>
    %dma_wait3A_8 = tpu.memref_slice %arg3[%mul3A_2] : memref<320000xi32, #tpu.memory_space<hbm>> -> memref<10000xi32, #tpu.memory_space<hbm>>
    tpu.wait_dma2 semaphore(%arg19 : memref<!tpu.dma_semaphore, #tpu.memory_space<semaphore_mem>>) src(%dma_wait3A_8 : memref<10000xi32, #tpu.memory_space<hbm>>) dst(%arg7 : memref<10000xi32, #tpu.memory_space<vmem>>)
    %barrier3A = arith.constant 0 : index
    tpu.barrier barrier_id(%barrier3A)
    %scan3A = arith.constant 0 : i32
    %scan3A_9 = arith.constant 0 : i32
    %scan3A_10 = arith.constant 8 : i32
    %scan3A_11 = arith.addi %scan3A_9, %scan3A_10 : i32
    %scan3A_12 = arith.constant 1 : i32
    scf.for %scan3A_44 = %scan3A_9 to %scan3A_11 step %scan3A_12  : i32 {
      %mul3A_45 = arith.constant 12 : i32
      %mul3A_46 = arith.muli %mul3A_45, %scan3A_44 : i32
      %add3A_47 = arith.constant 0 : i32
      %add3A_48 = arith.addi %mul3A_46, %add3A_47 : i32
      %mul3A_49 = arith.constant 10000 : i32
      %mul3A_50 = arith.muli %add3A, %mul3A_49 : i32
      %mul3A_51 = arith.constant 104 : i32
      %mul3A_52 = arith.muli %add3A_48, %mul3A_51 : i32
      %add3A_53 = arith.addi %mul3A_50, %mul3A_52 : i32
      %dma_start3A_54 = tpu.memref_slice %arg4[%add3A_53] : memref<320000xi32, #tpu.memory_space<hbm>> -> memref<104xi32, #tpu.memory_space<hbm>>
      %dma_start3A_55 = tpu.memref_slice %arg4[%add3A_53] : memref<320000xi32, #tpu.memory_space<hbm>> -> memref<104xi32, #tpu.memory_space<hbm>>
      tpu.enqueue_dma source(%dma_start3A_55 : memref<104xi32, #tpu.memory_space<hbm>>) target(%arg11 : memref<104xi32, #tpu.memory_space<vmem>>) target_semaphore(%arg20 : memref<!tpu.dma_semaphore, #tpu.memory_space<semaphore_mem>>)
      %add3A_56 = arith.constant 1 : i32
      %add3A_57 = arith.addi %mul3A_46, %add3A_56 : i32
      %mul3A_58 = arith.constant 10000 : i32
      %mul3A_59 = arith.muli %add3A, %mul3A_58 : i32
      %mul3A_60 = arith.constant 104 : i32
      %mul3A_61 = arith.muli %add3A_57, %mul3A_60 : i32
      %add3A_62 = arith.addi %mul3A_59, %mul3A_61 : i32
      %dma_start3A_63 = tpu.memref_slice %arg4[%add3A_62] : memref<320000xi32, #tpu.memory_space<hbm>> -> memref<104xi32, #tpu.memory_space<hbm>>
      %dma_start3A_64 = tpu.memref_slice %arg4[%add3A_62] : memref<320000xi32, #tpu.memory_space<hbm>> -> memref<104xi32, #tpu.memory_space<hbm>>
      tpu.enqueue_dma source(%dma_start3A_64 : memref<104xi32, #tpu.memory_space<hbm>>) target(%arg12 : memref<104xi32, #tpu.memory_space<vmem>>) target_semaphore(%arg21 : memref<!tpu.dma_semaphore, #tpu.memory_space<semaphore_mem>>)
      %add3A_65 = arith.constant 2 : i32
      %add3A_66 = arith.addi %mul3A_46, %add3A_65 : i32
      %mul3A_67 = arith.constant 10000 : i32
      %mul3A_68 = arith.muli %add3A, %mul3A_67 : i32
      %mul3A_69 = arith.constant 104 : i32
      %mul3A_70 = arith.muli %add3A_66, %mul3A_69 : i32
      %add3A_71 = arith.addi %mul3A_68, %mul3A_70 : i32
      %dma_start3A_72 = tpu.memref_slice %arg4[%add3A_71] : memref<320000xi32, #tpu.memory_space<hbm>> -> memref<104xi32, #tpu.memory_space<hbm>>
      %dma_start3A_73 = tpu.memref_slice %arg4[%add3A_71] : memref<320000xi32, #tpu.memory_space<hbm>> -> memref<104xi32, #tpu.memory_space<hbm>>
      tpu.enqueue_dma source(%dma_start3A_73 : memref<104xi32, #tpu.memory_space<hbm>>) target(%arg13 : memref<104xi32, #tpu.memory_space<vmem>>) target_semaphore(%arg22 : memref<!tpu.dma_semaphore, #tpu.memory_space<semaphore_mem>>)
      %add3A_74 = arith.constant 3 : i32
      %add3A_75 = arith.addi %mul3A_46, %add3A_74 : i32
      %mul3A_76 = arith.constant 10000 : i32
      %mul3A_77 = arith.muli %add3A, %mul3A_76 : i32
      %mul3A_78 = arith.constant 104 : i32
      %mul3A_79 = arith.muli %add3A_75, %mul3A_78 : i32
      %add3A_80 = arith.addi %mul3A_77, %mul3A_79 : i32
      %dma_start3A_81 = tpu.memref_slice %arg4[%add3A_80] : memref<320000xi32, #tpu.memory_space<hbm>> -> memref<104xi32, #tpu.memory_space<hbm>>
      %dma_start3A_82 = tpu.memref_slice %arg4[%add3A_80] : memref<320000xi32, #tpu.memory_space<hbm>> -> memref<104xi32, #tpu.memory_space<hbm>>
      tpu.enqueue_dma source(%dma_start3A_82 : memref<104xi32, #tpu.memory_space<hbm>>) target(%arg14 : memref<104xi32, #tpu.memory_space<vmem>>) target_semaphore(%arg23 : memref<!tpu.dma_semaphore, #tpu.memory_space<semaphore_mem>>)
      %add3A_83 = arith.constant 4 : i32
      %add3A_84 = arith.addi %mul3A_46, %add3A_83 : i32
      %mul3A_85 = arith.constant 10000 : i32
      %mul3A_86 = arith.muli %add3A, %mul3A_85 : i32
      %mul3A_87 = arith.constant 104 : i32
      %mul3A_88 = arith.muli %add3A_84, %mul3A_87 : i32
      %add3A_89 = arith.addi %mul3A_86, %mul3A_88 : i32
      %dma_start3A_90 = tpu.memref_slice %arg4[%add3A_89] : memref<320000xi32, #tpu.memory_space<hbm>> -> memref<104xi32, #tpu.memory_space<hbm>>
      %dma_start3A_91 = tpu.memref_slice %arg4[%add3A_89] : memref<320000xi32, #tpu.memory_space<hbm>> -> memref<104xi32, #tpu.memory_space<hbm>>
      tpu.enqueue_dma source(%dma_start3A_91 : memref<104xi32, #tpu.memory_space<hbm>>) target(%arg15 : memref<104xi32, #tpu.memory_space<vmem>>) target_semaphore(%arg24 : memref<!tpu.dma_semaphore, #tpu.memory_space<semaphore_mem>>)
      %add3A_92 = arith.constant 5 : i32
      %add3A_93 = arith.addi %mul3A_46, %add3A_92 : i32
      %mul3A_94 = arith.constant 10000 : i32
      %mul3A_95 = arith.muli %add3A, %mul3A_94 : i32
      %mul3A_96 = arith.constant 104 : i32
      %mul3A_97 = arith.muli %add3A_93, %mul3A_96 : i32
      %add3A_98 = arith.addi %mul3A_95, %mul3A_97 : i32
      %dma_start3A_99 = tpu.memref_slice %arg4[%add3A_98] : memref<320000xi32, #tpu.memory_space<hbm>> -> memref<104xi32, #tpu.memory_space<hbm>>
      %dma_start3A_100 = tpu.memref_slice %arg4[%add3A_98] : memref<320000xi32, #tpu.memory_space<hbm>> -> memref<104xi32, #tpu.memory_space<hbm>>
      tpu.enqueue_dma source(%dma_start3A_100 : memref<104xi32, #tpu.memory_space<hbm>>) target(%arg16 : memref<104xi32, #tpu.memory_space<vmem>>) target_semaphore(%arg25 : memref<!tpu.dma_semaphore, #tpu.memory_space<semaphore_mem>>)
      %add3A_101 = arith.constant 0 : i32
      %add3A_102 = arith.addi %mul3A_46, %add3A_101 : i32
      %mul3A_103 = arith.constant 104 : i32
      %mul3A_104 = arith.muli %add3A_102, %mul3A_103 : i32
      %dma_start3A_105 = tpu.memref_slice %arg7[%mul3A_104] : memref<10000xi32, #tpu.memory_space<vmem>> -> memref<104xi32, #tpu.memory_space<vmem>>
      %dma_start3A_106 = arith.constant 0 : i32
      %dma_start3A_107 = arith.constant 0 : i32
      %dma_start3A_108 = tpu.memref_slice %arg2[%dma_start3A_106, %dma_start3A_107] : memref<10000x128xf32, #tpu.memory_space<hbm>> -> memref<10000x128xf32, #tpu.memory_space<hbm>>
      tpu.enqueue_indirect_dma source(%dma_start3A_108 : memref<10000x128xf32, #tpu.memory_space<hbm>>) target(%arg8 : memref<104x128xf32, #tpu.memory_space<vmem>>) offsets(%dma_start3A_105 : memref<104xi32, #tpu.memory_space<vmem>>) semaphore(%arg26 : memref<!tpu.dma_semaphore, #tpu.memory_space<semaphore_mem>>)
      %add3A_109 = arith.constant 1 : i32
      %add3A_110 = arith.addi %mul3A_46, %add3A_109 : i32
      %mul3A_111 = arith.constant 104 : i32
      %mul3A_112 = arith.muli %add3A_110, %mul3A_111 : i32
      %dma_start3A_113 = tpu.memref_slice %arg7[%mul3A_112] : memref<10000xi32, #tpu.memory_space<vmem>> -> memref<104xi32, #tpu.memory_space<vmem>>
      %dma_start3A_114 = arith.constant 0 : i32
      %dma_start3A_115 = arith.constant 0 : i32
      %dma_start3A_116 = tpu.memref_slice %arg2[%dma_start3A_114, %dma_start3A_115] : memref<10000x128xf32, #tpu.memory_space<hbm>> -> memref<10000x128xf32, #tpu.memory_space<hbm>>
      tpu.enqueue_indirect_dma source(%dma_start3A_116 : memref<10000x128xf32, #tpu.memory_space<hbm>>) target(%arg9 : memref<104x128xf32, #tpu.memory_space<vmem>>) offsets(%dma_start3A_113 : memref<104xi32, #tpu.memory_space<vmem>>) semaphore(%arg27 : memref<!tpu.dma_semaphore, #tpu.memory_space<semaphore_mem>>)
      %dma_wait3A_117 = tpu.memref_slice %arg7[%mul3A_104] : memref<10000xi32, #tpu.memory_space<vmem>> -> memref<104xi32, #tpu.memory_space<vmem>>
      %dma_wait3A_118 = arith.constant 0 : i32
      %dma_wait3A_119 = arith.constant 0 : i32
      %dma_wait3A_120 = tpu.memref_slice %arg2[%dma_wait3A_118, %dma_wait3A_119] : memref<10000x128xf32, #tpu.memory_space<hbm>> -> memref<10000x128xf32, #tpu.memory_space<hbm>>
      tpu.wait_indirect_dma semaphore(%arg26 : memref<!tpu.dma_semaphore, #tpu.memory_space<semaphore_mem>>) src(%dma_wait3A_120 : memref<10000x128xf32, #tpu.memory_space<hbm>>) dst(%arg8 : memref<104x128xf32, #tpu.memory_space<vmem>>)
      %dma_wait3A_121 = tpu.memref_slice %arg4[%add3A_53] : memref<320000xi32, #tpu.memory_space<hbm>> -> memref<104xi32, #tpu.memory_space<hbm>>
      %dma_wait3A_122 = tpu.memref_slice %arg4[%add3A_53] : memref<320000xi32, #tpu.memory_space<hbm>> -> memref<104xi32, #tpu.memory_space<hbm>>
      tpu.wait_dma2 semaphore(%arg20 : memref<!tpu.dma_semaphore, #tpu.memory_space<semaphore_mem>>) src(%dma_wait3A_122 : memref<104xi32, #tpu.memory_space<hbm>>) dst(%arg11 : memref<104xi32, #tpu.memory_space<vmem>>)
      %dma_start3A_123 = arith.constant 0 : i32
      %dma_start3A_124 = arith.constant 0 : i32
      %dma_start3A_125 = tpu.memref_slice %arg18[%dma_start3A_123, %dma_start3A_124] : memref<10000x128xf32, #tpu.memory_space<vmem_shared>> -> memref<10000x128xf32, #tpu.memory_space<vmem_shared>>
      tpu.enqueue_indirect_dma source(%arg8 : memref<104x128xf32, #tpu.memory_space<vmem>>) target(%dma_start3A_125 : memref<10000x128xf32, #tpu.memory_space<vmem_shared>>) offsets(%arg11 : memref<104xi32, #tpu.memory_space<vmem>>) semaphore(%arg29 : memref<!tpu.dma_semaphore, #tpu.memory_space<semaphore_mem>>) {add = true}
      %add3A_126 = arith.constant 2 : i32
      %add3A_127 = arith.addi %mul3A_46, %add3A_126 : i32
      %mul3A_128 = arith.constant 104 : i32
      %mul3A_129 = arith.muli %add3A_127, %mul3A_128 : i32
      %dma_start3A_130 = tpu.memref_slice %arg7[%mul3A_129] : memref<10000xi32, #tpu.memory_space<vmem>> -> memref<104xi32, #tpu.memory_space<vmem>>
      %dma_start3A_131 = arith.constant 0 : i32
      %dma_start3A_132 = arith.constant 0 : i32
      %dma_start3A_133 = tpu.memref_slice %arg2[%dma_start3A_131, %dma_start3A_132] : memref<10000x128xf32, #tpu.memory_space<hbm>> -> memref<10000x128xf32, #tpu.memory_space<hbm>>
      tpu.enqueue_indirect_dma source(%dma_start3A_133 : memref<10000x128xf32, #tpu.memory_space<hbm>>) target(%arg10 : memref<104x128xf32, #tpu.memory_space<vmem>>) offsets(%dma_start3A_130 : memref<104xi32, #tpu.memory_space<vmem>>) semaphore(%arg28 : memref<!tpu.dma_semaphore, #tpu.memory_space<semaphore_mem>>)
      %dma_wait3A_134 = tpu.memref_slice %arg7[%mul3A_112] : memref<10000xi32, #tpu.memory_space<vmem>> -> memref<104xi32, #tpu.memory_space<vmem>>
      %dma_wait3A_135 = arith.constant 0 : i32
      %dma_wait3A_136 = arith.constant 0 : i32
      %dma_wait3A_137 = tpu.memref_slice %arg2[%dma_wait3A_135, %dma_wait3A_136] : memref<10000x128xf32, #tpu.memory_space<hbm>> -> memref<10000x128xf32, #tpu.memory_space<hbm>>
      tpu.wait_indirect_dma semaphore(%arg27 : memref<!tpu.dma_semaphore, #tpu.memory_space<semaphore_mem>>) src(%dma_wait3A_137 : memref<10000x128xf32, #tpu.memory_space<hbm>>) dst(%arg9 : memref<104x128xf32, #tpu.memory_space<vmem>>)
      %dma_wait3A_138 = tpu.memref_slice %arg4[%add3A_62] : memref<320000xi32, #tpu.memory_space<hbm>> -> memref<104xi32, #tpu.memory_space<hbm>>
      %dma_wait3A_139 = tpu.memref_slice %arg4[%add3A_62] : memref<320000xi32, #tpu.memory_space<hbm>> -> memref<104xi32, #tpu.memory_space<hbm>>
      tpu.wait_dma2 semaphore(%arg21 : memref<!tpu.dma_semaphore, #tpu.memory_space<semaphore_mem>>) src(%dma_wait3A_139 : memref<104xi32, #tpu.memory_space<hbm>>) dst(%arg12 : memref<104xi32, #tpu.memory_space<vmem>>)
      %dma_start3A_140 = arith.constant 0 : i32
      %dma_start3A_141 = arith.constant 0 : i32
      %dma_start3A_142 = tpu.memref_slice %arg18[%dma_start3A_140, %dma_start3A_141] : memref<10000x128xf32, #tpu.memory_space<vmem_shared>> -> memref<10000x128xf32, #tpu.memory_space<vmem_shared>>
      tpu.enqueue_indirect_dma source(%arg9 : memref<104x128xf32, #tpu.memory_space<vmem>>) target(%dma_start3A_142 : memref<10000x128xf32, #tpu.memory_space<vmem_shared>>) offsets(%arg12 : memref<104xi32, #tpu.memory_space<vmem>>) semaphore(%arg30 : memref<!tpu.dma_semaphore, #tpu.memory_space<semaphore_mem>>) {add = true}
      %dma_wait3A_143 = arith.constant 0 : i32
      %dma_wait3A_144 = arith.constant 0 : i32
      %dma_wait3A_145 = tpu.memref_slice %arg18[%dma_wait3A_143, %dma_wait3A_144] : memref<10000x128xf32, #tpu.memory_space<vmem_shared>> -> memref<10000x128xf32, #tpu.memory_space<vmem_shared>>
      tpu.wait_indirect_dma semaphore(%arg29 : memref<!tpu.dma_semaphore, #tpu.memory_space<semaphore_mem>>) src(%arg8 : memref<104x128xf32, #tpu.memory_space<vmem>>) dst(%dma_wait3A_145 : memref<10000x128xf32, #tpu.memory_space<vmem_shared>>)
      %add3A_146 = arith.constant 6 : i32
      %add3A_147 = arith.addi %mul3A_46, %add3A_146 : i32
      %mul3A_148 = arith.constant 10000 : i32
      %mul3A_149 = arith.muli %add3A, %mul3A_148 : i32
      %mul3A_150 = arith.constant 104 : i32
      %mul3A_151 = arith.muli %add3A_147, %mul3A_150 : i32
      %add3A_152 = arith.addi %mul3A_149, %mul3A_151 : i32
      %dma_start3A_153 = tpu.memref_slice %arg4[%add3A_152] : memref<320000xi32, #tpu.memory_space<hbm>> -> memref<104xi32, #tpu.memory_space<hbm>>
      %dma_start3A_154 = tpu.memref_slice %arg4[%add3A_152] : memref<320000xi32, #tpu.memory_space<hbm>> -> memref<104xi32, #tpu.memory_space<hbm>>
      tpu.enqueue_dma source(%dma_start3A_154 : memref<104xi32, #tpu.memory_space<hbm>>) target(%arg11 : memref<104xi32, #tpu.memory_space<vmem>>) target_semaphore(%arg20 : memref<!tpu.dma_semaphore, #tpu.memory_space<semaphore_mem>>)
      %add3A_155 = arith.constant 3 : i32
      %add3A_156 = arith.addi %mul3A_46, %add3A_155 : i32
      %mul3A_157 = arith.constant 104 : i32
      %mul3A_158 = arith.muli %add3A_156, %mul3A_157 : i32
      %dma_start3A_159 = tpu.memref_slice %arg7[%mul3A_158] : memref<10000xi32, #tpu.memory_space<vmem>> -> memref<104xi32, #tpu.memory_space<vmem>>
      %dma_start3A_160 = arith.constant 0 : i32
      %dma_start3A_161 = arith.constant 0 : i32
      %dma_start3A_162 = tpu.memref_slice %arg2[%dma_start3A_160, %dma_start3A_161] : memref<10000x128xf32, #tpu.memory_space<hbm>> -> memref<10000x128xf32, #tpu.memory_space<hbm>>
      tpu.enqueue_indirect_dma source(%dma_start3A_162 : memref<10000x128xf32, #tpu.memory_space<hbm>>) target(%arg8 : memref<104x128xf32, #tpu.memory_space<vmem>>) offsets(%dma_start3A_159 : memref<104xi32, #tpu.memory_space<vmem>>) semaphore(%arg26 : memref<!tpu.dma_semaphore, #tpu.memory_space<semaphore_mem>>)
      %dma_wait3A_163 = tpu.memref_slice %arg7[%mul3A_129] : memref<10000xi32, #tpu.memory_space<vmem>> -> memref<104xi32, #tpu.memory_space<vmem>>
      %dma_wait3A_164 = arith.constant 0 : i32
      %dma_wait3A_165 = arith.constant 0 : i32
      %dma_wait3A_166 = tpu.memref_slice %arg2[%dma_wait3A_164, %dma_wait3A_165] : memref<10000x128xf32, #tpu.memory_space<hbm>> -> memref<10000x128xf32, #tpu.memory_space<hbm>>
      tpu.wait_indirect_dma semaphore(%arg28 : memref<!tpu.dma_semaphore, #tpu.memory_space<semaphore_mem>>) src(%dma_wait3A_166 : memref<10000x128xf32, #tpu.memory_space<hbm>>) dst(%arg10 : memref<104x128xf32, #tpu.memory_space<vmem>>)
      %dma_wait3A_167 = tpu.memref_slice %arg4[%add3A_71] : memref<320000xi32, #tpu.memory_space<hbm>> -> memref<104xi32, #tpu.memory_space<hbm>>
      %dma_wait3A_168 = tpu.memref_slice %arg4[%add3A_71] : memref<320000xi32, #tpu.memory_space<hbm>> -> memref<104xi32, #tpu.memory_space<hbm>>
      tpu.wait_dma2 semaphore(%arg22 : memref<!tpu.dma_semaphore, #tpu.memory_space<semaphore_mem>>) src(%dma_wait3A_168 : memref<104xi32, #tpu.memory_space<hbm>>) dst(%arg13 : memref<104xi32, #tpu.memory_space<vmem>>)
      %dma_start3A_169 = arith.constant 0 : i32
      %dma_start3A_170 = arith.constant 0 : i32
      %dma_start3A_171 = tpu.memref_slice %arg18[%dma_start3A_169, %dma_start3A_170] : memref<10000x128xf32, #tpu.memory_space<vmem_shared>> -> memref<10000x128xf32, #tpu.memory_space<vmem_shared>>
      tpu.enqueue_indirect_dma source(%arg10 : memref<104x128xf32, #tpu.memory_space<vmem>>) target(%dma_start3A_171 : memref<10000x128xf32, #tpu.memory_space<vmem_shared>>) offsets(%arg13 : memref<104xi32, #tpu.memory_space<vmem>>) semaphore(%arg31 : memref<!tpu.dma_semaphore, #tpu.memory_space<semaphore_mem>>) {add = true}
      %dma_wait3A_172 = arith.constant 0 : i32
      %dma_wait3A_173 = arith.constant 0 : i32
      %dma_wait3A_174 = tpu.memref_slice %arg18[%dma_wait3A_172, %dma_wait3A_173] : memref<10000x128xf32, #tpu.memory_space<vmem_shared>> -> memref<10000x128xf32, #tpu.memory_space<vmem_shared>>
      tpu.wait_indirect_dma semaphore(%arg30 : memref<!tpu.dma_semaphore, #tpu.memory_space<semaphore_mem>>) src(%arg9 : memref<104x128xf32, #tpu.memory_space<vmem>>) dst(%dma_wait3A_174 : memref<10000x128xf32, #tpu.memory_space<vmem_shared>>)
      %add3A_175 = arith.constant 7 : i32
      %add3A_176 = arith.addi %mul3A_46, %add3A_175 : i32
      %mul3A_177 = arith.constant 10000 : i32
      %mul3A_178 = arith.muli %add3A, %mul3A_177 : i32
      %mul3A_179 = arith.constant 104 : i32
      %mul3A_180 = arith.muli %add3A_176, %mul3A_179 : i32
      %add3A_181 = arith.addi %mul3A_178, %mul3A_180 : i32
      %dma_start3A_182 = tpu.memref_slice %arg4[%add3A_181] : memref<320000xi32, #tpu.memory_space<hbm>> -> memref<104xi32, #tpu.memory_space<hbm>>
      %dma_start3A_183 = tpu.memref_slice %arg4[%add3A_181] : memref<320000xi32, #tpu.memory_space<hbm>> -> memref<104xi32, #tpu.memory_space<hbm>>
      tpu.enqueue_dma source(%dma_start3A_183 : memref<104xi32, #tpu.memory_space<hbm>>) target(%arg12 : memref<104xi32, #tpu.memory_space<vmem>>) target_semaphore(%arg21 : memref<!tpu.dma_semaphore, #tpu.memory_space<semaphore_mem>>)
      %add3A_184 = arith.constant 4 : i32
      %add3A_185 = arith.addi %mul3A_46, %add3A_184 : i32
      %mul3A_186 = arith.constant 104 : i32
      %mul3A_187 = arith.muli %add3A_185, %mul3A_186 : i32
      %dma_start3A_188 = tpu.memref_slice %arg7[%mul3A_187] : memref<10000xi32, #tpu.memory_space<vmem>> -> memref<104xi32, #tpu.memory_space<vmem>>
      %dma_start3A_189 = arith.constant 0 : i32
      %dma_start3A_190 = arith.constant 0 : i32
      %dma_start3A_191 = tpu.memref_slice %arg2[%dma_start3A_189, %dma_start3A_190] : memref<10000x128xf32, #tpu.memory_space<hbm>> -> memref<10000x128xf32, #tpu.memory_space<hbm>>
      tpu.enqueue_indirect_dma source(%dma_start3A_191 : memref<10000x128xf32, #tpu.memory_space<hbm>>) target(%arg9 : memref<104x128xf32, #tpu.memory_space<vmem>>) offsets(%dma_start3A_188 : memref<104xi32, #tpu.memory_space<vmem>>) semaphore(%arg27 : memref<!tpu.dma_semaphore, #tpu.memory_space<semaphore_mem>>)
      %dma_wait3A_192 = tpu.memref_slice %arg7[%mul3A_158] : memref<10000xi32, #tpu.memory_space<vmem>> -> memref<104xi32, #tpu.memory_space<vmem>>
      %dma_wait3A_193 = arith.constant 0 : i32
      %dma_wait3A_194 = arith.constant 0 : i32
      %dma_wait3A_195 = tpu.memref_slice %arg2[%dma_wait3A_193, %dma_wait3A_194] : memref<10000x128xf32, #tpu.memory_space<hbm>> -> memref<10000x128xf32, #tpu.memory_space<hbm>>
      tpu.wait_indirect_dma semaphore(%arg26 : memref<!tpu.dma_semaphore, #tpu.memory_space<semaphore_mem>>) src(%dma_wait3A_195 : memref<10000x128xf32, #tpu.memory_space<hbm>>) dst(%arg8 : memref<104x128xf32, #tpu.memory_space<vmem>>)
      %dma_wait3A_196 = tpu.memref_slice %arg4[%add3A_80] : memref<320000xi32, #tpu.memory_space<hbm>> -> memref<104xi32, #tpu.memory_space<hbm>>
      %dma_wait3A_197 = tpu.memref_slice %arg4[%add3A_80] : memref<320000xi32, #tpu.memory_space<hbm>> -> memref<104xi32, #tpu.memory_space<hbm>>
      tpu.wait_dma2 semaphore(%arg23 : memref<!tpu.dma_semaphore, #tpu.memory_space<semaphore_mem>>) src(%dma_wait3A_197 : memref<104xi32, #tpu.memory_space<hbm>>) dst(%arg14 : memref<104xi32, #tpu.memory_space<vmem>>)
      %dma_start3A_198 = arith.constant 0 : i32
      %dma_start3A_199 = arith.constant 0 : i32
      %dma_start3A_200 = tpu.memref_slice %arg18[%dma_start3A_198, %dma_start3A_199] : memref<10000x128xf32, #tpu.memory_space<vmem_shared>> -> memref<10000x128xf32, #tpu.memory_space<vmem_shared>>
      tpu.enqueue_indirect_dma source(%arg8 : memref<104x128xf32, #tpu.memory_space<vmem>>) target(%dma_start3A_200 : memref<10000x128xf32, #tpu.memory_space<vmem_shared>>) offsets(%arg14 : memref<104xi32, #tpu.memory_space<vmem>>) semaphore(%arg29 : memref<!tpu.dma_semaphore, #tpu.memory_space<semaphore_mem>>) {add = true}
      %dma_wait3A_201 = arith.constant 0 : i32
      %dma_wait3A_202 = arith.constant 0 : i32
      %dma_wait3A_203 = tpu.memref_slice %arg18[%dma_wait3A_201, %dma_wait3A_202] : memref<10000x128xf32, #tpu.memory_space<vmem_shared>> -> memref<10000x128xf32, #tpu.memory_space<vmem_shared>>
      tpu.wait_indirect_dma semaphore(%arg31 : memref<!tpu.dma_semaphore, #tpu.memory_space<semaphore_mem>>) src(%arg10 : memref<104x128xf32, #tpu.memory_space<vmem>>) dst(%dma_wait3A_203 : memref<10000x128xf32, #tpu.memory_space<vmem_shared>>)
      %add3A_204 = arith.constant 8 : i32
      %add3A_205 = arith.addi %mul3A_46, %add3A_204 : i32
      %mul3A_206 = arith.constant 10000 : i32
      %mul3A_207 = arith.muli %add3A, %mul3A_206 : i32
      %mul3A_208 = arith.constant 104 : i32
      %mul3A_209 = arith.muli %add3A_205, %mul3A_208 : i32
      %add3A_210 = arith.addi %mul3A_207, %mul3A_209 : i32
      %dma_start3A_211 = tpu.memref_slice %arg4[%add3A_210] : memref<320000xi32, #tpu.memory_space<hbm>> -> memref<104xi32, #tpu.memory_space<hbm>>
      %dma_start3A_212 = tpu.memref_slice %arg4[%add3A_210] : memref<320000xi32, #tpu.memory_space<hbm>> -> memref<104xi32, #tpu.memory_space<hbm>>
      tpu.enqueue_dma source(%dma_start3A_212 : memref<104xi32, #tpu.memory_space<hbm>>) target(%arg13 : memref<104xi32, #tpu.memory_space<vmem>>) target_semaphore(%arg22 : memref<!tpu.dma_semaphore, #tpu.memory_space<semaphore_mem>>)
      %add3A_213 = arith.constant 5 : i32
      %add3A_214 = arith.addi %mul3A_46, %add3A_213 : i32
      %mul3A_215 = arith.constant 104 : i32
      %mul3A_216 = arith.muli %add3A_214, %mul3A_215 : i32
      %dma_start3A_217 = tpu.memref_slice %arg7[%mul3A_216] : memref<10000xi32, #tpu.memory_space<vmem>> -> memref<104xi32, #tpu.memory_space<vmem>>
      %dma_start3A_218 = arith.constant 0 : i32
      %dma_start3A_219 = arith.constant 0 : i32
      %dma_start3A_220 = tpu.memref_slice %arg2[%dma_start3A_218, %dma_start3A_219] : memref<10000x128xf32, #tpu.memory_space<hbm>> -> memref<10000x128xf32, #tpu.memory_space<hbm>>
      tpu.enqueue_indirect_dma source(%dma_start3A_220 : memref<10000x128xf32, #tpu.memory_space<hbm>>) target(%arg10 : memref<104x128xf32, #tpu.memory_space<vmem>>) offsets(%dma_start3A_217 : memref<104xi32, #tpu.memory_space<vmem>>) semaphore(%arg28 : memref<!tpu.dma_semaphore, #tpu.memory_space<semaphore_mem>>)
      %dma_wait3A_221 = tpu.memref_slice %arg7[%mul3A_187] : memref<10000xi32, #tpu.memory_space<vmem>> -> memref<104xi32, #tpu.memory_space<vmem>>
      %dma_wait3A_222 = arith.constant 0 : i32
      %dma_wait3A_223 = arith.constant 0 : i32
      %dma_wait3A_224 = tpu.memref_slice %arg2[%dma_wait3A_222, %dma_wait3A_223] : memref<10000x128xf32, #tpu.memory_space<hbm>> -> memref<10000x128xf32, #tpu.memory_space<hbm>>
      tpu.wait_indirect_dma semaphore(%arg27 : memref<!tpu.dma_semaphore, #tpu.memory_space<semaphore_mem>>) src(%dma_wait3A_224 : memref<10000x128xf32, #tpu.memory_space<hbm>>) dst(%arg9 : memref<104x128xf32, #tpu.memory_space<vmem>>)
      %dma_wait3A_225 = tpu.memref_slice %arg4[%add3A_89] : memref<320000xi32, #tpu.memory_space<hbm>> -> memref<104xi32, #tpu.memory_space<hbm>>
      %dma_wait3A_226 = tpu.memref_slice %arg4[%add3A_89] : memref<320000xi32, #tpu.memory_space<hbm>> -> memref<104xi32, #tpu.memory_space<hbm>>
      tpu.wait_dma2 semaphore(%arg24 : memref<!tpu.dma_semaphore, #tpu.memory_space<semaphore_mem>>) src(%dma_wait3A_226 : memref<104xi32, #tpu.memory_space<hbm>>) dst(%arg15 : memref<104xi32, #tpu.memory_space<vmem>>)
      %dma_start3A_227 = arith.constant 0 : i32
      %dma_start3A_228 = arith.constant 0 : i32
      %dma_start3A_229 = tpu.memref_slice %arg18[%dma_start3A_227, %dma_start3A_228] : memref<10000x128xf32, #tpu.memory_space<vmem_shared>> -> memref<10000x128xf32, #tpu.memory_space<vmem_shared>>
      tpu.enqueue_indirect_dma source(%arg9 : memref<104x128xf32, #tpu.memory_space<vmem>>) target(%dma_start3A_229 : memref<10000x128xf32, #tpu.memory_space<vmem_shared>>) offsets(%arg15 : memref<104xi32, #tpu.memory_space<vmem>>) semaphore(%arg30 : memref<!tpu.dma_semaphore, #tpu.memory_space<semaphore_mem>>) {add = true}
      %dma_wait3A_230 = arith.constant 0 : i32
      %dma_wait3A_231 = arith.constant 0 : i32
      %dma_wait3A_232 = tpu.memref_slice %arg18[%dma_wait3A_230, %dma_wait3A_231] : memref<10000x128xf32, #tpu.memory_space<vmem_shared>> -> memref<10000x128xf32, #tpu.memory_space<vmem_shared>>
      tpu.wait_indirect_dma semaphore(%arg29 : memref<!tpu.dma_semaphore, #tpu.memory_space<semaphore_mem>>) src(%arg8 : memref<104x128xf32, #tpu.memory_space<vmem>>) dst(%dma_wait3A_232 : memref<10000x128xf32, #tpu.memory_space<vmem_shared>>)
      %add3A_233 = arith.constant 9 : i32
      %add3A_234 = arith.addi %mul3A_46, %add3A_233 : i32
      %mul3A_235 = arith.constant 10000 : i32
      %mul3A_236 = arith.muli %add3A, %mul3A_235 : i32
      %mul3A_237 = arith.constant 104 : i32
      %mul3A_238 = arith.muli %add3A_234, %mul3A_237 : i32
      %add3A_239 = arith.addi %mul3A_236, %mul3A_238 : i32
      %dma_start3A_240 = tpu.memref_slice %arg4[%add3A_239] : memref<320000xi32, #tpu.memory_space<hbm>> -> memref<104xi32, #tpu.memory_space<hbm>>
      %dma_start3A_241 = tpu.memref_slice %arg4[%add3A_239] : memref<320000xi32, #tpu.memory_space<hbm>> -> memref<104xi32, #tpu.memory_space<hbm>>
      tpu.enqueue_dma source(%dma_start3A_241 : memref<104xi32, #tpu.memory_space<hbm>>) target(%arg14 : memref<104xi32, #tpu.memory_space<vmem>>) target_semaphore(%arg23 : memref<!tpu.dma_semaphore, #tpu.memory_space<semaphore_mem>>)
      %add3A_242 = arith.constant 6 : i32
      %add3A_243 = arith.addi %mul3A_46, %add3A_242 : i32
      %mul3A_244 = arith.constant 104 : i32
      %mul3A_245 = arith.muli %add3A_243, %mul3A_244 : i32
      %dma_start3A_246 = tpu.memref_slice %arg7[%mul3A_245] : memref<10000xi32, #tpu.memory_space<vmem>> -> memref<104xi32, #tpu.memory_space<vmem>>
      %dma_start3A_247 = arith.constant 0 : i32
      %dma_start3A_248 = arith.constant 0 : i32
      %dma_start3A_249 = tpu.memref_slice %arg2[%dma_start3A_247, %dma_start3A_248] : memref<10000x128xf32, #tpu.memory_space<hbm>> -> memref<10000x128xf32, #tpu.memory_space<hbm>>
      tpu.enqueue_indirect_dma source(%dma_start3A_249 : memref<10000x128xf32, #tpu.memory_space<hbm>>) target(%arg8 : memref<104x128xf32, #tpu.memory_space<vmem>>) offsets(%dma_start3A_246 : memref<104xi32, #tpu.memory_space<vmem>>) semaphore(%arg26 : memref<!tpu.dma_semaphore, #tpu.memory_space<semaphore_mem>>)
      %dma_wait3A_250 = tpu.memref_slice %arg7[%mul3A_216] : memref<10000xi32, #tpu.memory_space<vmem>> -> memref<104xi32, #tpu.memory_space<vmem>>
      %dma_wait3A_251 = arith.constant 0 : i32
      %dma_wait3A_252 = arith.constant 0 : i32
      %dma_wait3A_253 = tpu.memref_slice %arg2[%dma_wait3A_251, %dma_wait3A_252] : memref<10000x128xf32, #tpu.memory_space<hbm>> -> memref<10000x128xf32, #tpu.memory_space<hbm>>
      tpu.wait_indirect_dma semaphore(%arg28 : memref<!tpu.dma_semaphore, #tpu.memory_space<semaphore_mem>>) src(%dma_wait3A_253 : memref<10000x128xf32, #tpu.memory_space<hbm>>) dst(%arg10 : memref<104x128xf32, #tpu.memory_space<vmem>>)
      %dma_wait3A_254 = tpu.memref_slice %arg4[%add3A_98] : memref<320000xi32, #tpu.memory_space<hbm>> -> memref<104xi32, #tpu.memory_space<hbm>>
      %dma_wait3A_255 = tpu.memref_slice %arg4[%add3A_98] : memref<320000xi32, #tpu.memory_space<hbm>> -> memref<104xi32, #tpu.memory_space<hbm>>
      tpu.wait_dma2 semaphore(%arg25 : memref<!tpu.dma_semaphore, #tpu.memory_space<semaphore_mem>>) src(%dma_wait3A_255 : memref<104xi32, #tpu.memory_space<hbm>>) dst(%arg16 : memref<104xi32, #tpu.memory_space<vmem>>)
      %dma_start3A_256 = arith.constant 0 : i32
      %dma_start3A_257 = arith.constant 0 : i32
      %dma_start3A_258 = tpu.memref_slice %arg18[%dma_start3A_256, %dma_start3A_257] : memref<10000x128xf32, #tpu.memory_space<vmem_shared>> -> memref<10000x128xf32, #tpu.memory_space<vmem_shared>>
      tpu.enqueue_indirect_dma source(%arg10 : memref<104x128xf32, #tpu.memory_space<vmem>>) target(%dma_start3A_258 : memref<10000x128xf32, #tpu.memory_space<vmem_shared>>) offsets(%arg16 : memref<104xi32, #tpu.memory_space<vmem>>) semaphore(%arg31 : memref<!tpu.dma_semaphore, #tpu.memory_space<semaphore_mem>>) {add = true}
      %dma_wait3A_259 = arith.constant 0 : i32
      %dma_wait3A_260 = arith.constant 0 : i32
      %dma_wait3A_261 = tpu.memref_slice %arg18[%dma_wait3A_259, %dma_wait3A_260] : memref<10000x128xf32, #tpu.memory_space<vmem_shared>> -> memref<10000x128xf32, #tpu.memory_space<vmem_shared>>
      tpu.wait_indirect_dma semaphore(%arg30 : memref<!tpu.dma_semaphore, #tpu.memory_space<semaphore_mem>>) src(%arg9 : memref<104x128xf32, #tpu.memory_space<vmem>>) dst(%dma_wait3A_261 : memref<10000x128xf32, #tpu.memory_space<vmem_shared>>)
      %add3A_262 = arith.constant 10 : i32
      %add3A_263 = arith.addi %mul3A_46, %add3A_262 : i32
      %mul3A_264 = arith.constant 10000 : i32
      %mul3A_265 = arith.muli %add3A, %mul3A_264 : i32
      %mul3A_266 = arith.constant 104 : i32
      %mul3A_267 = arith.muli %add3A_263, %mul3A_266 : i32
      %add3A_268 = arith.addi %mul3A_265, %mul3A_267 : i32
      %dma_start3A_269 = tpu.memref_slice %arg4[%add3A_268] : memref<320000xi32, #tpu.memory_space<hbm>> -> memref<104xi32, #tpu.memory_space<hbm>>
      %dma_start3A_270 = tpu.memref_slice %arg4[%add3A_268] : memref<320000xi32, #tpu.memory_space<hbm>> -> memref<104xi32, #tpu.memory_space<hbm>>
      tpu.enqueue_dma source(%dma_start3A_270 : memref<104xi32, #tpu.memory_space<hbm>>) target(%arg15 : memref<104xi32, #tpu.memory_space<vmem>>) target_semaphore(%arg24 : memref<!tpu.dma_semaphore, #tpu.memory_space<semaphore_mem>>)
      %add3A_271 = arith.constant 7 : i32
      %add3A_272 = arith.addi %mul3A_46, %add3A_271 : i32
      %mul3A_273 = arith.constant 104 : i32
      %mul3A_274 = arith.muli %add3A_272, %mul3A_273 : i32
      %dma_start3A_275 = tpu.memref_slice %arg7[%mul3A_274] : memref<10000xi32, #tpu.memory_space<vmem>> -> memref<104xi32, #tpu.memory_space<vmem>>
      %dma_start3A_276 = arith.constant 0 : i32
      %dma_start3A_277 = arith.constant 0 : i32
      %dma_start3A_278 = tpu.memref_slice %arg2[%dma_start3A_276, %dma_start3A_277] : memref<10000x128xf32, #tpu.memory_space<hbm>> -> memref<10000x128xf32, #tpu.memory_space<hbm>>
      tpu.enqueue_indirect_dma source(%dma_start3A_278 : memref<10000x128xf32, #tpu.memory_space<hbm>>) target(%arg9 : memref<104x128xf32, #tpu.memory_space<vmem>>) offsets(%dma_start3A_275 : memref<104xi32, #tpu.memory_space<vmem>>) semaphore(%arg27 : memref<!tpu.dma_semaphore, #tpu.memory_space<semaphore_mem>>)
      %dma_wait3A_279 = tpu.memref_slice %arg7[%mul3A_245] : memref<10000xi32, #tpu.memory_space<vmem>> -> memref<104xi32, #tpu.memory_space<vmem>>
      %dma_wait3A_280 = arith.constant 0 : i32
      %dma_wait3A_281 = arith.constant 0 : i32
      %dma_wait3A_282 = tpu.memref_slice %arg2[%dma_wait3A_280, %dma_wait3A_281] : memref<10000x128xf32, #tpu.memory_space<hbm>> -> memref<10000x128xf32, #tpu.memory_space<hbm>>
      tpu.wait_indirect_dma semaphore(%arg26 : memref<!tpu.dma_semaphore, #tpu.memory_space<semaphore_mem>>) src(%dma_wait3A_282 : memref<10000x128xf32, #tpu.memory_space<hbm>>) dst(%arg8 : memref<104x128xf32, #tpu.memory_space<vmem>>)
      %dma_wait3A_283 = tpu.memref_slice %arg4[%add3A_152] : memref<320000xi32, #tpu.memory_space<hbm>> -> memref<104xi32, #tpu.memory_space<hbm>>
      %dma_wait3A_284 = tpu.memref_slice %arg4[%add3A_152] : memref<320000xi32, #tpu.memory_space<hbm>> -> memref<104xi32, #tpu.memory_space<hbm>>
      tpu.wait_dma2 semaphore(%arg20 : memref<!tpu.dma_semaphore, #tpu.memory_space<semaphore_mem>>) src(%dma_wait3A_284 : memref<104xi32, #tpu.memory_space<hbm>>) dst(%arg11 : memref<104xi32, #tpu.memory_space<vmem>>)
      %dma_start3A_285 = arith.constant 0 : i32
      %dma_start3A_286 = arith.constant 0 : i32
      %dma_start3A_287 = tpu.memref_slice %arg18[%dma_start3A_285, %dma_start3A_286] : memref<10000x128xf32, #tpu.memory_space<vmem_shared>> -> memref<10000x128xf32, #tpu.memory_space<vmem_shared>>
      tpu.enqueue_indirect_dma source(%arg8 : memref<104x128xf32, #tpu.memory_space<vmem>>) target(%dma_start3A_287 : memref<10000x128xf32, #tpu.memory_space<vmem_shared>>) offsets(%arg11 : memref<104xi32, #tpu.memory_space<vmem>>) semaphore(%arg29 : memref<!tpu.dma_semaphore, #tpu.memory_space<semaphore_mem>>) {add = true}
      %dma_wait3A_288 = arith.constant 0 : i32
      %dma_wait3A_289 = arith.constant 0 : i32
      %dma_wait3A_290 = tpu.memref_slice %arg18[%dma_wait3A_288, %dma_wait3A_289] : memref<10000x128xf32, #tpu.memory_space<vmem_shared>> -> memref<10000x128xf32, #tpu.memory_space<vmem_shared>>
      tpu.wait_indirect_dma semaphore(%arg31 : memref<!tpu.dma_semaphore, #tpu.memory_space<semaphore_mem>>) src(%arg10 : memref<104x128xf32, #tpu.memory_space<vmem>>) dst(%dma_wait3A_290 : memref<10000x128xf32, #tpu.memory_space<vmem_shared>>)
      %add3A_291 = arith.constant 11 : i32
      %add3A_292 = arith.addi %mul3A_46, %add3A_291 : i32
      %mul3A_293 = arith.constant 10000 : i32
      %mul3A_294 = arith.muli %add3A, %mul3A_293 : i32
      %mul3A_295 = arith.constant 104 : i32
      %mul3A_296 = arith.muli %add3A_292, %mul3A_295 : i32
      %add3A_297 = arith.addi %mul3A_294, %mul3A_296 : i32
      %dma_start3A_298 = tpu.memref_slice %arg4[%add3A_297] : memref<320000xi32, #tpu.memory_space<hbm>> -> memref<104xi32, #tpu.memory_space<hbm>>
      %dma_start3A_299 = tpu.memref_slice %arg4[%add3A_297] : memref<320000xi32, #tpu.memory_space<hbm>> -> memref<104xi32, #tpu.memory_space<hbm>>
      tpu.enqueue_dma source(%dma_start3A_299 : memref<104xi32, #tpu.memory_space<hbm>>) target(%arg16 : memref<104xi32, #tpu.memory_space<vmem>>) target_semaphore(%arg25 : memref<!tpu.dma_semaphore, #tpu.memory_space<semaphore_mem>>)
      %add3A_300 = arith.constant 8 : i32
      %add3A_301 = arith.addi %mul3A_46, %add3A_300 : i32
      %mul3A_302 = arith.constant 104 : i32
      %mul3A_303 = arith.muli %add3A_301, %mul3A_302 : i32
      %dma_start3A_304 = tpu.memref_slice %arg7[%mul3A_303] : memref<10000xi32, #tpu.memory_space<vmem>> -> memref<104xi32, #tpu.memory_space<vmem>>
      %dma_start3A_305 = arith.constant 0 : i32
      %dma_start3A_306 = arith.constant 0 : i32
      %dma_start3A_307 = tpu.memref_slice %arg2[%dma_start3A_305, %dma_start3A_306] : memref<10000x128xf32, #tpu.memory_space<hbm>> -> memref<10000x128xf32, #tpu.memory_space<hbm>>
      tpu.enqueue_indirect_dma source(%dma_start3A_307 : memref<10000x128xf32, #tpu.memory_space<hbm>>) target(%arg10 : memref<104x128xf32, #tpu.memory_space<vmem>>) offsets(%dma_start3A_304 : memref<104xi32, #tpu.memory_space<vmem>>) semaphore(%arg28 : memref<!tpu.dma_semaphore, #tpu.memory_space<semaphore_mem>>)
      %dma_wait3A_308 = tpu.memref_slice %arg7[%mul3A_274] : memref<10000xi32, #tpu.memory_space<vmem>> -> memref<104xi32, #tpu.memory_space<vmem>>
      %dma_wait3A_309 = arith.constant 0 : i32
      %dma_wait3A_310 = arith.constant 0 : i32
      %dma_wait3A_311 = tpu.memref_slice %arg2[%dma_wait3A_309, %dma_wait3A_310] : memref<10000x128xf32, #tpu.memory_space<hbm>> -> memref<10000x128xf32, #tpu.memory_space<hbm>>
      tpu.wait_indirect_dma semaphore(%arg27 : memref<!tpu.dma_semaphore, #tpu.memory_space<semaphore_mem>>) src(%dma_wait3A_311 : memref<10000x128xf32, #tpu.memory_space<hbm>>) dst(%arg9 : memref<104x128xf32, #tpu.memory_space<vmem>>)
      %dma_wait3A_312 = tpu.memref_slice %arg4[%add3A_181] : memref<320000xi32, #tpu.memory_space<hbm>> -> memref<104xi32, #tpu.memory_space<hbm>>
      %dma_wait3A_313 = tpu.memref_slice %arg4[%add3A_181] : memref<320000xi32, #tpu.memory_space<hbm>> -> memref<104xi32, #tpu.memory_space<hbm>>
      tpu.wait_dma2 semaphore(%arg21 : memref<!tpu.dma_semaphore, #tpu.memory_space<semaphore_mem>>) src(%dma_wait3A_313 : memref<104xi32, #tpu.memory_space<hbm>>) dst(%arg12 : memref<104xi32, #tpu.memory_space<vmem>>)
      %dma_start3A_314 = arith.constant 0 : i32
      %dma_start3A_315 = arith.constant 0 : i32
      %dma_start3A_316 = tpu.memref_slice %arg18[%dma_start3A_314, %dma_start3A_315] : memref<10000x128xf32, #tpu.memory_space<vmem_shared>> -> memref<10000x128xf32, #tpu.memory_space<vmem_shared>>
      tpu.enqueue_indirect_dma source(%arg9 : memref<104x128xf32, #tpu.memory_space<vmem>>) target(%dma_start3A_316 : memref<10000x128xf32, #tpu.memory_space<vmem_shared>>) offsets(%arg12 : memref<104xi32, #tpu.memory_space<vmem>>) semaphore(%arg30 : memref<!tpu.dma_semaphore, #tpu.memory_space<semaphore_mem>>) {add = true}
      %dma_wait3A_317 = arith.constant 0 : i32
      %dma_wait3A_318 = arith.constant 0 : i32
      %dma_wait3A_319 = tpu.memref_slice %arg18[%dma_wait3A_317, %dma_wait3A_318] : memref<10000x128xf32, #tpu.memory_space<vmem_shared>> -> memref<10000x128xf32, #tpu.memory_space<vmem_shared>>
      tpu.wait_indirect_dma semaphore(%arg29 : memref<!tpu.dma_semaphore, #tpu.memory_space<semaphore_mem>>) src(%arg8 : memref<104x128xf32, #tpu.memory_space<vmem>>) dst(%dma_wait3A_319 : memref<10000x128xf32, #tpu.memory_space<vmem_shared>>)
      %add3A_320 = arith.constant 9 : i32
      %add3A_321 = arith.addi %mul3A_46, %add3A_320 : i32
      %mul3A_322 = arith.constant 104 : i32
      %mul3A_323 = arith.muli %add3A_321, %mul3A_322 : i32
      %dma_start3A_324 = tpu.memref_slice %arg7[%mul3A_323] : memref<10000xi32, #tpu.memory_space<vmem>> -> memref<104xi32, #tpu.memory_space<vmem>>
      %dma_start3A_325 = arith.constant 0 : i32
      %dma_start3A_326 = arith.constant 0 : i32
      %dma_start3A_327 = tpu.memref_slice %arg2[%dma_start3A_325, %dma_start3A_326] : memref<10000x128xf32, #tpu.memory_space<hbm>> -> memref<10000x128xf32, #tpu.memory_space<hbm>>
      tpu.enqueue_indirect_dma source(%dma_start3A_327 : memref<10000x128xf32, #tpu.memory_space<hbm>>) target(%arg8 : memref<104x128xf32, #tpu.memory_space<vmem>>) offsets(%dma_start3A_324 : memref<104xi32, #tpu.memory_space<vmem>>) semaphore(%arg26 : memref<!tpu.dma_semaphore, #tpu.memory_space<semaphore_mem>>)
      %dma_wait3A_328 = tpu.memref_slice %arg7[%mul3A_303] : memref<10000xi32, #tpu.memory_space<vmem>> -> memref<104xi32, #tpu.memory_space<vmem>>
      %dma_wait3A_329 = arith.constant 0 : i32
      %dma_wait3A_330 = arith.constant 0 : i32
      %dma_wait3A_331 = tpu.memref_slice %arg2[%dma_wait3A_329, %dma_wait3A_330] : memref<10000x128xf32, #tpu.memory_space<hbm>> -> memref<10000x128xf32, #tpu.memory_space<hbm>>
      tpu.wait_indirect_dma semaphore(%arg28 : memref<!tpu.dma_semaphore, #tpu.memory_space<semaphore_mem>>) src(%dma_wait3A_331 : memref<10000x128xf32, #tpu.memory_space<hbm>>) dst(%arg10 : memref<104x128xf32, #tpu.memory_space<vmem>>)
      %dma_wait3A_332 = tpu.memref_slice %arg4[%add3A_210] : memref<320000xi32, #tpu.memory_space<hbm>> -> memref<104xi32, #tpu.memory_space<hbm>>
      %dma_wait3A_333 = tpu.memref_slice %arg4[%add3A_210] : memref<320000xi32, #tpu.memory_space<hbm>> -> memref<104xi32, #tpu.memory_space<hbm>>
      tpu.wait_dma2 semaphore(%arg22 : memref<!tpu.dma_semaphore, #tpu.memory_space<semaphore_mem>>) src(%dma_wait3A_333 : memref<104xi32, #tpu.memory_space<hbm>>) dst(%arg13 : memref<104xi32, #tpu.memory_space<vmem>>)
      %dma_start3A_334 = arith.constant 0 : i32
      %dma_start3A_335 = arith.constant 0 : i32
      %dma_start3A_336 = tpu.memref_slice %arg18[%dma_start3A_334, %dma_start3A_335] : memref<10000x128xf32, #tpu.memory_space<vmem_shared>> -> memref<10000x128xf32, #tpu.memory_space<vmem_shared>>
      tpu.enqueue_indirect_dma source(%arg10 : memref<104x128xf32, #tpu.memory_space<vmem>>) target(%dma_start3A_336 : memref<10000x128xf32, #tpu.memory_space<vmem_shared>>) offsets(%arg13 : memref<104xi32, #tpu.memory_space<vmem>>) semaphore(%arg31 : memref<!tpu.dma_semaphore, #tpu.memory_space<semaphore_mem>>) {add = true}
      %dma_wait3A_337 = arith.constant 0 : i32
      %dma_wait3A_338 = arith.constant 0 : i32
      %dma_wait3A_339 = tpu.memref_slice %arg18[%dma_wait3A_337, %dma_wait3A_338] : memref<10000x128xf32, #tpu.memory_space<vmem_shared>> -> memref<10000x128xf32, #tpu.memory_space<vmem_shared>>
      tpu.wait_indirect_dma semaphore(%arg30 : memref<!tpu.dma_semaphore, #tpu.memory_space<semaphore_mem>>) src(%arg9 : memref<104x128xf32, #tpu.memory_space<vmem>>) dst(%dma_wait3A_339 : memref<10000x128xf32, #tpu.memory_space<vmem_shared>>)
      %add3A_340 = arith.constant 10 : i32
      %add3A_341 = arith.addi %mul3A_46, %add3A_340 : i32
      %mul3A_342 = arith.constant 104 : i32
      %mul3A_343 = arith.muli %add3A_341, %mul3A_342 : i32
      %dma_start3A_344 = tpu.memref_slice %arg7[%mul3A_343] : memref<10000xi32, #tpu.memory_space<vmem>> -> memref<104xi32, #tpu.memory_space<vmem>>
      %dma_start3A_345 = arith.constant 0 : i32
      %dma_start3A_346 = arith.constant 0 : i32
      %dma_start3A_347 = tpu.memref_slice %arg2[%dma_start3A_345, %dma_start3A_346] : memref<10000x128xf32, #tpu.memory_space<hbm>> -> memref<10000x128xf32, #tpu.memory_space<hbm>>
      tpu.enqueue_indirect_dma source(%dma_start3A_347 : memref<10000x128xf32, #tpu.memory_space<hbm>>) target(%arg9 : memref<104x128xf32, #tpu.memory_space<vmem>>) offsets(%dma_start3A_344 : memref<104xi32, #tpu.memory_space<vmem>>) semaphore(%arg27 : memref<!tpu.dma_semaphore, #tpu.memory_space<semaphore_mem>>)
      %dma_wait3A_348 = tpu.memref_slice %arg7[%mul3A_323] : memref<10000xi32, #tpu.memory_space<vmem>> -> memref<104xi32, #tpu.memory_space<vmem>>
      %dma_wait3A_349 = arith.constant 0 : i32
      %dma_wait3A_350 = arith.constant 0 : i32
      %dma_wait3A_351 = tpu.memref_slice %arg2[%dma_wait3A_349, %dma_wait3A_350] : memref<10000x128xf32, #tpu.memory_space<hbm>> -> memref<10000x128xf32, #tpu.memory_space<hbm>>
      tpu.wait_indirect_dma semaphore(%arg26 : memref<!tpu.dma_semaphore, #tpu.memory_space<semaphore_mem>>) src(%dma_wait3A_351 : memref<10000x128xf32, #tpu.memory_space<hbm>>) dst(%arg8 : memref<104x128xf32, #tpu.memory_space<vmem>>)
      %dma_wait3A_352 = tpu.memref_slice %arg4[%add3A_239] : memref<320000xi32, #tpu.memory_space<hbm>> -> memref<104xi32, #tpu.memory_space<hbm>>
      %dma_wait3A_353 = tpu.memref_slice %arg4[%add3A_239] : memref<320000xi32, #tpu.memory_space<hbm>> -> memref<104xi32, #tpu.memory_space<hbm>>
      tpu.wait_dma2 semaphore(%arg23 : memref<!tpu.dma_semaphore, #tpu.memory_space<semaphore_mem>>) src(%dma_wait3A_353 : memref<104xi32, #tpu.memory_space<hbm>>) dst(%arg14 : memref<104xi32, #tpu.memory_space<vmem>>)
      %dma_start3A_354 = arith.constant 0 : i32
      %dma_start3A_355 = arith.constant 0 : i32
      %dma_start3A_356 = tpu.memref_slice %arg18[%dma_start3A_354, %dma_start3A_355] : memref<10000x128xf32, #tpu.memory_space<vmem_shared>> -> memref<10000x128xf32, #tpu.memory_space<vmem_shared>>
      tpu.enqueue_indirect_dma source(%arg8 : memref<104x128xf32, #tpu.memory_space<vmem>>) target(%dma_start3A_356 : memref<10000x128xf32, #tpu.memory_space<vmem_shared>>) offsets(%arg14 : memref<104xi32, #tpu.memory_space<vmem>>) semaphore(%arg29 : memref<!tpu.dma_semaphore, #tpu.memory_space<semaphore_mem>>) {add = true}
      %dma_wait3A_357 = arith.constant 0 : i32
      %dma_wait3A_358 = arith.constant 0 : i32
      %dma_wait3A_359 = tpu.memref_slice %arg18[%dma_wait3A_357, %dma_wait3A_358] : memref<10000x128xf32, #tpu.memory_space<vmem_shared>> -> memref<10000x128xf32, #tpu.memory_space<vmem_shared>>
      tpu.wait_indirect_dma semaphore(%arg31 : memref<!tpu.dma_semaphore, #tpu.memory_space<semaphore_mem>>) src(%arg10 : memref<104x128xf32, #tpu.memory_space<vmem>>) dst(%dma_wait3A_359 : memref<10000x128xf32, #tpu.memory_space<vmem_shared>>)
      %add3A_360 = arith.constant 11 : i32
      %add3A_361 = arith.addi %mul3A_46, %add3A_360 : i32
      %mul3A_362 = arith.constant 104 : i32
      %mul3A_363 = arith.muli %add3A_361, %mul3A_362 : i32
      %dma_start3A_364 = tpu.memref_slice %arg7[%mul3A_363] : memref<10000xi32, #tpu.memory_space<vmem>> -> memref<104xi32, #tpu.memory_space<vmem>>
      %dma_start3A_365 = arith.constant 0 : i32
      %dma_start3A_366 = arith.constant 0 : i32
      %dma_start3A_367 = tpu.memref_slice %arg2[%dma_start3A_365, %dma_start3A_366] : memref<10000x128xf32, #tpu.memory_space<hbm>> -> memref<10000x128xf32, #tpu.memory_space<hbm>>
      tpu.enqueue_indirect_dma source(%dma_start3A_367 : memref<10000x128xf32, #tpu.memory_space<hbm>>) target(%arg10 : memref<104x128xf32, #tpu.memory_space<vmem>>) offsets(%dma_start3A_364 : memref<104xi32, #tpu.memory_space<vmem>>) semaphore(%arg28 : memref<!tpu.dma_semaphore, #tpu.memory_space<semaphore_mem>>)
      %dma_wait3A_368 = tpu.memref_slice %arg7[%mul3A_343] : memref<10000xi32, #tpu.memory_space<vmem>> -> memref<104xi32, #tpu.memory_space<vmem>>
      %dma_wait3A_369 = arith.constant 0 : i32
      %dma_wait3A_370 = arith.constant 0 : i32
      %dma_wait3A_371 = tpu.memref_slice %arg2[%dma_wait3A_369, %dma_wait3A_370] : memref<10000x128xf32, #tpu.memory_space<hbm>> -> memref<10000x128xf32, #tpu.memory_space<hbm>>
      tpu.wait_indirect_dma semaphore(%arg27 : memref<!tpu.dma_semaphore, #tpu.memory_space<semaphore_mem>>) src(%dma_wait3A_371 : memref<10000x128xf32, #tpu.memory_space<hbm>>) dst(%arg9 : memref<104x128xf32, #tpu.memory_space<vmem>>)
      %dma_wait3A_372 = tpu.memref_slice %arg4[%add3A_268] : memref<320000xi32, #tpu.memory_space<hbm>> -> memref<104xi32, #tpu.memory_space<hbm>>
      %dma_wait3A_373 = tpu.memref_slice %arg4[%add3A_268] : memref<320000xi32, #tpu.memory_space<hbm>> -> memref<104xi32, #tpu.memory_space<hbm>>
      tpu.wait_dma2 semaphore(%arg24 : memref<!tpu.dma_semaphore, #tpu.memory_space<semaphore_mem>>) src(%dma_wait3A_373 : memref<104xi32, #tpu.memory_space<hbm>>) dst(%arg15 : memref<104xi32, #tpu.memory_space<vmem>>)
      %dma_start3A_374 = arith.constant 0 : i32
      %dma_start3A_375 = arith.constant 0 : i32
      %dma_start3A_376 = tpu.memref_slice %arg18[%dma_start3A_374, %dma_start3A_375] : memref<10000x128xf32, #tpu.memory_space<vmem_shared>> -> memref<10000x128xf32, #tpu.memory_space<vmem_shared>>
      tpu.enqueue_indirect_dma source(%arg9 : memref<104x128xf32, #tpu.memory_space<vmem>>) target(%dma_start3A_376 : memref<10000x128xf32, #tpu.memory_space<vmem_shared>>) offsets(%arg15 : memref<104xi32, #tpu.memory_space<vmem>>) semaphore(%arg30 : memref<!tpu.dma_semaphore, #tpu.memory_space<semaphore_mem>>) {add = true}
      %dma_wait3A_377 = tpu.memref_slice %arg7[%mul3A_363] : memref<10000xi32, #tpu.memory_space<vmem>> -> memref<104xi32, #tpu.memory_space<vmem>>
      %dma_wait3A_378 = arith.constant 0 : i32
      %dma_wait3A_379 = arith.constant 0 : i32
      %dma_wait3A_380 = tpu.memref_slice %arg2[%dma_wait3A_378, %dma_wait3A_379] : memref<10000x128xf32, #tpu.memory_space<hbm>> -> memref<10000x128xf32, #tpu.memory_space<hbm>>
      tpu.wait_indirect_dma semaphore(%arg28 : memref<!tpu.dma_semaphore, #tpu.memory_space<semaphore_mem>>) src(%dma_wait3A_380 : memref<10000x128xf32, #tpu.memory_space<hbm>>) dst(%arg10 : memref<104x128xf32, #tpu.memory_space<vmem>>)
      %dma_wait3A_381 = tpu.memref_slice %arg4[%add3A_297] : memref<320000xi32, #tpu.memory_space<hbm>> -> memref<104xi32, #tpu.memory_space<hbm>>
      %dma_wait3A_382 = tpu.memref_slice %arg4[%add3A_297] : memref<320000xi32, #tpu.memory_space<hbm>> -> memref<104xi32, #tpu.memory_space<hbm>>
      tpu.wait_dma2 semaphore(%arg25 : memref<!tpu.dma_semaphore, #tpu.memory_space<semaphore_mem>>) src(%dma_wait3A_382 : memref<104xi32, #tpu.memory_space<hbm>>) dst(%arg16 : memref<104xi32, #tpu.memory_space<vmem>>)
      %dma_start3A_383 = arith.constant 0 : i32
      %dma_start3A_384 = arith.constant 0 : i32
      %dma_start3A_385 = tpu.memref_slice %arg18[%dma_start3A_383, %dma_start3A_384] : memref<10000x128xf32, #tpu.memory_space<vmem_shared>> -> memref<10000x128xf32, #tpu.memory_space<vmem_shared>>
      tpu.enqueue_indirect_dma source(%arg10 : memref<104x128xf32, #tpu.memory_space<vmem>>) target(%dma_start3A_385 : memref<10000x128xf32, #tpu.memory_space<vmem_shared>>) offsets(%arg16 : memref<104xi32, #tpu.memory_space<vmem>>) semaphore(%arg31 : memref<!tpu.dma_semaphore, #tpu.memory_space<semaphore_mem>>) {add = true}
      %dma_wait3A_386 = arith.constant 0 : i32
      %dma_wait3A_387 = arith.constant 0 : i32
      %dma_wait3A_388 = tpu.memref_slice %arg18[%dma_wait3A_386, %dma_wait3A_387] : memref<10000x128xf32, #tpu.memory_space<vmem_shared>> -> memref<10000x128xf32, #tpu.memory_space<vmem_shared>>
      tpu.wait_indirect_dma semaphore(%arg29 : memref<!tpu.dma_semaphore, #tpu.memory_space<semaphore_mem>>) src(%arg8 : memref<104x128xf32, #tpu.memory_space<vmem>>) dst(%dma_wait3A_388 : memref<10000x128xf32, #tpu.memory_space<vmem_shared>>)
      %dma_wait3A_389 = arith.constant 0 : i32
      %dma_wait3A_390 = arith.constant 0 : i32
      %dma_wait3A_391 = tpu.memref_slice %arg18[%dma_wait3A_389, %dma_wait3A_390] : memref<10000x128xf32, #tpu.memory_space<vmem_shared>> -> memref<10000x128xf32, #tpu.memory_space<vmem_shared>>
      tpu.wait_indirect_dma semaphore(%arg30 : memref<!tpu.dma_semaphore, #tpu.memory_space<semaphore_mem>>) src(%arg9 : memref<104x128xf32, #tpu.memory_space<vmem>>) dst(%dma_wait3A_391 : memref<10000x128xf32, #tpu.memory_space<vmem_shared>>)
      %dma_wait3A_392 = arith.constant 0 : i32
      %dma_wait3A_393 = arith.constant 0 : i32
      %dma_wait3A_394 = tpu.memref_slice %arg18[%dma_wait3A_392, %dma_wait3A_393] : memref<10000x128xf32, #tpu.memory_space<vmem_shared>> -> memref<10000x128xf32, #tpu.memory_space<vmem_shared>>
      tpu.wait_indirect_dma semaphore(%arg31 : memref<!tpu.dma_semaphore, #tpu.memory_space<semaphore_mem>>) src(%arg10 : memref<104x128xf32, #tpu.memory_space<vmem>>) dst(%dma_wait3A_394 : memref<10000x128xf32, #tpu.memory_space<vmem_shared>>)
    }
    %scan3A_13 = arith.constant 8 : i32
    %mul3A_14 = arith.constant 10000 : i32
    %mul3A_15 = arith.muli %add3A, %mul3A_14 : i32
    %add3A_16 = arith.constant 9984 : i32
    %add3A_17 = arith.addi %mul3A_15, %add3A_16 : i32
    %dma_start3A_18 = tpu.memref_slice %arg4[%add3A_17] : memref<320000xi32, #tpu.memory_space<hbm>> -> memref<16xi32, #tpu.memory_space<hbm>>
    %dma_start3A_19 = tpu.memref_slice %arg4[%add3A_17] : memref<320000xi32, #tpu.memory_space<hbm>> -> memref<16xi32, #tpu.memory_space<hbm>>
    tpu.enqueue_dma source(%dma_start3A_19 : memref<16xi32, #tpu.memory_space<hbm>>) target(%arg17 : memref<16xi32, #tpu.memory_space<vmem>>) target_semaphore(%arg32 : memref<!tpu.dma_semaphore, #tpu.memory_space<semaphore_mem>>)
    %dma_start3A_20 = arith.constant 0 : i32
    %dma_start3A_21 = arith.constant 0 : i32
    %dma_start3A_22 = tpu.memref_slice %arg8[%dma_start3A_20, %dma_start3A_21] : memref<104x128xf32, #tpu.memory_space<vmem>> -> memref<16x128xf32, #tpu.memory_space<vmem>>
    %dma_start3A_23 = arith.constant 9984 : i32
    %dma_start3A_24 = tpu.memref_slice %arg7[%dma_start3A_23] : memref<10000xi32, #tpu.memory_space<vmem>> -> memref<16xi32, #tpu.memory_space<vmem>>
    %dma_start3A_25 = arith.constant 0 : i32
    %dma_start3A_26 = arith.constant 0 : i32
    %dma_start3A_27 = tpu.memref_slice %arg2[%dma_start3A_25, %dma_start3A_26] : memref<10000x128xf32, #tpu.memory_space<hbm>> -> memref<10000x128xf32, #tpu.memory_space<hbm>>
    tpu.enqueue_indirect_dma source(%dma_start3A_27 : memref<10000x128xf32, #tpu.memory_space<hbm>>) target(%dma_start3A_22 : memref<16x128xf32, #tpu.memory_space<vmem>>) offsets(%dma_start3A_24 : memref<16xi32, #tpu.memory_space<vmem>>) semaphore(%arg32 : memref<!tpu.dma_semaphore, #tpu.memory_space<semaphore_mem>>)
    %dma_wait3A_28 = tpu.memref_slice %arg4[%add3A_17] : memref<320000xi32, #tpu.memory_space<hbm>> -> memref<16xi32, #tpu.memory_space<hbm>>
    %dma_wait3A_29 = tpu.memref_slice %arg4[%add3A_17] : memref<320000xi32, #tpu.memory_space<hbm>> -> memref<16xi32, #tpu.memory_space<hbm>>
    tpu.wait_dma2 semaphore(%arg32 : memref<!tpu.dma_semaphore, #tpu.memory_space<semaphore_mem>>) src(%dma_wait3A_29 : memref<16xi32, #tpu.memory_space<hbm>>) dst(%arg17 : memref<16xi32, #tpu.memory_space<vmem>>)
    %dma_wait3A_30 = arith.constant 0 : i32
    %dma_wait3A_31 = arith.constant 0 : i32
    %dma_wait3A_32 = tpu.memref_slice %arg8[%dma_wait3A_30, %dma_wait3A_31] : memref<104x128xf32, #tpu.memory_space<vmem>> -> memref<16x128xf32, #tpu.memory_space<vmem>>
    %dma_wait3A_33 = arith.constant 9984 : i32
    %dma_wait3A_34 = tpu.memref_slice %arg7[%dma_wait3A_33] : memref<10000xi32, #tpu.memory_space<vmem>> -> memref<16xi32, #tpu.memory_space<vmem>>
    %dma_wait3A_35 = arith.constant 0 : i32
    %dma_wait3A_36 = arith.constant 0 : i32
    %dma_wait3A_37 = tpu.memref_slice %arg2[%dma_wait3A_35, %dma_wait3A_36] : memref<10000x128xf32, #tpu.memory_space<hbm>> -> memref<10000x128xf32, #tpu.memory_space<hbm>>
    tpu.wait_indirect_dma semaphore(%arg32 : memref<!tpu.dma_semaphore, #tpu.memory_space<semaphore_mem>>) src(%dma_wait3A_37 : memref<10000x128xf32, #tpu.memory_space<hbm>>) dst(%dma_wait3A_32 : memref<16x128xf32, #tpu.memory_space<vmem>>)
    "tpu.region"() ({
      %run_scoped3A = tpu.sem_alloc : memref<!tpu.dma_semaphore, #tpu.memory_space<semaphore_mem>>
      %dma_start3A_44 = arith.constant 0 : i32
      %dma_start3A_45 = arith.constant 0 : i32
      %dma_start3A_46 = tpu.memref_slice %arg8[%dma_start3A_44, %dma_start3A_45] : memref<104x128xf32, #tpu.memory_space<vmem>> -> memref<16x128xf32, #tpu.memory_space<vmem>>
      %dma_start3A_47 = arith.constant 0 : i32
      %dma_start3A_48 = arith.constant 0 : i32
      %dma_start3A_49 = tpu.memref_slice %arg18[%dma_start3A_47, %dma_start3A_48] : memref<10000x128xf32, #tpu.memory_space<vmem_shared>> -> memref<10000x128xf32, #tpu.memory_space<vmem_shared>>
      tpu.enqueue_indirect_dma source(%dma_start3A_46 : memref<16x128xf32, #tpu.memory_space<vmem>>) target(%dma_start3A_49 : memref<10000x128xf32, #tpu.memory_space<vmem_shared>>) offsets(%arg17 : memref<16xi32, #tpu.memory_space<vmem>>) semaphore(%run_scoped3A : memref<!tpu.dma_semaphore, #tpu.memory_space<semaphore_mem>>) {add = true}
      %dma_wait3A_50 = arith.constant 0 : i32
      %dma_wait3A_51 = arith.constant 0 : i32
      %dma_wait3A_52 = tpu.memref_slice %arg8[%dma_wait3A_50, %dma_wait3A_51] : memref<104x128xf32, #tpu.memory_space<vmem>> -> memref<16x128xf32, #tpu.memory_space<vmem>>
      %dma_wait3A_53 = arith.constant 0 : i32
      %dma_wait3A_54 = arith.constant 0 : i32
      %dma_wait3A_55 = tpu.memref_slice %arg18[%dma_wait3A_53, %dma_wait3A_54] : memref<10000x128xf32, #tpu.memory_space<vmem_shared>> -> memref<10000x128xf32, #tpu.memory_space<vmem_shared>>
      tpu.wait_indirect_dma semaphore(%run_scoped3A : memref<!tpu.dma_semaphore, #tpu.memory_space<semaphore_mem>>) src(%dma_wait3A_52 : memref<16x128xf32, #tpu.memory_space<vmem>>) dst(%dma_wait3A_55 : memref<10000x128xf32, #tpu.memory_space<vmem_shared>>)
      tpu.yield
    }) : () -> ()
    %barrier3A_38 = arith.constant 0 : index
    tpu.barrier barrier_id(%barrier3A_38)
    "tpu.region"() ({
      %run_scoped3A = tpu.sem_alloc : memref<!tpu.dma_semaphore, #tpu.memory_space<semaphore_mem>>
      %dma_start3A_44 = arith.constant 0 : i32
      %dma_start3A_45 = tpu.memref_slice %arg6[%arg0, %mul3A_5, %dma_start3A_44] : memref<2x10000x128xf32, #tpu.memory_space<hbm>> -> memref<1x624x128xf32, #tpu.memory_space<hbm>>
      %dma_start3A_46 = tpu.memref_squeeze %dma_start3A_45 : memref<1x624x128xf32, #tpu.memory_space<hbm>> -> memref<624x128xf32, #tpu.memory_space<hbm>>
      %dma_start3A_47 = arith.constant 0 : i32
      %dma_start3A_48 = tpu.memref_slice %arg18[%mul3A_5, %dma_start3A_47] : memref<10000x128xf32, #tpu.memory_space<vmem_shared>> -> memref<624x128xf32, #tpu.memory_space<vmem_shared>>
      tpu.enqueue_dma source(%dma_start3A_48 : memref<624x128xf32, #tpu.memory_space<vmem_shared>>) target(%dma_start3A_46 : memref<624x128xf32, #tpu.memory_space<hbm>>) target_semaphore(%run_scoped3A : memref<!tpu.dma_semaphore, #tpu.memory_space<semaphore_mem>>)
      %dma_wait3A_49 = arith.constant 0 : i32
      %dma_wait3A_50 = tpu.memref_slice %arg6[%arg0, %mul3A_5, %dma_wait3A_49] : memref<2x10000x128xf32, #tpu.memory_space<hbm>> -> memref<1x624x128xf32, #tpu.memory_space<hbm>>
      %dma_wait3A_51 = tpu.memref_squeeze %dma_wait3A_50 : memref<1x624x128xf32, #tpu.memory_space<hbm>> -> memref<624x128xf32, #tpu.memory_space<hbm>>
      %dma_wait3A_52 = arith.constant 0 : i32
      %dma_wait3A_53 = tpu.memref_slice %arg18[%mul3A_5, %dma_wait3A_52] : memref<10000x128xf32, #tpu.memory_space<vmem_shared>> -> memref<624x128xf32, #tpu.memory_space<vmem_shared>>
      tpu.wait_dma2 semaphore(%run_scoped3A : memref<!tpu.dma_semaphore, #tpu.memory_space<semaphore_mem>>) src(%dma_wait3A_53 : memref<624x128xf32, #tpu.memory_space<vmem_shared>>) dst(%dma_wait3A_51 : memref<624x128xf32, #tpu.memory_space<hbm>>)
      tpu.yield
    }) : () -> ()
    %eq3A_39 = arith.constant 15 : i32
    %eq3A_40 = arith.cmpi eq, %arg1, %eq3A_39 : i32
    %convert_element_type3A_41 = arith.extui %eq3A_40 : i1 to i32
    %cond3A_42 = arith.constant 0 : i32
    %cond3A_43 = arith.cmpi ne, %convert_element_type3A_41, %cond3A_42 : i32
    scf.if %cond3A_43 {
      "tpu.region"() ({
        %run_scoped3A = tpu.sem_alloc : memref<!tpu.dma_semaphore, #tpu.memory_space<semaphore_mem>>
        %dma_start3A_44 = arith.constant 9984 : i32
        %dma_start3A_45 = arith.constant 0 : i32
        %dma_start3A_46 = tpu.memref_slice %arg6[%arg0, %dma_start3A_44, %dma_start3A_45] : memref<2x10000x128xf32, #tpu.memory_space<hbm>> -> memref<1x16x128xf32, #tpu.memory_space<hbm>>
        %dma_start3A_47 = tpu.memref_squeeze %dma_start3A_46 : memref<1x16x128xf32, #tpu.memory_space<hbm>> -> memref<16x128xf32, #tpu.memory_space<hbm>>
        %dma_start3A_48 = arith.constant 9984 : i32
        %dma_start3A_49 = arith.constant 0 : i32
        %dma_start3A_50 = tpu.memref_slice %arg18[%dma_start3A_48, %dma_start3A_49] : memref<10000x128xf32, #tpu.memory_space<vmem_shared>> -> memref<16x128xf32, #tpu.memory_space<vmem_shared>>
        tpu.enqueue_dma source(%dma_start3A_50 : memref<16x128xf32, #tpu.memory_space<vmem_shared>>) target(%dma_start3A_47 : memref<16x128xf32, #tpu.memory_space<hbm>>) target_semaphore(%run_scoped3A : memref<!tpu.dma_semaphore, #tpu.memory_space<semaphore_mem>>)
        %dma_wait3A_51 = arith.constant 9984 : i32
        %dma_wait3A_52 = arith.constant 0 : i32
        %dma_wait3A_53 = tpu.memref_slice %arg6[%arg0, %dma_wait3A_51, %dma_wait3A_52] : memref<2x10000x128xf32, #tpu.memory_space<hbm>> -> memref<1x16x128xf32, #tpu.memory_space<hbm>>
        %dma_wait3A_54 = tpu.memref_squeeze %dma_wait3A_53 : memref<1x16x128xf32, #tpu.memory_space<hbm>> -> memref<16x128xf32, #tpu.memory_space<hbm>>
        %dma_wait3A_55 = arith.constant 9984 : i32
        %dma_wait3A_56 = arith.constant 0 : i32
        %dma_wait3A_57 = tpu.memref_slice %arg18[%dma_wait3A_55, %dma_wait3A_56] : memref<10000x128xf32, #tpu.memory_space<vmem_shared>> -> memref<16x128xf32, #tpu.memory_space<vmem_shared>>
        tpu.wait_dma2 semaphore(%run_scoped3A : memref<!tpu.dma_semaphore, #tpu.memory_space<semaphore_mem>>) src(%dma_wait3A_57 : memref<16x128xf32, #tpu.memory_space<vmem_shared>>) dst(%dma_wait3A_54 : memref<16x128xf32, #tpu.memory_space<hbm>>)
        tpu.yield
      }) : () -> ()
    } else {
    }
    return
  }
}

#map = affine_map<(d0, d1) -> (0, 0)>
#map1 = affine_map<(d0, d1) -> (0)>
#map2 = affine_map<(d0, d1) -> (0, 0, 0)>
module attributes {stable_mosaic.version = 14 : i64} {
  func.func @hop(%arg0: i32, %arg1: i32, %arg2: memref<10000x128xf32, #tpu.memory_space<hbm>>, %arg3: memref<320000xi32, #tpu.memory_space<hbm>>, %arg4: memref<320000xi32, #tpu.memory_space<hbm>>, %arg5: memref<10000x128xf32, #tpu.memory_space<hbm>>, %arg6: memref<2x10000x128xf32, #tpu.memory_space<hbm>>, %arg7: memref<10000xi32, #tpu.memory_space<vmem>>, %arg8: memref<104x128xf32, #tpu.memory_space<vmem>>, %arg9: memref<104x128xf32, #tpu.memory_space<vmem>>, %arg10: memref<104x128xf32, #tpu.memory_space<vmem>>, %arg11: memref<104xi32, #tpu.memory_space<vmem>>, %arg12: memref<104xi32, #tpu.memory_space<vmem>>, %arg13: memref<104xi32, #tpu.memory_space<vmem>>, %arg14: memref<104xi32, #tpu.memory_space<vmem>>, %arg15: memref<104xi32, #tpu.memory_space<vmem>>, %arg16: memref<104xi32, #tpu.memory_space<vmem>>, %arg17: memref<16xi32, #tpu.memory_space<vmem>>, %arg18: memref<10000x128xf32, #tpu.memory_space<vmem_shared>>, %arg19: memref<!tpu.dma_semaphore, #tpu.memory_space<semaphore_mem>>, %arg20: memref<!tpu.dma_semaphore, #tpu.memory_space<semaphore_mem>>, %arg21: memref<!tpu.dma_semaphore, #tpu.memory_space<semaphore_mem>>, %arg22: memref<!tpu.dma_semaphore, #tpu.memory_space<semaphore_mem>>, %arg23: memref<!tpu.dma_semaphore, #tpu.memory_space<semaphore_mem>>, %arg24: memref<!tpu.dma_semaphore, #tpu.memory_space<semaphore_mem>>, %arg25: memref<!tpu.dma_semaphore, #tpu.memory_space<semaphore_mem>>, %arg26: memref<!tpu.dma_semaphore, #tpu.memory_space<semaphore_mem>>, %arg27: memref<!tpu.dma_semaphore, #tpu.memory_space<semaphore_mem>>, %arg28: memref<!tpu.dma_semaphore, #tpu.memory_space<semaphore_mem>>, %arg29: memref<!tpu.dma_semaphore, #tpu.memory_space<semaphore_mem>>, %arg30: memref<!tpu.dma_semaphore, #tpu.memory_space<semaphore_mem>>, %arg31: memref<!tpu.dma_semaphore, #tpu.memory_space<semaphore_mem>>, %arg32: memref<!tpu.dma_semaphore, #tpu.memory_space<semaphore_mem>>) attributes {dimension_semantics = [#tpu.dimension_semantics<core_parallel>, #tpu.dimension_semantics<subcore_parallel>], iteration_bounds = array<i64: 2, 16>, scalar_prefetch = 0 : i64, scratch_operands = 26 : i64, tpu.core_type = #tpu.core_type<sc_vector_subcore>, window_params = [{transform_indices = #map}, {transform_indices = #map1}, {transform_indices = #map1}, {transform_indices = #map}, {transform_indices = #map2}]} {
    %mul3A = arith.constant 2 : i32
    %mul3A_0 = arith.muli %arg1, %mul3A : i32
    %add3A = arith.addi %mul3A_0, %arg0 : i32
    %mul3A_1 = arith.constant 10000 : i32
    %mul3A_2 = arith.muli %add3A, %mul3A_1 : i32
    %dma_start3A = tpu.memref_slice %arg3[%mul3A_2] : memref<320000xi32, #tpu.memory_space<hbm>> -> memref<10000xi32, #tpu.memory_space<hbm>>
    %dma_start3A_3 = tpu.memref_slice %arg3[%mul3A_2] : memref<320000xi32, #tpu.memory_space<hbm>> -> memref<10000xi32, #tpu.memory_space<hbm>>
    tpu.enqueue_dma source(%dma_start3A_3 : memref<10000xi32, #tpu.memory_space<hbm>>) target(%arg7 : memref<10000xi32, #tpu.memory_space<vmem>>) target_semaphore(%arg19 : memref<!tpu.dma_semaphore, #tpu.memory_space<semaphore_mem>>)
    %mul3A_4 = arith.constant 624 : i32
    %mul3A_5 = arith.muli %arg1, %mul3A_4 : i32
    "tpu.region"() ({
      %run_scoped3A = tpu.sem_alloc : memref<!tpu.dma_semaphore, #tpu.memory_space<semaphore_mem>>
      %dma_start3A_44 = arith.constant 0 : i32
      %dma_start3A_45 = tpu.memref_slice %arg18[%mul3A_5, %dma_start3A_44] : memref<10000x128xf32, #tpu.memory_space<vmem_shared>> -> memref<624x128xf32, #tpu.memory_space<vmem_shared>>
      %dma_start3A_46 = arith.constant 0 : i32
      %dma_start3A_47 = tpu.memref_slice %arg5[%mul3A_5, %dma_start3A_46] : memref<10000x128xf32, #tpu.memory_space<hbm>> -> memref<624x128xf32, #tpu.memory_space<hbm>>
      tpu.enqueue_dma source(%dma_start3A_47 : memref<624x128xf32, #tpu.memory_space<hbm>>) target(%dma_start3A_45 : memref<624x128xf32, #tpu.memory_space<vmem_shared>>) target_semaphore(%run_scoped3A : memref<!tpu.dma_semaphore, #tpu.memory_space<semaphore_mem>>)
      %dma_wait3A_48 = arith.constant 0 : i32
      %dma_wait3A_49 = tpu.memref_slice %arg18[%mul3A_5, %dma_wait3A_48] : memref<10000x128xf32, #tpu.memory_space<vmem_shared>> -> memref<624x128xf32, #tpu.memory_space<vmem_shared>>
      %dma_wait3A_50 = arith.constant 0 : i32
      %dma_wait3A_51 = tpu.memref_slice %arg5[%mul3A_5, %dma_wait3A_50] : memref<10000x128xf32, #tpu.memory_space<hbm>> -> memref<624x128xf32, #tpu.memory_space<hbm>>
      tpu.wait_dma2 semaphore(%run_scoped3A : memref<!tpu.dma_semaphore, #tpu.memory_space<semaphore_mem>>) src(%dma_wait3A_51 : memref<624x128xf32, #tpu.memory_space<hbm>>) dst(%dma_wait3A_49 : memref<624x128xf32, #tpu.memory_space<vmem_shared>>)
      tpu.yield
    }) : () -> ()
    %eq3A = arith.constant 15 : i32
    %eq3A_6 = arith.cmpi eq, %arg1, %eq3A : i32
    %convert_element_type3A = arith.extui %eq3A_6 : i1 to i32
    %cond3A = arith.constant 0 : i32
    %cond3A_7 = arith.cmpi ne, %convert_element_type3A, %cond3A : i32
    scf.if %cond3A_7 {
      "tpu.region"() ({
        %run_scoped3A = tpu.sem_alloc : memref<!tpu.dma_semaphore, #tpu.memory_space<semaphore_mem>>
        %dma_start3A_44 = arith.constant 9984 : i32
        %dma_start3A_45 = arith.constant 0 : i32
        %dma_start3A_46 = tpu.memref_slice %arg18[%dma_start3A_44, %dma_start3A_45] : memref<10000x128xf32, #tpu.memory_space<vmem_shared>> -> memref<16x128xf32, #tpu.memory_space<vmem_shared>>
        %dma_start3A_47 = arith.constant 9984 : i32
        %dma_start3A_48 = arith.constant 0 : i32
        %dma_start3A_49 = tpu.memref_slice %arg5[%dma_start3A_47, %dma_start3A_48] : memref<10000x128xf32, #tpu.memory_space<hbm>> -> memref<16x128xf32, #tpu.memory_space<hbm>>
        tpu.enqueue_dma source(%dma_start3A_49 : memref<16x128xf32, #tpu.memory_space<hbm>>) target(%dma_start3A_46 : memref<16x128xf32, #tpu.memory_space<vmem_shared>>) target_semaphore(%run_scoped3A : memref<!tpu.dma_semaphore, #tpu.memory_space<semaphore_mem>>)
        %dma_wait3A_50 = arith.constant 9984 : i32
        %dma_wait3A_51 = arith.constant 0 : i32
        %dma_wait3A_52 = tpu.memref_slice %arg18[%dma_wait3A_50, %dma_wait3A_51] : memref<10000x128xf32, #tpu.memory_space<vmem_shared>> -> memref<16x128xf32, #tpu.memory_space<vmem_shared>>
        %dma_wait3A_53 = arith.constant 9984 : i32
        %dma_wait3A_54 = arith.constant 0 : i32
        %dma_wait3A_55 = tpu.memref_slice %arg5[%dma_wait3A_53, %dma_wait3A_54] : memref<10000x128xf32, #tpu.memory_space<hbm>> -> memref<16x128xf32, #tpu.memory_space<hbm>>
        tpu.wait_dma2 semaphore(%run_scoped3A : memref<!tpu.dma_semaphore, #tpu.memory_space<semaphore_mem>>) src(%dma_wait3A_55 : memref<16x128xf32, #tpu.memory_space<hbm>>) dst(%dma_wait3A_52 : memref<16x128xf32, #tpu.memory_space<vmem_shared>>)
        tpu.yield
      }) : () -> ()
    } else {
    }
    %dma_wait3A = tpu.memref_slice %arg3[%mul3A_2] : memref<320000xi32, #tpu.memory_space<hbm>> -> memref<10000xi32, #tpu.memory_space<hbm>>
    %dma_wait3A_8 = tpu.memref_slice %arg3[%mul3A_2] : memref<320000xi32, #tpu.memory_space<hbm>> -> memref<10000xi32, #tpu.memory_space<hbm>>
    tpu.wait_dma2 semaphore(%arg19 : memref<!tpu.dma_semaphore, #tpu.memory_space<semaphore_mem>>) src(%dma_wait3A_8 : memref<10000xi32, #tpu.memory_space<hbm>>) dst(%arg7 : memref<10000xi32, #tpu.memory_space<vmem>>)
    %barrier3A = arith.constant 0 : index
    tpu.barrier barrier_id(%barrier3A)
    %scan3A = arith.constant 0 : i32
    %scan3A_9 = arith.constant 0 : i32
    %scan3A_10 = arith.constant 8 : i32
    %scan3A_11 = arith.addi %scan3A_9, %scan3A_10 : i32
    %scan3A_12 = arith.constant 1 : i32
    scf.for %scan3A_44 = %scan3A_9 to %scan3A_11 step %scan3A_12  : i32 {
      %mul3A_45 = arith.constant 12 : i32
      %mul3A_46 = arith.muli %mul3A_45, %scan3A_44 : i32
      %add3A_47 = arith.constant 0 : i32
      %add3A_48 = arith.addi %mul3A_46, %add3A_47 : i32
      %mul3A_49 = arith.constant 10000 : i32
      %mul3A_50 = arith.muli %add3A, %mul3A_49 : i32
      %mul3A_51 = arith.constant 104 : i32
      %mul3A_52 = arith.muli %add3A_48, %mul3A_51 : i32
      %add3A_53 = arith.addi %mul3A_50, %mul3A_52 : i32
      %dma_start3A_54 = tpu.memref_slice %arg4[%add3A_53] : memref<320000xi32, #tpu.memory_space<hbm>> -> memref<104xi32, #tpu.memory_space<hbm>>
      %dma_start3A_55 = tpu.memref_slice %arg4[%add3A_53] : memref<320000xi32, #tpu.memory_space<hbm>> -> memref<104xi32, #tpu.memory_space<hbm>>
      tpu.enqueue_dma source(%dma_start3A_55 : memref<104xi32, #tpu.memory_space<hbm>>) target(%arg11 : memref<104xi32, #tpu.memory_space<vmem>>) target_semaphore(%arg20 : memref<!tpu.dma_semaphore, #tpu.memory_space<semaphore_mem>>)
      %add3A_56 = arith.constant 1 : i32
      %add3A_57 = arith.addi %mul3A_46, %add3A_56 : i32
      %mul3A_58 = arith.constant 10000 : i32
      %mul3A_59 = arith.muli %add3A, %mul3A_58 : i32
      %mul3A_60 = arith.constant 104 : i32
      %mul3A_61 = arith.muli %add3A_57, %mul3A_60 : i32
      %add3A_62 = arith.addi %mul3A_59, %mul3A_61 : i32
      %dma_start3A_63 = tpu.memref_slice %arg4[%add3A_62] : memref<320000xi32, #tpu.memory_space<hbm>> -> memref<104xi32, #tpu.memory_space<hbm>>
      %dma_start3A_64 = tpu.memref_slice %arg4[%add3A_62] : memref<320000xi32, #tpu.memory_space<hbm>> -> memref<104xi32, #tpu.memory_space<hbm>>
      tpu.enqueue_dma source(%dma_start3A_64 : memref<104xi32, #tpu.memory_space<hbm>>) target(%arg12 : memref<104xi32, #tpu.memory_space<vmem>>) target_semaphore(%arg21 : memref<!tpu.dma_semaphore, #tpu.memory_space<semaphore_mem>>)
      %add3A_65 = arith.constant 2 : i32
      %add3A_66 = arith.addi %mul3A_46, %add3A_65 : i32
      %mul3A_67 = arith.constant 10000 : i32
      %mul3A_68 = arith.muli %add3A, %mul3A_67 : i32
      %mul3A_69 = arith.constant 104 : i32
      %mul3A_70 = arith.muli %add3A_66, %mul3A_69 : i32
      %add3A_71 = arith.addi %mul3A_68, %mul3A_70 : i32
      %dma_start3A_72 = tpu.memref_slice %arg4[%add3A_71] : memref<320000xi32, #tpu.memory_space<hbm>> -> memref<104xi32, #tpu.memory_space<hbm>>
      %dma_start3A_73 = tpu.memref_slice %arg4[%add3A_71] : memref<320000xi32, #tpu.memory_space<hbm>> -> memref<104xi32, #tpu.memory_space<hbm>>
      tpu.enqueue_dma source(%dma_start3A_73 : memref<104xi32, #tpu.memory_space<hbm>>) target(%arg13 : memref<104xi32, #tpu.memory_space<vmem>>) target_semaphore(%arg22 : memref<!tpu.dma_semaphore, #tpu.memory_space<semaphore_mem>>)
      %add3A_74 = arith.constant 3 : i32
      %add3A_75 = arith.addi %mul3A_46, %add3A_74 : i32
      %mul3A_76 = arith.constant 10000 : i32
      %mul3A_77 = arith.muli %add3A, %mul3A_76 : i32
      %mul3A_78 = arith.constant 104 : i32
      %mul3A_79 = arith.muli %add3A_75, %mul3A_78 : i32
      %add3A_80 = arith.addi %mul3A_77, %mul3A_79 : i32
      %dma_start3A_81 = tpu.memref_slice %arg4[%add3A_80] : memref<320000xi32, #tpu.memory_space<hbm>> -> memref<104xi32, #tpu.memory_space<hbm>>
      %dma_start3A_82 = tpu.memref_slice %arg4[%add3A_80] : memref<320000xi32, #tpu.memory_space<hbm>> -> memref<104xi32, #tpu.memory_space<hbm>>
      tpu.enqueue_dma source(%dma_start3A_82 : memref<104xi32, #tpu.memory_space<hbm>>) target(%arg14 : memref<104xi32, #tpu.memory_space<vmem>>) target_semaphore(%arg23 : memref<!tpu.dma_semaphore, #tpu.memory_space<semaphore_mem>>)
      %add3A_83 = arith.constant 4 : i32
      %add3A_84 = arith.addi %mul3A_46, %add3A_83 : i32
      %mul3A_85 = arith.constant 10000 : i32
      %mul3A_86 = arith.muli %add3A, %mul3A_85 : i32
      %mul3A_87 = arith.constant 104 : i32
      %mul3A_88 = arith.muli %add3A_84, %mul3A_87 : i32
      %add3A_89 = arith.addi %mul3A_86, %mul3A_88 : i32
      %dma_start3A_90 = tpu.memref_slice %arg4[%add3A_89] : memref<320000xi32, #tpu.memory_space<hbm>> -> memref<104xi32, #tpu.memory_space<hbm>>
      %dma_start3A_91 = tpu.memref_slice %arg4[%add3A_89] : memref<320000xi32, #tpu.memory_space<hbm>> -> memref<104xi32, #tpu.memory_space<hbm>>
      tpu.enqueue_dma source(%dma_start3A_91 : memref<104xi32, #tpu.memory_space<hbm>>) target(%arg15 : memref<104xi32, #tpu.memory_space<vmem>>) target_semaphore(%arg24 : memref<!tpu.dma_semaphore, #tpu.memory_space<semaphore_mem>>)
      %add3A_92 = arith.constant 5 : i32
      %add3A_93 = arith.addi %mul3A_46, %add3A_92 : i32
      %mul3A_94 = arith.constant 10000 : i32
      %mul3A_95 = arith.muli %add3A, %mul3A_94 : i32
      %mul3A_96 = arith.constant 104 : i32
      %mul3A_97 = arith.muli %add3A_93, %mul3A_96 : i32
      %add3A_98 = arith.addi %mul3A_95, %mul3A_97 : i32
      %dma_start3A_99 = tpu.memref_slice %arg4[%add3A_98] : memref<320000xi32, #tpu.memory_space<hbm>> -> memref<104xi32, #tpu.memory_space<hbm>>
      %dma_start3A_100 = tpu.memref_slice %arg4[%add3A_98] : memref<320000xi32, #tpu.memory_space<hbm>> -> memref<104xi32, #tpu.memory_space<hbm>>
      tpu.enqueue_dma source(%dma_start3A_100 : memref<104xi32, #tpu.memory_space<hbm>>) target(%arg16 : memref<104xi32, #tpu.memory_space<vmem>>) target_semaphore(%arg25 : memref<!tpu.dma_semaphore, #tpu.memory_space<semaphore_mem>>)
      %add3A_101 = arith.constant 0 : i32
      %add3A_102 = arith.addi %mul3A_46, %add3A_101 : i32
      %mul3A_103 = arith.constant 104 : i32
      %mul3A_104 = arith.muli %add3A_102, %mul3A_103 : i32
      %dma_start3A_105 = tpu.memref_slice %arg7[%mul3A_104] : memref<10000xi32, #tpu.memory_space<vmem>> -> memref<104xi32, #tpu.memory_space<vmem>>
      %dma_start3A_106 = arith.constant 0 : i32
      %dma_start3A_107 = arith.constant 0 : i32
      %dma_start3A_108 = tpu.memref_slice %arg2[%dma_start3A_106, %dma_start3A_107] : memref<10000x128xf32, #tpu.memory_space<hbm>> -> memref<10000x128xf32, #tpu.memory_space<hbm>>
      tpu.enqueue_indirect_dma source(%dma_start3A_108 : memref<10000x128xf32, #tpu.memory_space<hbm>>) target(%arg8 : memref<104x128xf32, #tpu.memory_space<vmem>>) offsets(%dma_start3A_105 : memref<104xi32, #tpu.memory_space<vmem>>) semaphore(%arg26 : memref<!tpu.dma_semaphore, #tpu.memory_space<semaphore_mem>>)
      %add3A_109 = arith.constant 1 : i32
      %add3A_110 = arith.addi %mul3A_46, %add3A_109 : i32
      %mul3A_111 = arith.constant 104 : i32
      %mul3A_112 = arith.muli %add3A_110, %mul3A_111 : i32
      %dma_start3A_113 = tpu.memref_slice %arg7[%mul3A_112] : memref<10000xi32, #tpu.memory_space<vmem>> -> memref<104xi32, #tpu.memory_space<vmem>>
      %dma_start3A_114 = arith.constant 0 : i32
      %dma_start3A_115 = arith.constant 0 : i32
      %dma_start3A_116 = tpu.memref_slice %arg2[%dma_start3A_114, %dma_start3A_115] : memref<10000x128xf32, #tpu.memory_space<hbm>> -> memref<10000x128xf32, #tpu.memory_space<hbm>>
      tpu.enqueue_indirect_dma source(%dma_start3A_116 : memref<10000x128xf32, #tpu.memory_space<hbm>>) target(%arg9 : memref<104x128xf32, #tpu.memory_space<vmem>>) offsets(%dma_start3A_113 : memref<104xi32, #tpu.memory_space<vmem>>) semaphore(%arg27 : memref<!tpu.dma_semaphore, #tpu.memory_space<semaphore_mem>>)
      %dma_wait3A_117 = tpu.memref_slice %arg7[%mul3A_104] : memref<10000xi32, #tpu.memory_space<vmem>> -> memref<104xi32, #tpu.memory_space<vmem>>
      %dma_wait3A_118 = arith.constant 0 : i32
      %dma_wait3A_119 = arith.constant 0 : i32
      %dma_wait3A_120 = tpu.memref_slice %arg2[%dma_wait3A_118, %dma_wait3A_119] : memref<10000x128xf32, #tpu.memory_space<hbm>> -> memref<10000x128xf32, #tpu.memory_space<hbm>>
      tpu.wait_indirect_dma semaphore(%arg26 : memref<!tpu.dma_semaphore, #tpu.memory_space<semaphore_mem>>) src(%dma_wait3A_120 : memref<10000x128xf32, #tpu.memory_space<hbm>>) dst(%arg8 : memref<104x128xf32, #tpu.memory_space<vmem>>)
      %dma_wait3A_121 = tpu.memref_slice %arg4[%add3A_53] : memref<320000xi32, #tpu.memory_space<hbm>> -> memref<104xi32, #tpu.memory_space<hbm>>
      %dma_wait3A_122 = tpu.memref_slice %arg4[%add3A_53] : memref<320000xi32, #tpu.memory_space<hbm>> -> memref<104xi32, #tpu.memory_space<hbm>>
      tpu.wait_dma2 semaphore(%arg20 : memref<!tpu.dma_semaphore, #tpu.memory_space<semaphore_mem>>) src(%dma_wait3A_122 : memref<104xi32, #tpu.memory_space<hbm>>) dst(%arg11 : memref<104xi32, #tpu.memory_space<vmem>>)
      %dma_start3A_123 = arith.constant 0 : i32
      %dma_start3A_124 = arith.constant 0 : i32
      %dma_start3A_125 = tpu.memref_slice %arg18[%dma_start3A_123, %dma_start3A_124] : memref<10000x128xf32, #tpu.memory_space<vmem_shared>> -> memref<10000x128xf32, #tpu.memory_space<vmem_shared>>
      tpu.enqueue_indirect_dma source(%arg8 : memref<104x128xf32, #tpu.memory_space<vmem>>) target(%dma_start3A_125 : memref<10000x128xf32, #tpu.memory_space<vmem_shared>>) offsets(%arg11 : memref<104xi32, #tpu.memory_space<vmem>>) semaphore(%arg29 : memref<!tpu.dma_semaphore, #tpu.memory_space<semaphore_mem>>) {add = true}
      %add3A_126 = arith.constant 2 : i32
      %add3A_127 = arith.addi %mul3A_46, %add3A_126 : i32
      %mul3A_128 = arith.constant 104 : i32
      %mul3A_129 = arith.muli %add3A_127, %mul3A_128 : i32
      %dma_start3A_130 = tpu.memref_slice %arg7[%mul3A_129] : memref<10000xi32, #tpu.memory_space<vmem>> -> memref<104xi32, #tpu.memory_space<vmem>>
      %dma_start3A_131 = arith.constant 0 : i32
      %dma_start3A_132 = arith.constant 0 : i32
      %dma_start3A_133 = tpu.memref_slice %arg2[%dma_start3A_131, %dma_start3A_132] : memref<10000x128xf32, #tpu.memory_space<hbm>> -> memref<10000x128xf32, #tpu.memory_space<hbm>>
      tpu.enqueue_indirect_dma source(%dma_start3A_133 : memref<10000x128xf32, #tpu.memory_space<hbm>>) target(%arg10 : memref<104x128xf32, #tpu.memory_space<vmem>>) offsets(%dma_start3A_130 : memref<104xi32, #tpu.memory_space<vmem>>) semaphore(%arg28 : memref<!tpu.dma_semaphore, #tpu.memory_space<semaphore_mem>>)
      %dma_wait3A_134 = tpu.memref_slice %arg7[%mul3A_112] : memref<10000xi32, #tpu.memory_space<vmem>> -> memref<104xi32, #tpu.memory_space<vmem>>
      %dma_wait3A_135 = arith.constant 0 : i32
      %dma_wait3A_136 = arith.constant 0 : i32
      %dma_wait3A_137 = tpu.memref_slice %arg2[%dma_wait3A_135, %dma_wait3A_136] : memref<10000x128xf32, #tpu.memory_space<hbm>> -> memref<10000x128xf32, #tpu.memory_space<hbm>>
      tpu.wait_indirect_dma semaphore(%arg27 : memref<!tpu.dma_semaphore, #tpu.memory_space<semaphore_mem>>) src(%dma_wait3A_137 : memref<10000x128xf32, #tpu.memory_space<hbm>>) dst(%arg9 : memref<104x128xf32, #tpu.memory_space<vmem>>)
      %dma_wait3A_138 = tpu.memref_slice %arg4[%add3A_62] : memref<320000xi32, #tpu.memory_space<hbm>> -> memref<104xi32, #tpu.memory_space<hbm>>
      %dma_wait3A_139 = tpu.memref_slice %arg4[%add3A_62] : memref<320000xi32, #tpu.memory_space<hbm>> -> memref<104xi32, #tpu.memory_space<hbm>>
      tpu.wait_dma2 semaphore(%arg21 : memref<!tpu.dma_semaphore, #tpu.memory_space<semaphore_mem>>) src(%dma_wait3A_139 : memref<104xi32, #tpu.memory_space<hbm>>) dst(%arg12 : memref<104xi32, #tpu.memory_space<vmem>>)
      %dma_start3A_140 = arith.constant 0 : i32
      %dma_start3A_141 = arith.constant 0 : i32
      %dma_start3A_142 = tpu.memref_slice %arg18[%dma_start3A_140, %dma_start3A_141] : memref<10000x128xf32, #tpu.memory_space<vmem_shared>> -> memref<10000x128xf32, #tpu.memory_space<vmem_shared>>
      tpu.enqueue_indirect_dma source(%arg9 : memref<104x128xf32, #tpu.memory_space<vmem>>) target(%dma_start3A_142 : memref<10000x128xf32, #tpu.memory_space<vmem_shared>>) offsets(%arg12 : memref<104xi32, #tpu.memory_space<vmem>>) semaphore(%arg30 : memref<!tpu.dma_semaphore, #tpu.memory_space<semaphore_mem>>) {add = true}
      %dma_wait3A_143 = arith.constant 0 : i32
      %dma_wait3A_144 = arith.constant 0 : i32
      %dma_wait3A_145 = tpu.memref_slice %arg18[%dma_wait3A_143, %dma_wait3A_144] : memref<10000x128xf32, #tpu.memory_space<vmem_shared>> -> memref<10000x128xf32, #tpu.memory_space<vmem_shared>>
      tpu.wait_indirect_dma semaphore(%arg29 : memref<!tpu.dma_semaphore, #tpu.memory_space<semaphore_mem>>) src(%arg8 : memref<104x128xf32, #tpu.memory_space<vmem>>) dst(%dma_wait3A_145 : memref<10000x128xf32, #tpu.memory_space<vmem_shared>>)
      %add3A_146 = arith.constant 6 : i32
      %add3A_147 = arith.addi %mul3A_46, %add3A_146 : i32
      %mul3A_148 = arith.constant 10000 : i32
      %mul3A_149 = arith.muli %add3A, %mul3A_148 : i32
      %mul3A_150 = arith.constant 104 : i32
      %mul3A_151 = arith.muli %add3A_147, %mul3A_150 : i32
      %add3A_152 = arith.addi %mul3A_149, %mul3A_151 : i32
      %dma_start3A_153 = tpu.memref_slice %arg4[%add3A_152] : memref<320000xi32, #tpu.memory_space<hbm>> -> memref<104xi32, #tpu.memory_space<hbm>>
      %dma_start3A_154 = tpu.memref_slice %arg4[%add3A_152] : memref<320000xi32, #tpu.memory_space<hbm>> -> memref<104xi32, #tpu.memory_space<hbm>>
      tpu.enqueue_dma source(%dma_start3A_154 : memref<104xi32, #tpu.memory_space<hbm>>) target(%arg11 : memref<104xi32, #tpu.memory_space<vmem>>) target_semaphore(%arg20 : memref<!tpu.dma_semaphore, #tpu.memory_space<semaphore_mem>>)
      %add3A_155 = arith.constant 3 : i32
      %add3A_156 = arith.addi %mul3A_46, %add3A_155 : i32
      %mul3A_157 = arith.constant 104 : i32
      %mul3A_158 = arith.muli %add3A_156, %mul3A_157 : i32
      %dma_start3A_159 = tpu.memref_slice %arg7[%mul3A_158] : memref<10000xi32, #tpu.memory_space<vmem>> -> memref<104xi32, #tpu.memory_space<vmem>>
      %dma_start3A_160 = arith.constant 0 : i32
      %dma_start3A_161 = arith.constant 0 : i32
      %dma_start3A_162 = tpu.memref_slice %arg2[%dma_start3A_160, %dma_start3A_161] : memref<10000x128xf32, #tpu.memory_space<hbm>> -> memref<10000x128xf32, #tpu.memory_space<hbm>>
      tpu.enqueue_indirect_dma source(%dma_start3A_162 : memref<10000x128xf32, #tpu.memory_space<hbm>>) target(%arg8 : memref<104x128xf32, #tpu.memory_space<vmem>>) offsets(%dma_start3A_159 : memref<104xi32, #tpu.memory_space<vmem>>) semaphore(%arg26 : memref<!tpu.dma_semaphore, #tpu.memory_space<semaphore_mem>>)
      %dma_wait3A_163 = tpu.memref_slice %arg7[%mul3A_129] : memref<10000xi32, #tpu.memory_space<vmem>> -> memref<104xi32, #tpu.memory_space<vmem>>
      %dma_wait3A_164 = arith.constant 0 : i32
      %dma_wait3A_165 = arith.constant 0 : i32
      %dma_wait3A_166 = tpu.memref_slice %arg2[%dma_wait3A_164, %dma_wait3A_165] : memref<10000x128xf32, #tpu.memory_space<hbm>> -> memref<10000x128xf32, #tpu.memory_space<hbm>>
      tpu.wait_indirect_dma semaphore(%arg28 : memref<!tpu.dma_semaphore, #tpu.memory_space<semaphore_mem>>) src(%dma_wait3A_166 : memref<10000x128xf32, #tpu.memory_space<hbm>>) dst(%arg10 : memref<104x128xf32, #tpu.memory_space<vmem>>)
      %dma_wait3A_167 = tpu.memref_slice %arg4[%add3A_71] : memref<320000xi32, #tpu.memory_space<hbm>> -> memref<104xi32, #tpu.memory_space<hbm>>
      %dma_wait3A_168 = tpu.memref_slice %arg4[%add3A_71] : memref<320000xi32, #tpu.memory_space<hbm>> -> memref<104xi32, #tpu.memory_space<hbm>>
      tpu.wait_dma2 semaphore(%arg22 : memref<!tpu.dma_semaphore, #tpu.memory_space<semaphore_mem>>) src(%dma_wait3A_168 : memref<104xi32, #tpu.memory_space<hbm>>) dst(%arg13 : memref<104xi32, #tpu.memory_space<vmem>>)
      %dma_start3A_169 = arith.constant 0 : i32
      %dma_start3A_170 = arith.constant 0 : i32
      %dma_start3A_171 = tpu.memref_slice %arg18[%dma_start3A_169, %dma_start3A_170] : memref<10000x128xf32, #tpu.memory_space<vmem_shared>> -> memref<10000x128xf32, #tpu.memory_space<vmem_shared>>
      tpu.enqueue_indirect_dma source(%arg10 : memref<104x128xf32, #tpu.memory_space<vmem>>) target(%dma_start3A_171 : memref<10000x128xf32, #tpu.memory_space<vmem_shared>>) offsets(%arg13 : memref<104xi32, #tpu.memory_space<vmem>>) semaphore(%arg31 : memref<!tpu.dma_semaphore, #tpu.memory_space<semaphore_mem>>) {add = true}
      %dma_wait3A_172 = arith.constant 0 : i32
      %dma_wait3A_173 = arith.constant 0 : i32
      %dma_wait3A_174 = tpu.memref_slice %arg18[%dma_wait3A_172, %dma_wait3A_173] : memref<10000x128xf32, #tpu.memory_space<vmem_shared>> -> memref<10000x128xf32, #tpu.memory_space<vmem_shared>>
      tpu.wait_indirect_dma semaphore(%arg30 : memref<!tpu.dma_semaphore, #tpu.memory_space<semaphore_mem>>) src(%arg9 : memref<104x128xf32, #tpu.memory_space<vmem>>) dst(%dma_wait3A_174 : memref<10000x128xf32, #tpu.memory_space<vmem_shared>>)
      %add3A_175 = arith.constant 7 : i32
      %add3A_176 = arith.addi %mul3A_46, %add3A_175 : i32
      %mul3A_177 = arith.constant 10000 : i32
      %mul3A_178 = arith.muli %add3A, %mul3A_177 : i32
      %mul3A_179 = arith.constant 104 : i32
      %mul3A_180 = arith.muli %add3A_176, %mul3A_179 : i32
      %add3A_181 = arith.addi %mul3A_178, %mul3A_180 : i32
      %dma_start3A_182 = tpu.memref_slice %arg4[%add3A_181] : memref<320000xi32, #tpu.memory_space<hbm>> -> memref<104xi32, #tpu.memory_space<hbm>>
      %dma_start3A_183 = tpu.memref_slice %arg4[%add3A_181] : memref<320000xi32, #tpu.memory_space<hbm>> -> memref<104xi32, #tpu.memory_space<hbm>>
      tpu.enqueue_dma source(%dma_start3A_183 : memref<104xi32, #tpu.memory_space<hbm>>) target(%arg12 : memref<104xi32, #tpu.memory_space<vmem>>) target_semaphore(%arg21 : memref<!tpu.dma_semaphore, #tpu.memory_space<semaphore_mem>>)
      %add3A_184 = arith.constant 4 : i32
      %add3A_185 = arith.addi %mul3A_46, %add3A_184 : i32
      %mul3A_186 = arith.constant 104 : i32
      %mul3A_187 = arith.muli %add3A_185, %mul3A_186 : i32
      %dma_start3A_188 = tpu.memref_slice %arg7[%mul3A_187] : memref<10000xi32, #tpu.memory_space<vmem>> -> memref<104xi32, #tpu.memory_space<vmem>>
      %dma_start3A_189 = arith.constant 0 : i32
      %dma_start3A_190 = arith.constant 0 : i32
      %dma_start3A_191 = tpu.memref_slice %arg2[%dma_start3A_189, %dma_start3A_190] : memref<10000x128xf32, #tpu.memory_space<hbm>> -> memref<10000x128xf32, #tpu.memory_space<hbm>>
      tpu.enqueue_indirect_dma source(%dma_start3A_191 : memref<10000x128xf32, #tpu.memory_space<hbm>>) target(%arg9 : memref<104x128xf32, #tpu.memory_space<vmem>>) offsets(%dma_start3A_188 : memref<104xi32, #tpu.memory_space<vmem>>) semaphore(%arg27 : memref<!tpu.dma_semaphore, #tpu.memory_space<semaphore_mem>>)
      %dma_wait3A_192 = tpu.memref_slice %arg7[%mul3A_158] : memref<10000xi32, #tpu.memory_space<vmem>> -> memref<104xi32, #tpu.memory_space<vmem>>
      %dma_wait3A_193 = arith.constant 0 : i32
      %dma_wait3A_194 = arith.constant 0 : i32
      %dma_wait3A_195 = tpu.memref_slice %arg2[%dma_wait3A_193, %dma_wait3A_194] : memref<10000x128xf32, #tpu.memory_space<hbm>> -> memref<10000x128xf32, #tpu.memory_space<hbm>>
      tpu.wait_indirect_dma semaphore(%arg26 : memref<!tpu.dma_semaphore, #tpu.memory_space<semaphore_mem>>) src(%dma_wait3A_195 : memref<10000x128xf32, #tpu.memory_space<hbm>>) dst(%arg8 : memref<104x128xf32, #tpu.memory_space<vmem>>)
      %dma_wait3A_196 = tpu.memref_slice %arg4[%add3A_80] : memref<320000xi32, #tpu.memory_space<hbm>> -> memref<104xi32, #tpu.memory_space<hbm>>
      %dma_wait3A_197 = tpu.memref_slice %arg4[%add3A_80] : memref<320000xi32, #tpu.memory_space<hbm>> -> memref<104xi32, #tpu.memory_space<hbm>>
      tpu.wait_dma2 semaphore(%arg23 : memref<!tpu.dma_semaphore, #tpu.memory_space<semaphore_mem>>) src(%dma_wait3A_197 : memref<104xi32, #tpu.memory_space<hbm>>) dst(%arg14 : memref<104xi32, #tpu.memory_space<vmem>>)
      %dma_start3A_198 = arith.constant 0 : i32
      %dma_start3A_199 = arith.constant 0 : i32
      %dma_start3A_200 = tpu.memref_slice %arg18[%dma_start3A_198, %dma_start3A_199] : memref<10000x128xf32, #tpu.memory_space<vmem_shared>> -> memref<10000x128xf32, #tpu.memory_space<vmem_shared>>
      tpu.enqueue_indirect_dma source(%arg8 : memref<104x128xf32, #tpu.memory_space<vmem>>) target(%dma_start3A_200 : memref<10000x128xf32, #tpu.memory_space<vmem_shared>>) offsets(%arg14 : memref<104xi32, #tpu.memory_space<vmem>>) semaphore(%arg29 : memref<!tpu.dma_semaphore, #tpu.memory_space<semaphore_mem>>) {add = true}
      %dma_wait3A_201 = arith.constant 0 : i32
      %dma_wait3A_202 = arith.constant 0 : i32
      %dma_wait3A_203 = tpu.memref_slice %arg18[%dma_wait3A_201, %dma_wait3A_202] : memref<10000x128xf32, #tpu.memory_space<vmem_shared>> -> memref<10000x128xf32, #tpu.memory_space<vmem_shared>>
      tpu.wait_indirect_dma semaphore(%arg31 : memref<!tpu.dma_semaphore, #tpu.memory_space<semaphore_mem>>) src(%arg10 : memref<104x128xf32, #tpu.memory_space<vmem>>) dst(%dma_wait3A_203 : memref<10000x128xf32, #tpu.memory_space<vmem_shared>>)
      %add3A_204 = arith.constant 8 : i32
      %add3A_205 = arith.addi %mul3A_46, %add3A_204 : i32
      %mul3A_206 = arith.constant 10000 : i32
      %mul3A_207 = arith.muli %add3A, %mul3A_206 : i32
      %mul3A_208 = arith.constant 104 : i32
      %mul3A_209 = arith.muli %add3A_205, %mul3A_208 : i32
      %add3A_210 = arith.addi %mul3A_207, %mul3A_209 : i32
      %dma_start3A_211 = tpu.memref_slice %arg4[%add3A_210] : memref<320000xi32, #tpu.memory_space<hbm>> -> memref<104xi32, #tpu.memory_space<hbm>>
      %dma_start3A_212 = tpu.memref_slice %arg4[%add3A_210] : memref<320000xi32, #tpu.memory_space<hbm>> -> memref<104xi32, #tpu.memory_space<hbm>>
      tpu.enqueue_dma source(%dma_start3A_212 : memref<104xi32, #tpu.memory_space<hbm>>) target(%arg13 : memref<104xi32, #tpu.memory_space<vmem>>) target_semaphore(%arg22 : memref<!tpu.dma_semaphore, #tpu.memory_space<semaphore_mem>>)
      %add3A_213 = arith.constant 5 : i32
      %add3A_214 = arith.addi %mul3A_46, %add3A_213 : i32
      %mul3A_215 = arith.constant 104 : i32
      %mul3A_216 = arith.muli %add3A_214, %mul3A_215 : i32
      %dma_start3A_217 = tpu.memref_slice %arg7[%mul3A_216] : memref<10000xi32, #tpu.memory_space<vmem>> -> memref<104xi32, #tpu.memory_space<vmem>>
      %dma_start3A_218 = arith.constant 0 : i32
      %dma_start3A_219 = arith.constant 0 : i32
      %dma_start3A_220 = tpu.memref_slice %arg2[%dma_start3A_218, %dma_start3A_219] : memref<10000x128xf32, #tpu.memory_space<hbm>> -> memref<10000x128xf32, #tpu.memory_space<hbm>>
      tpu.enqueue_indirect_dma source(%dma_start3A_220 : memref<10000x128xf32, #tpu.memory_space<hbm>>) target(%arg10 : memref<104x128xf32, #tpu.memory_space<vmem>>) offsets(%dma_start3A_217 : memref<104xi32, #tpu.memory_space<vmem>>) semaphore(%arg28 : memref<!tpu.dma_semaphore, #tpu.memory_space<semaphore_mem>>)
      %dma_wait3A_221 = tpu.memref_slice %arg7[%mul3A_187] : memref<10000xi32, #tpu.memory_space<vmem>> -> memref<104xi32, #tpu.memory_space<vmem>>
      %dma_wait3A_222 = arith.constant 0 : i32
      %dma_wait3A_223 = arith.constant 0 : i32
      %dma_wait3A_224 = tpu.memref_slice %arg2[%dma_wait3A_222, %dma_wait3A_223] : memref<10000x128xf32, #tpu.memory_space<hbm>> -> memref<10000x128xf32, #tpu.memory_space<hbm>>
      tpu.wait_indirect_dma semaphore(%arg27 : memref<!tpu.dma_semaphore, #tpu.memory_space<semaphore_mem>>) src(%dma_wait3A_224 : memref<10000x128xf32, #tpu.memory_space<hbm>>) dst(%arg9 : memref<104x128xf32, #tpu.memory_space<vmem>>)
      %dma_wait3A_225 = tpu.memref_slice %arg4[%add3A_89] : memref<320000xi32, #tpu.memory_space<hbm>> -> memref<104xi32, #tpu.memory_space<hbm>>
      %dma_wait3A_226 = tpu.memref_slice %arg4[%add3A_89] : memref<320000xi32, #tpu.memory_space<hbm>> -> memref<104xi32, #tpu.memory_space<hbm>>
      tpu.wait_dma2 semaphore(%arg24 : memref<!tpu.dma_semaphore, #tpu.memory_space<semaphore_mem>>) src(%dma_wait3A_226 : memref<104xi32, #tpu.memory_space<hbm>>) dst(%arg15 : memref<104xi32, #tpu.memory_space<vmem>>)
      %dma_start3A_227 = arith.constant 0 : i32
      %dma_start3A_228 = arith.constant 0 : i32
      %dma_start3A_229 = tpu.memref_slice %arg18[%dma_start3A_227, %dma_start3A_228] : memref<10000x128xf32, #tpu.memory_space<vmem_shared>> -> memref<10000x128xf32, #tpu.memory_space<vmem_shared>>
      tpu.enqueue_indirect_dma source(%arg9 : memref<104x128xf32, #tpu.memory_space<vmem>>) target(%dma_start3A_229 : memref<10000x128xf32, #tpu.memory_space<vmem_shared>>) offsets(%arg15 : memref<104xi32, #tpu.memory_space<vmem>>) semaphore(%arg30 : memref<!tpu.dma_semaphore, #tpu.memory_space<semaphore_mem>>) {add = true}
      %dma_wait3A_230 = arith.constant 0 : i32
      %dma_wait3A_231 = arith.constant 0 : i32
      %dma_wait3A_232 = tpu.memref_slice %arg18[%dma_wait3A_230, %dma_wait3A_231] : memref<10000x128xf32, #tpu.memory_space<vmem_shared>> -> memref<10000x128xf32, #tpu.memory_space<vmem_shared>>
      tpu.wait_indirect_dma semaphore(%arg29 : memref<!tpu.dma_semaphore, #tpu.memory_space<semaphore_mem>>) src(%arg8 : memref<104x128xf32, #tpu.memory_space<vmem>>) dst(%dma_wait3A_232 : memref<10000x128xf32, #tpu.memory_space<vmem_shared>>)
      %add3A_233 = arith.constant 9 : i32
      %add3A_234 = arith.addi %mul3A_46, %add3A_233 : i32
      %mul3A_235 = arith.constant 10000 : i32
      %mul3A_236 = arith.muli %add3A, %mul3A_235 : i32
      %mul3A_237 = arith.constant 104 : i32
      %mul3A_238 = arith.muli %add3A_234, %mul3A_237 : i32
      %add3A_239 = arith.addi %mul3A_236, %mul3A_238 : i32
      %dma_start3A_240 = tpu.memref_slice %arg4[%add3A_239] : memref<320000xi32, #tpu.memory_space<hbm>> -> memref<104xi32, #tpu.memory_space<hbm>>
      %dma_start3A_241 = tpu.memref_slice %arg4[%add3A_239] : memref<320000xi32, #tpu.memory_space<hbm>> -> memref<104xi32, #tpu.memory_space<hbm>>
      tpu.enqueue_dma source(%dma_start3A_241 : memref<104xi32, #tpu.memory_space<hbm>>) target(%arg14 : memref<104xi32, #tpu.memory_space<vmem>>) target_semaphore(%arg23 : memref<!tpu.dma_semaphore, #tpu.memory_space<semaphore_mem>>)
      %add3A_242 = arith.constant 6 : i32
      %add3A_243 = arith.addi %mul3A_46, %add3A_242 : i32
      %mul3A_244 = arith.constant 104 : i32
      %mul3A_245 = arith.muli %add3A_243, %mul3A_244 : i32
      %dma_start3A_246 = tpu.memref_slice %arg7[%mul3A_245] : memref<10000xi32, #tpu.memory_space<vmem>> -> memref<104xi32, #tpu.memory_space<vmem>>
      %dma_start3A_247 = arith.constant 0 : i32
      %dma_start3A_248 = arith.constant 0 : i32
      %dma_start3A_249 = tpu.memref_slice %arg2[%dma_start3A_247, %dma_start3A_248] : memref<10000x128xf32, #tpu.memory_space<hbm>> -> memref<10000x128xf32, #tpu.memory_space<hbm>>
      tpu.enqueue_indirect_dma source(%dma_start3A_249 : memref<10000x128xf32, #tpu.memory_space<hbm>>) target(%arg8 : memref<104x128xf32, #tpu.memory_space<vmem>>) offsets(%dma_start3A_246 : memref<104xi32, #tpu.memory_space<vmem>>) semaphore(%arg26 : memref<!tpu.dma_semaphore, #tpu.memory_space<semaphore_mem>>)
      %dma_wait3A_250 = tpu.memref_slice %arg7[%mul3A_216] : memref<10000xi32, #tpu.memory_space<vmem>> -> memref<104xi32, #tpu.memory_space<vmem>>
      %dma_wait3A_251 = arith.constant 0 : i32
      %dma_wait3A_252 = arith.constant 0 : i32
      %dma_wait3A_253 = tpu.memref_slice %arg2[%dma_wait3A_251, %dma_wait3A_252] : memref<10000x128xf32, #tpu.memory_space<hbm>> -> memref<10000x128xf32, #tpu.memory_space<hbm>>
      tpu.wait_indirect_dma semaphore(%arg28 : memref<!tpu.dma_semaphore, #tpu.memory_space<semaphore_mem>>) src(%dma_wait3A_253 : memref<10000x128xf32, #tpu.memory_space<hbm>>) dst(%arg10 : memref<104x128xf32, #tpu.memory_space<vmem>>)
      %dma_wait3A_254 = tpu.memref_slice %arg4[%add3A_98] : memref<320000xi32, #tpu.memory_space<hbm>> -> memref<104xi32, #tpu.memory_space<hbm>>
      %dma_wait3A_255 = tpu.memref_slice %arg4[%add3A_98] : memref<320000xi32, #tpu.memory_space<hbm>> -> memref<104xi32, #tpu.memory_space<hbm>>
      tpu.wait_dma2 semaphore(%arg25 : memref<!tpu.dma_semaphore, #tpu.memory_space<semaphore_mem>>) src(%dma_wait3A_255 : memref<104xi32, #tpu.memory_space<hbm>>) dst(%arg16 : memref<104xi32, #tpu.memory_space<vmem>>)
      %dma_start3A_256 = arith.constant 0 : i32
      %dma_start3A_257 = arith.constant 0 : i32
      %dma_start3A_258 = tpu.memref_slice %arg18[%dma_start3A_256, %dma_start3A_257] : memref<10000x128xf32, #tpu.memory_space<vmem_shared>> -> memref<10000x128xf32, #tpu.memory_space<vmem_shared>>
      tpu.enqueue_indirect_dma source(%arg10 : memref<104x128xf32, #tpu.memory_space<vmem>>) target(%dma_start3A_258 : memref<10000x128xf32, #tpu.memory_space<vmem_shared>>) offsets(%arg16 : memref<104xi32, #tpu.memory_space<vmem>>) semaphore(%arg31 : memref<!tpu.dma_semaphore, #tpu.memory_space<semaphore_mem>>) {add = true}
      %dma_wait3A_259 = arith.constant 0 : i32
      %dma_wait3A_260 = arith.constant 0 : i32
      %dma_wait3A_261 = tpu.memref_slice %arg18[%dma_wait3A_259, %dma_wait3A_260] : memref<10000x128xf32, #tpu.memory_space<vmem_shared>> -> memref<10000x128xf32, #tpu.memory_space<vmem_shared>>
      tpu.wait_indirect_dma semaphore(%arg30 : memref<!tpu.dma_semaphore, #tpu.memory_space<semaphore_mem>>) src(%arg9 : memref<104x128xf32, #tpu.memory_space<vmem>>) dst(%dma_wait3A_261 : memref<10000x128xf32, #tpu.memory_space<vmem_shared>>)
      %add3A_262 = arith.constant 10 : i32
      %add3A_263 = arith.addi %mul3A_46, %add3A_262 : i32
      %mul3A_264 = arith.constant 10000 : i32
      %mul3A_265 = arith.muli %add3A, %mul3A_264 : i32
      %mul3A_266 = arith.constant 104 : i32
      %mul3A_267 = arith.muli %add3A_263, %mul3A_266 : i32
      %add3A_268 = arith.addi %mul3A_265, %mul3A_267 : i32
      %dma_start3A_269 = tpu.memref_slice %arg4[%add3A_268] : memref<320000xi32, #tpu.memory_space<hbm>> -> memref<104xi32, #tpu.memory_space<hbm>>
      %dma_start3A_270 = tpu.memref_slice %arg4[%add3A_268] : memref<320000xi32, #tpu.memory_space<hbm>> -> memref<104xi32, #tpu.memory_space<hbm>>
      tpu.enqueue_dma source(%dma_start3A_270 : memref<104xi32, #tpu.memory_space<hbm>>) target(%arg15 : memref<104xi32, #tpu.memory_space<vmem>>) target_semaphore(%arg24 : memref<!tpu.dma_semaphore, #tpu.memory_space<semaphore_mem>>)
      %add3A_271 = arith.constant 7 : i32
      %add3A_272 = arith.addi %mul3A_46, %add3A_271 : i32
      %mul3A_273 = arith.constant 104 : i32
      %mul3A_274 = arith.muli %add3A_272, %mul3A_273 : i32
      %dma_start3A_275 = tpu.memref_slice %arg7[%mul3A_274] : memref<10000xi32, #tpu.memory_space<vmem>> -> memref<104xi32, #tpu.memory_space<vmem>>
      %dma_start3A_276 = arith.constant 0 : i32
      %dma_start3A_277 = arith.constant 0 : i32
      %dma_start3A_278 = tpu.memref_slice %arg2[%dma_start3A_276, %dma_start3A_277] : memref<10000x128xf32, #tpu.memory_space<hbm>> -> memref<10000x128xf32, #tpu.memory_space<hbm>>
      tpu.enqueue_indirect_dma source(%dma_start3A_278 : memref<10000x128xf32, #tpu.memory_space<hbm>>) target(%arg9 : memref<104x128xf32, #tpu.memory_space<vmem>>) offsets(%dma_start3A_275 : memref<104xi32, #tpu.memory_space<vmem>>) semaphore(%arg27 : memref<!tpu.dma_semaphore, #tpu.memory_space<semaphore_mem>>)
      %dma_wait3A_279 = tpu.memref_slice %arg7[%mul3A_245] : memref<10000xi32, #tpu.memory_space<vmem>> -> memref<104xi32, #tpu.memory_space<vmem>>
      %dma_wait3A_280 = arith.constant 0 : i32
      %dma_wait3A_281 = arith.constant 0 : i32
      %dma_wait3A_282 = tpu.memref_slice %arg2[%dma_wait3A_280, %dma_wait3A_281] : memref<10000x128xf32, #tpu.memory_space<hbm>> -> memref<10000x128xf32, #tpu.memory_space<hbm>>
      tpu.wait_indirect_dma semaphore(%arg26 : memref<!tpu.dma_semaphore, #tpu.memory_space<semaphore_mem>>) src(%dma_wait3A_282 : memref<10000x128xf32, #tpu.memory_space<hbm>>) dst(%arg8 : memref<104x128xf32, #tpu.memory_space<vmem>>)
      %dma_wait3A_283 = tpu.memref_slice %arg4[%add3A_152] : memref<320000xi32, #tpu.memory_space<hbm>> -> memref<104xi32, #tpu.memory_space<hbm>>
      %dma_wait3A_284 = tpu.memref_slice %arg4[%add3A_152] : memref<320000xi32, #tpu.memory_space<hbm>> -> memref<104xi32, #tpu.memory_space<hbm>>
      tpu.wait_dma2 semaphore(%arg20 : memref<!tpu.dma_semaphore, #tpu.memory_space<semaphore_mem>>) src(%dma_wait3A_284 : memref<104xi32, #tpu.memory_space<hbm>>) dst(%arg11 : memref<104xi32, #tpu.memory_space<vmem>>)
      %dma_start3A_285 = arith.constant 0 : i32
      %dma_start3A_286 = arith.constant 0 : i32
      %dma_start3A_287 = tpu.memref_slice %arg18[%dma_start3A_285, %dma_start3A_286] : memref<10000x128xf32, #tpu.memory_space<vmem_shared>> -> memref<10000x128xf32, #tpu.memory_space<vmem_shared>>
      tpu.enqueue_indirect_dma source(%arg8 : memref<104x128xf32, #tpu.memory_space<vmem>>) target(%dma_start3A_287 : memref<10000x128xf32, #tpu.memory_space<vmem_shared>>) offsets(%arg11 : memref<104xi32, #tpu.memory_space<vmem>>) semaphore(%arg29 : memref<!tpu.dma_semaphore, #tpu.memory_space<semaphore_mem>>) {add = true}
      %dma_wait3A_288 = arith.constant 0 : i32
      %dma_wait3A_289 = arith.constant 0 : i32
      %dma_wait3A_290 = tpu.memref_slice %arg18[%dma_wait3A_288, %dma_wait3A_289] : memref<10000x128xf32, #tpu.memory_space<vmem_shared>> -> memref<10000x128xf32, #tpu.memory_space<vmem_shared>>
      tpu.wait_indirect_dma semaphore(%arg31 : memref<!tpu.dma_semaphore, #tpu.memory_space<semaphore_mem>>) src(%arg10 : memref<104x128xf32, #tpu.memory_space<vmem>>) dst(%dma_wait3A_290 : memref<10000x128xf32, #tpu.memory_space<vmem_shared>>)
      %add3A_291 = arith.constant 11 : i32
      %add3A_292 = arith.addi %mul3A_46, %add3A_291 : i32
      %mul3A_293 = arith.constant 10000 : i32
      %mul3A_294 = arith.muli %add3A, %mul3A_293 : i32
      %mul3A_295 = arith.constant 104 : i32
      %mul3A_296 = arith.muli %add3A_292, %mul3A_295 : i32
      %add3A_297 = arith.addi %mul3A_294, %mul3A_296 : i32
      %dma_start3A_298 = tpu.memref_slice %arg4[%add3A_297] : memref<320000xi32, #tpu.memory_space<hbm>> -> memref<104xi32, #tpu.memory_space<hbm>>
      %dma_start3A_299 = tpu.memref_slice %arg4[%add3A_297] : memref<320000xi32, #tpu.memory_space<hbm>> -> memref<104xi32, #tpu.memory_space<hbm>>
      tpu.enqueue_dma source(%dma_start3A_299 : memref<104xi32, #tpu.memory_space<hbm>>) target(%arg16 : memref<104xi32, #tpu.memory_space<vmem>>) target_semaphore(%arg25 : memref<!tpu.dma_semaphore, #tpu.memory_space<semaphore_mem>>)
      %add3A_300 = arith.constant 8 : i32
      %add3A_301 = arith.addi %mul3A_46, %add3A_300 : i32
      %mul3A_302 = arith.constant 104 : i32
      %mul3A_303 = arith.muli %add3A_301, %mul3A_302 : i32
      %dma_start3A_304 = tpu.memref_slice %arg7[%mul3A_303] : memref<10000xi32, #tpu.memory_space<vmem>> -> memref<104xi32, #tpu.memory_space<vmem>>
      %dma_start3A_305 = arith.constant 0 : i32
      %dma_start3A_306 = arith.constant 0 : i32
      %dma_start3A_307 = tpu.memref_slice %arg2[%dma_start3A_305, %dma_start3A_306] : memref<10000x128xf32, #tpu.memory_space<hbm>> -> memref<10000x128xf32, #tpu.memory_space<hbm>>
      tpu.enqueue_indirect_dma source(%dma_start3A_307 : memref<10000x128xf32, #tpu.memory_space<hbm>>) target(%arg10 : memref<104x128xf32, #tpu.memory_space<vmem>>) offsets(%dma_start3A_304 : memref<104xi32, #tpu.memory_space<vmem>>) semaphore(%arg28 : memref<!tpu.dma_semaphore, #tpu.memory_space<semaphore_mem>>)
      %dma_wait3A_308 = tpu.memref_slice %arg7[%mul3A_274] : memref<10000xi32, #tpu.memory_space<vmem>> -> memref<104xi32, #tpu.memory_space<vmem>>
      %dma_wait3A_309 = arith.constant 0 : i32
      %dma_wait3A_310 = arith.constant 0 : i32
      %dma_wait3A_311 = tpu.memref_slice %arg2[%dma_wait3A_309, %dma_wait3A_310] : memref<10000x128xf32, #tpu.memory_space<hbm>> -> memref<10000x128xf32, #tpu.memory_space<hbm>>
      tpu.wait_indirect_dma semaphore(%arg27 : memref<!tpu.dma_semaphore, #tpu.memory_space<semaphore_mem>>) src(%dma_wait3A_311 : memref<10000x128xf32, #tpu.memory_space<hbm>>) dst(%arg9 : memref<104x128xf32, #tpu.memory_space<vmem>>)
      %dma_wait3A_312 = tpu.memref_slice %arg4[%add3A_181] : memref<320000xi32, #tpu.memory_space<hbm>> -> memref<104xi32, #tpu.memory_space<hbm>>
      %dma_wait3A_313 = tpu.memref_slice %arg4[%add3A_181] : memref<320000xi32, #tpu.memory_space<hbm>> -> memref<104xi32, #tpu.memory_space<hbm>>
      tpu.wait_dma2 semaphore(%arg21 : memref<!tpu.dma_semaphore, #tpu.memory_space<semaphore_mem>>) src(%dma_wait3A_313 : memref<104xi32, #tpu.memory_space<hbm>>) dst(%arg12 : memref<104xi32, #tpu.memory_space<vmem>>)
      %dma_start3A_314 = arith.constant 0 : i32
      %dma_start3A_315 = arith.constant 0 : i32
      %dma_start3A_316 = tpu.memref_slice %arg18[%dma_start3A_314, %dma_start3A_315] : memref<10000x128xf32, #tpu.memory_space<vmem_shared>> -> memref<10000x128xf32, #tpu.memory_space<vmem_shared>>
      tpu.enqueue_indirect_dma source(%arg9 : memref<104x128xf32, #tpu.memory_space<vmem>>) target(%dma_start3A_316 : memref<10000x128xf32, #tpu.memory_space<vmem_shared>>) offsets(%arg12 : memref<104xi32, #tpu.memory_space<vmem>>) semaphore(%arg30 : memref<!tpu.dma_semaphore, #tpu.memory_space<semaphore_mem>>) {add = true}
      %dma_wait3A_317 = arith.constant 0 : i32
      %dma_wait3A_318 = arith.constant 0 : i32
      %dma_wait3A_319 = tpu.memref_slice %arg18[%dma_wait3A_317, %dma_wait3A_318] : memref<10000x128xf32, #tpu.memory_space<vmem_shared>> -> memref<10000x128xf32, #tpu.memory_space<vmem_shared>>
      tpu.wait_indirect_dma semaphore(%arg29 : memref<!tpu.dma_semaphore, #tpu.memory_space<semaphore_mem>>) src(%arg8 : memref<104x128xf32, #tpu.memory_space<vmem>>) dst(%dma_wait3A_319 : memref<10000x128xf32, #tpu.memory_space<vmem_shared>>)
      %add3A_320 = arith.constant 9 : i32
      %add3A_321 = arith.addi %mul3A_46, %add3A_320 : i32
      %mul3A_322 = arith.constant 104 : i32
      %mul3A_323 = arith.muli %add3A_321, %mul3A_322 : i32
      %dma_start3A_324 = tpu.memref_slice %arg7[%mul3A_323] : memref<10000xi32, #tpu.memory_space<vmem>> -> memref<104xi32, #tpu.memory_space<vmem>>
      %dma_start3A_325 = arith.constant 0 : i32
      %dma_start3A_326 = arith.constant 0 : i32
      %dma_start3A_327 = tpu.memref_slice %arg2[%dma_start3A_325, %dma_start3A_326] : memref<10000x128xf32, #tpu.memory_space<hbm>> -> memref<10000x128xf32, #tpu.memory_space<hbm>>
      tpu.enqueue_indirect_dma source(%dma_start3A_327 : memref<10000x128xf32, #tpu.memory_space<hbm>>) target(%arg8 : memref<104x128xf32, #tpu.memory_space<vmem>>) offsets(%dma_start3A_324 : memref<104xi32, #tpu.memory_space<vmem>>) semaphore(%arg26 : memref<!tpu.dma_semaphore, #tpu.memory_space<semaphore_mem>>)
      %dma_wait3A_328 = tpu.memref_slice %arg7[%mul3A_303] : memref<10000xi32, #tpu.memory_space<vmem>> -> memref<104xi32, #tpu.memory_space<vmem>>
      %dma_wait3A_329 = arith.constant 0 : i32
      %dma_wait3A_330 = arith.constant 0 : i32
      %dma_wait3A_331 = tpu.memref_slice %arg2[%dma_wait3A_329, %dma_wait3A_330] : memref<10000x128xf32, #tpu.memory_space<hbm>> -> memref<10000x128xf32, #tpu.memory_space<hbm>>
      tpu.wait_indirect_dma semaphore(%arg28 : memref<!tpu.dma_semaphore, #tpu.memory_space<semaphore_mem>>) src(%dma_wait3A_331 : memref<10000x128xf32, #tpu.memory_space<hbm>>) dst(%arg10 : memref<104x128xf32, #tpu.memory_space<vmem>>)
      %dma_wait3A_332 = tpu.memref_slice %arg4[%add3A_210] : memref<320000xi32, #tpu.memory_space<hbm>> -> memref<104xi32, #tpu.memory_space<hbm>>
      %dma_wait3A_333 = tpu.memref_slice %arg4[%add3A_210] : memref<320000xi32, #tpu.memory_space<hbm>> -> memref<104xi32, #tpu.memory_space<hbm>>
      tpu.wait_dma2 semaphore(%arg22 : memref<!tpu.dma_semaphore, #tpu.memory_space<semaphore_mem>>) src(%dma_wait3A_333 : memref<104xi32, #tpu.memory_space<hbm>>) dst(%arg13 : memref<104xi32, #tpu.memory_space<vmem>>)
      %dma_start3A_334 = arith.constant 0 : i32
      %dma_start3A_335 = arith.constant 0 : i32
      %dma_start3A_336 = tpu.memref_slice %arg18[%dma_start3A_334, %dma_start3A_335] : memref<10000x128xf32, #tpu.memory_space<vmem_shared>> -> memref<10000x128xf32, #tpu.memory_space<vmem_shared>>
      tpu.enqueue_indirect_dma source(%arg10 : memref<104x128xf32, #tpu.memory_space<vmem>>) target(%dma_start3A_336 : memref<10000x128xf32, #tpu.memory_space<vmem_shared>>) offsets(%arg13 : memref<104xi32, #tpu.memory_space<vmem>>) semaphore(%arg31 : memref<!tpu.dma_semaphore, #tpu.memory_space<semaphore_mem>>) {add = true}
      %dma_wait3A_337 = arith.constant 0 : i32
      %dma_wait3A_338 = arith.constant 0 : i32
      %dma_wait3A_339 = tpu.memref_slice %arg18[%dma_wait3A_337, %dma_wait3A_338] : memref<10000x128xf32, #tpu.memory_space<vmem_shared>> -> memref<10000x128xf32, #tpu.memory_space<vmem_shared>>
      tpu.wait_indirect_dma semaphore(%arg30 : memref<!tpu.dma_semaphore, #tpu.memory_space<semaphore_mem>>) src(%arg9 : memref<104x128xf32, #tpu.memory_space<vmem>>) dst(%dma_wait3A_339 : memref<10000x128xf32, #tpu.memory_space<vmem_shared>>)
      %add3A_340 = arith.constant 10 : i32
      %add3A_341 = arith.addi %mul3A_46, %add3A_340 : i32
      %mul3A_342 = arith.constant 104 : i32
      %mul3A_343 = arith.muli %add3A_341, %mul3A_342 : i32
      %dma_start3A_344 = tpu.memref_slice %arg7[%mul3A_343] : memref<10000xi32, #tpu.memory_space<vmem>> -> memref<104xi32, #tpu.memory_space<vmem>>
      %dma_start3A_345 = arith.constant 0 : i32
      %dma_start3A_346 = arith.constant 0 : i32
      %dma_start3A_347 = tpu.memref_slice %arg2[%dma_start3A_345, %dma_start3A_346] : memref<10000x128xf32, #tpu.memory_space<hbm>> -> memref<10000x128xf32, #tpu.memory_space<hbm>>
      tpu.enqueue_indirect_dma source(%dma_start3A_347 : memref<10000x128xf32, #tpu.memory_space<hbm>>) target(%arg9 : memref<104x128xf32, #tpu.memory_space<vmem>>) offsets(%dma_start3A_344 : memref<104xi32, #tpu.memory_space<vmem>>) semaphore(%arg27 : memref<!tpu.dma_semaphore, #tpu.memory_space<semaphore_mem>>)
      %dma_wait3A_348 = tpu.memref_slice %arg7[%mul3A_323] : memref<10000xi32, #tpu.memory_space<vmem>> -> memref<104xi32, #tpu.memory_space<vmem>>
      %dma_wait3A_349 = arith.constant 0 : i32
      %dma_wait3A_350 = arith.constant 0 : i32
      %dma_wait3A_351 = tpu.memref_slice %arg2[%dma_wait3A_349, %dma_wait3A_350] : memref<10000x128xf32, #tpu.memory_space<hbm>> -> memref<10000x128xf32, #tpu.memory_space<hbm>>
      tpu.wait_indirect_dma semaphore(%arg26 : memref<!tpu.dma_semaphore, #tpu.memory_space<semaphore_mem>>) src(%dma_wait3A_351 : memref<10000x128xf32, #tpu.memory_space<hbm>>) dst(%arg8 : memref<104x128xf32, #tpu.memory_space<vmem>>)
      %dma_wait3A_352 = tpu.memref_slice %arg4[%add3A_239] : memref<320000xi32, #tpu.memory_space<hbm>> -> memref<104xi32, #tpu.memory_space<hbm>>
      %dma_wait3A_353 = tpu.memref_slice %arg4[%add3A_239] : memref<320000xi32, #tpu.memory_space<hbm>> -> memref<104xi32, #tpu.memory_space<hbm>>
      tpu.wait_dma2 semaphore(%arg23 : memref<!tpu.dma_semaphore, #tpu.memory_space<semaphore_mem>>) src(%dma_wait3A_353 : memref<104xi32, #tpu.memory_space<hbm>>) dst(%arg14 : memref<104xi32, #tpu.memory_space<vmem>>)
      %dma_start3A_354 = arith.constant 0 : i32
      %dma_start3A_355 = arith.constant 0 : i32
      %dma_start3A_356 = tpu.memref_slice %arg18[%dma_start3A_354, %dma_start3A_355] : memref<10000x128xf32, #tpu.memory_space<vmem_shared>> -> memref<10000x128xf32, #tpu.memory_space<vmem_shared>>
      tpu.enqueue_indirect_dma source(%arg8 : memref<104x128xf32, #tpu.memory_space<vmem>>) target(%dma_start3A_356 : memref<10000x128xf32, #tpu.memory_space<vmem_shared>>) offsets(%arg14 : memref<104xi32, #tpu.memory_space<vmem>>) semaphore(%arg29 : memref<!tpu.dma_semaphore, #tpu.memory_space<semaphore_mem>>) {add = true}
      %dma_wait3A_357 = arith.constant 0 : i32
      %dma_wait3A_358 = arith.constant 0 : i32
      %dma_wait3A_359 = tpu.memref_slice %arg18[%dma_wait3A_357, %dma_wait3A_358] : memref<10000x128xf32, #tpu.memory_space<vmem_shared>> -> memref<10000x128xf32, #tpu.memory_space<vmem_shared>>
      tpu.wait_indirect_dma semaphore(%arg31 : memref<!tpu.dma_semaphore, #tpu.memory_space<semaphore_mem>>) src(%arg10 : memref<104x128xf32, #tpu.memory_space<vmem>>) dst(%dma_wait3A_359 : memref<10000x128xf32, #tpu.memory_space<vmem_shared>>)
      %add3A_360 = arith.constant 11 : i32
      %add3A_361 = arith.addi %mul3A_46, %add3A_360 : i32
      %mul3A_362 = arith.constant 104 : i32
      %mul3A_363 = arith.muli %add3A_361, %mul3A_362 : i32
      %dma_start3A_364 = tpu.memref_slice %arg7[%mul3A_363] : memref<10000xi32, #tpu.memory_space<vmem>> -> memref<104xi32, #tpu.memory_space<vmem>>
      %dma_start3A_365 = arith.constant 0 : i32
      %dma_start3A_366 = arith.constant 0 : i32
      %dma_start3A_367 = tpu.memref_slice %arg2[%dma_start3A_365, %dma_start3A_366] : memref<10000x128xf32, #tpu.memory_space<hbm>> -> memref<10000x128xf32, #tpu.memory_space<hbm>>
      tpu.enqueue_indirect_dma source(%dma_start3A_367 : memref<10000x128xf32, #tpu.memory_space<hbm>>) target(%arg10 : memref<104x128xf32, #tpu.memory_space<vmem>>) offsets(%dma_start3A_364 : memref<104xi32, #tpu.memory_space<vmem>>) semaphore(%arg28 : memref<!tpu.dma_semaphore, #tpu.memory_space<semaphore_mem>>)
      %dma_wait3A_368 = tpu.memref_slice %arg7[%mul3A_343] : memref<10000xi32, #tpu.memory_space<vmem>> -> memref<104xi32, #tpu.memory_space<vmem>>
      %dma_wait3A_369 = arith.constant 0 : i32
      %dma_wait3A_370 = arith.constant 0 : i32
      %dma_wait3A_371 = tpu.memref_slice %arg2[%dma_wait3A_369, %dma_wait3A_370] : memref<10000x128xf32, #tpu.memory_space<hbm>> -> memref<10000x128xf32, #tpu.memory_space<hbm>>
      tpu.wait_indirect_dma semaphore(%arg27 : memref<!tpu.dma_semaphore, #tpu.memory_space<semaphore_mem>>) src(%dma_wait3A_371 : memref<10000x128xf32, #tpu.memory_space<hbm>>) dst(%arg9 : memref<104x128xf32, #tpu.memory_space<vmem>>)
      %dma_wait3A_372 = tpu.memref_slice %arg4[%add3A_268] : memref<320000xi32, #tpu.memory_space<hbm>> -> memref<104xi32, #tpu.memory_space<hbm>>
      %dma_wait3A_373 = tpu.memref_slice %arg4[%add3A_268] : memref<320000xi32, #tpu.memory_space<hbm>> -> memref<104xi32, #tpu.memory_space<hbm>>
      tpu.wait_dma2 semaphore(%arg24 : memref<!tpu.dma_semaphore, #tpu.memory_space<semaphore_mem>>) src(%dma_wait3A_373 : memref<104xi32, #tpu.memory_space<hbm>>) dst(%arg15 : memref<104xi32, #tpu.memory_space<vmem>>)
      %dma_start3A_374 = arith.constant 0 : i32
      %dma_start3A_375 = arith.constant 0 : i32
      %dma_start3A_376 = tpu.memref_slice %arg18[%dma_start3A_374, %dma_start3A_375] : memref<10000x128xf32, #tpu.memory_space<vmem_shared>> -> memref<10000x128xf32, #tpu.memory_space<vmem_shared>>
      tpu.enqueue_indirect_dma source(%arg9 : memref<104x128xf32, #tpu.memory_space<vmem>>) target(%dma_start3A_376 : memref<10000x128xf32, #tpu.memory_space<vmem_shared>>) offsets(%arg15 : memref<104xi32, #tpu.memory_space<vmem>>) semaphore(%arg30 : memref<!tpu.dma_semaphore, #tpu.memory_space<semaphore_mem>>) {add = true}
      %dma_wait3A_377 = tpu.memref_slice %arg7[%mul3A_363] : memref<10000xi32, #tpu.memory_space<vmem>> -> memref<104xi32, #tpu.memory_space<vmem>>
      %dma_wait3A_378 = arith.constant 0 : i32
      %dma_wait3A_379 = arith.constant 0 : i32
      %dma_wait3A_380 = tpu.memref_slice %arg2[%dma_wait3A_378, %dma_wait3A_379] : memref<10000x128xf32, #tpu.memory_space<hbm>> -> memref<10000x128xf32, #tpu.memory_space<hbm>>
      tpu.wait_indirect_dma semaphore(%arg28 : memref<!tpu.dma_semaphore, #tpu.memory_space<semaphore_mem>>) src(%dma_wait3A_380 : memref<10000x128xf32, #tpu.memory_space<hbm>>) dst(%arg10 : memref<104x128xf32, #tpu.memory_space<vmem>>)
      %dma_wait3A_381 = tpu.memref_slice %arg4[%add3A_297] : memref<320000xi32, #tpu.memory_space<hbm>> -> memref<104xi32, #tpu.memory_space<hbm>>
      %dma_wait3A_382 = tpu.memref_slice %arg4[%add3A_297] : memref<320000xi32, #tpu.memory_space<hbm>> -> memref<104xi32, #tpu.memory_space<hbm>>
      tpu.wait_dma2 semaphore(%arg25 : memref<!tpu.dma_semaphore, #tpu.memory_space<semaphore_mem>>) src(%dma_wait3A_382 : memref<104xi32, #tpu.memory_space<hbm>>) dst(%arg16 : memref<104xi32, #tpu.memory_space<vmem>>)
      %dma_start3A_383 = arith.constant 0 : i32
      %dma_start3A_384 = arith.constant 0 : i32
      %dma_start3A_385 = tpu.memref_slice %arg18[%dma_start3A_383, %dma_start3A_384] : memref<10000x128xf32, #tpu.memory_space<vmem_shared>> -> memref<10000x128xf32, #tpu.memory_space<vmem_shared>>
      tpu.enqueue_indirect_dma source(%arg10 : memref<104x128xf32, #tpu.memory_space<vmem>>) target(%dma_start3A_385 : memref<10000x128xf32, #tpu.memory_space<vmem_shared>>) offsets(%arg16 : memref<104xi32, #tpu.memory_space<vmem>>) semaphore(%arg31 : memref<!tpu.dma_semaphore, #tpu.memory_space<semaphore_mem>>) {add = true}
      %dma_wait3A_386 = arith.constant 0 : i32
      %dma_wait3A_387 = arith.constant 0 : i32
      %dma_wait3A_388 = tpu.memref_slice %arg18[%dma_wait3A_386, %dma_wait3A_387] : memref<10000x128xf32, #tpu.memory_space<vmem_shared>> -> memref<10000x128xf32, #tpu.memory_space<vmem_shared>>
      tpu.wait_indirect_dma semaphore(%arg29 : memref<!tpu.dma_semaphore, #tpu.memory_space<semaphore_mem>>) src(%arg8 : memref<104x128xf32, #tpu.memory_space<vmem>>) dst(%dma_wait3A_388 : memref<10000x128xf32, #tpu.memory_space<vmem_shared>>)
      %dma_wait3A_389 = arith.constant 0 : i32
      %dma_wait3A_390 = arith.constant 0 : i32
      %dma_wait3A_391 = tpu.memref_slice %arg18[%dma_wait3A_389, %dma_wait3A_390] : memref<10000x128xf32, #tpu.memory_space<vmem_shared>> -> memref<10000x128xf32, #tpu.memory_space<vmem_shared>>
      tpu.wait_indirect_dma semaphore(%arg30 : memref<!tpu.dma_semaphore, #tpu.memory_space<semaphore_mem>>) src(%arg9 : memref<104x128xf32, #tpu.memory_space<vmem>>) dst(%dma_wait3A_391 : memref<10000x128xf32, #tpu.memory_space<vmem_shared>>)
      %dma_wait3A_392 = arith.constant 0 : i32
      %dma_wait3A_393 = arith.constant 0 : i32
      %dma_wait3A_394 = tpu.memref_slice %arg18[%dma_wait3A_392, %dma_wait3A_393] : memref<10000x128xf32, #tpu.memory_space<vmem_shared>> -> memref<10000x128xf32, #tpu.memory_space<vmem_shared>>
      tpu.wait_indirect_dma semaphore(%arg31 : memref<!tpu.dma_semaphore, #tpu.memory_space<semaphore_mem>>) src(%arg10 : memref<104x128xf32, #tpu.memory_space<vmem>>) dst(%dma_wait3A_394 : memref<10000x128xf32, #tpu.memory_space<vmem_shared>>)
    }
    %scan3A_13 = arith.constant 8 : i32
    %mul3A_14 = arith.constant 10000 : i32
    %mul3A_15 = arith.muli %add3A, %mul3A_14 : i32
    %add3A_16 = arith.constant 9984 : i32
    %add3A_17 = arith.addi %mul3A_15, %add3A_16 : i32
    %dma_start3A_18 = tpu.memref_slice %arg4[%add3A_17] : memref<320000xi32, #tpu.memory_space<hbm>> -> memref<16xi32, #tpu.memory_space<hbm>>
    %dma_start3A_19 = tpu.memref_slice %arg4[%add3A_17] : memref<320000xi32, #tpu.memory_space<hbm>> -> memref<16xi32, #tpu.memory_space<hbm>>
    tpu.enqueue_dma source(%dma_start3A_19 : memref<16xi32, #tpu.memory_space<hbm>>) target(%arg17 : memref<16xi32, #tpu.memory_space<vmem>>) target_semaphore(%arg32 : memref<!tpu.dma_semaphore, #tpu.memory_space<semaphore_mem>>)
    %dma_start3A_20 = arith.constant 0 : i32
    %dma_start3A_21 = arith.constant 0 : i32
    %dma_start3A_22 = tpu.memref_slice %arg8[%dma_start3A_20, %dma_start3A_21] : memref<104x128xf32, #tpu.memory_space<vmem>> -> memref<16x128xf32, #tpu.memory_space<vmem>>
    %dma_start3A_23 = arith.constant 9984 : i32
    %dma_start3A_24 = tpu.memref_slice %arg7[%dma_start3A_23] : memref<10000xi32, #tpu.memory_space<vmem>> -> memref<16xi32, #tpu.memory_space<vmem>>
    %dma_start3A_25 = arith.constant 0 : i32
    %dma_start3A_26 = arith.constant 0 : i32
    %dma_start3A_27 = tpu.memref_slice %arg2[%dma_start3A_25, %dma_start3A_26] : memref<10000x128xf32, #tpu.memory_space<hbm>> -> memref<10000x128xf32, #tpu.memory_space<hbm>>
    tpu.enqueue_indirect_dma source(%dma_start3A_27 : memref<10000x128xf32, #tpu.memory_space<hbm>>) target(%dma_start3A_22 : memref<16x128xf32, #tpu.memory_space<vmem>>) offsets(%dma_start3A_24 : memref<16xi32, #tpu.memory_space<vmem>>) semaphore(%arg32 : memref<!tpu.dma_semaphore, #tpu.memory_space<semaphore_mem>>)
    %dma_wait3A_28 = tpu.memref_slice %arg4[%add3A_17] : memref<320000xi32, #tpu.memory_space<hbm>> -> memref<16xi32, #tpu.memory_space<hbm>>
    %dma_wait3A_29 = tpu.memref_slice %arg4[%add3A_17] : memref<320000xi32, #tpu.memory_space<hbm>> -> memref<16xi32, #tpu.memory_space<hbm>>
    tpu.wait_dma2 semaphore(%arg32 : memref<!tpu.dma_semaphore, #tpu.memory_space<semaphore_mem>>) src(%dma_wait3A_29 : memref<16xi32, #tpu.memory_space<hbm>>) dst(%arg17 : memref<16xi32, #tpu.memory_space<vmem>>)
    %dma_wait3A_30 = arith.constant 0 : i32
    %dma_wait3A_31 = arith.constant 0 : i32
    %dma_wait3A_32 = tpu.memref_slice %arg8[%dma_wait3A_30, %dma_wait3A_31] : memref<104x128xf32, #tpu.memory_space<vmem>> -> memref<16x128xf32, #tpu.memory_space<vmem>>
    %dma_wait3A_33 = arith.constant 9984 : i32
    %dma_wait3A_34 = tpu.memref_slice %arg7[%dma_wait3A_33] : memref<10000xi32, #tpu.memory_space<vmem>> -> memref<16xi32, #tpu.memory_space<vmem>>
    %dma_wait3A_35 = arith.constant 0 : i32
    %dma_wait3A_36 = arith.constant 0 : i32
    %dma_wait3A_37 = tpu.memref_slice %arg2[%dma_wait3A_35, %dma_wait3A_36] : memref<10000x128xf32, #tpu.memory_space<hbm>> -> memref<10000x128xf32, #tpu.memory_space<hbm>>
    tpu.wait_indirect_dma semaphore(%arg32 : memref<!tpu.dma_semaphore, #tpu.memory_space<semaphore_mem>>) src(%dma_wait3A_37 : memref<10000x128xf32, #tpu.memory_space<hbm>>) dst(%dma_wait3A_32 : memref<16x128xf32, #tpu.memory_space<vmem>>)
    "tpu.region"() ({
      %run_scoped3A = tpu.sem_alloc : memref<!tpu.dma_semaphore, #tpu.memory_space<semaphore_mem>>
      %dma_start3A_44 = arith.constant 0 : i32
      %dma_start3A_45 = arith.constant 0 : i32
      %dma_start3A_46 = tpu.memref_slice %arg8[%dma_start3A_44, %dma_start3A_45] : memref<104x128xf32, #tpu.memory_space<vmem>> -> memref<16x128xf32, #tpu.memory_space<vmem>>
      %dma_start3A_47 = arith.constant 0 : i32
      %dma_start3A_48 = arith.constant 0 : i32
      %dma_start3A_49 = tpu.memref_slice %arg18[%dma_start3A_47, %dma_start3A_48] : memref<10000x128xf32, #tpu.memory_space<vmem_shared>> -> memref<10000x128xf32, #tpu.memory_space<vmem_shared>>
      tpu.enqueue_indirect_dma source(%dma_start3A_46 : memref<16x128xf32, #tpu.memory_space<vmem>>) target(%dma_start3A_49 : memref<10000x128xf32, #tpu.memory_space<vmem_shared>>) offsets(%arg17 : memref<16xi32, #tpu.memory_space<vmem>>) semaphore(%run_scoped3A : memref<!tpu.dma_semaphore, #tpu.memory_space<semaphore_mem>>) {add = true}
      %dma_wait3A_50 = arith.constant 0 : i32
      %dma_wait3A_51 = arith.constant 0 : i32
      %dma_wait3A_52 = tpu.memref_slice %arg8[%dma_wait3A_50, %dma_wait3A_51] : memref<104x128xf32, #tpu.memory_space<vmem>> -> memref<16x128xf32, #tpu.memory_space<vmem>>
      %dma_wait3A_53 = arith.constant 0 : i32
      %dma_wait3A_54 = arith.constant 0 : i32
      %dma_wait3A_55 = tpu.memref_slice %arg18[%dma_wait3A_53, %dma_wait3A_54] : memref<10000x128xf32, #tpu.memory_space<vmem_shared>> -> memref<10000x128xf32, #tpu.memory_space<vmem_shared>>
      tpu.wait_indirect_dma semaphore(%run_scoped3A : memref<!tpu.dma_semaphore, #tpu.memory_space<semaphore_mem>>) src(%dma_wait3A_52 : memref<16x128xf32, #tpu.memory_space<vmem>>) dst(%dma_wait3A_55 : memref<10000x128xf32, #tpu.memory_space<vmem_shared>>)
      tpu.yield
    }) : () -> ()
    %barrier3A_38 = arith.constant 0 : index
    tpu.barrier barrier_id(%barrier3A_38)
    "tpu.region"() ({
      %run_scoped3A = tpu.sem_alloc : memref<!tpu.dma_semaphore, #tpu.memory_space<semaphore_mem>>
      %dma_start3A_44 = arith.constant 0 : i32
      %dma_start3A_45 = tpu.memref_slice %arg6[%arg0, %mul3A_5, %dma_start3A_44] : memref<2x10000x128xf32, #tpu.memory_space<hbm>> -> memref<1x624x128xf32, #tpu.memory_space<hbm>>
      %dma_start3A_46 = tpu.memref_squeeze %dma_start3A_45 : memref<1x624x128xf32, #tpu.memory_space<hbm>> -> memref<624x128xf32, #tpu.memory_space<hbm>>
      %dma_start3A_47 = arith.constant 0 : i32
      %dma_start3A_48 = tpu.memref_slice %arg18[%mul3A_5, %dma_start3A_47] : memref<10000x128xf32, #tpu.memory_space<vmem_shared>> -> memref<624x128xf32, #tpu.memory_space<vmem_shared>>
      tpu.enqueue_dma source(%dma_start3A_48 : memref<624x128xf32, #tpu.memory_space<vmem_shared>>) target(%dma_start3A_46 : memref<624x128xf32, #tpu.memory_space<hbm>>) target_semaphore(%run_scoped3A : memref<!tpu.dma_semaphore, #tpu.memory_space<semaphore_mem>>)
      %dma_wait3A_49 = arith.constant 0 : i32
      %dma_wait3A_50 = tpu.memref_slice %arg6[%arg0, %mul3A_5, %dma_wait3A_49] : memref<2x10000x128xf32, #tpu.memory_space<hbm>> -> memref<1x624x128xf32, #tpu.memory_space<hbm>>
      %dma_wait3A_51 = tpu.memref_squeeze %dma_wait3A_50 : memref<1x624x128xf32, #tpu.memory_space<hbm>> -> memref<624x128xf32, #tpu.memory_space<hbm>>
      %dma_wait3A_52 = arith.constant 0 : i32
      %dma_wait3A_53 = tpu.memref_slice %arg18[%mul3A_5, %dma_wait3A_52] : memref<10000x128xf32, #tpu.memory_space<vmem_shared>> -> memref<624x128xf32, #tpu.memory_space<vmem_shared>>
      tpu.wait_dma2 semaphore(%run_scoped3A : memref<!tpu.dma_semaphore, #tpu.memory_space<semaphore_mem>>) src(%dma_wait3A_53 : memref<624x128xf32, #tpu.memory_space<vmem_shared>>) dst(%dma_wait3A_51 : memref<624x128xf32, #tpu.memory_space<hbm>>)
      tpu.yield
    }) : () -> ()
    %eq3A_39 = arith.constant 15 : i32
    %eq3A_40 = arith.cmpi eq, %arg1, %eq3A_39 : i32
    %convert_element_type3A_41 = arith.extui %eq3A_40 : i1 to i32
    %cond3A_42 = arith.constant 0 : i32
    %cond3A_43 = arith.cmpi ne, %convert_element_type3A_41, %cond3A_42 : i32
    scf.if %cond3A_43 {
      "tpu.region"() ({
        %run_scoped3A = tpu.sem_alloc : memref<!tpu.dma_semaphore, #tpu.memory_space<semaphore_mem>>
        %dma_start3A_44 = arith.constant 9984 : i32
        %dma_start3A_45 = arith.constant 0 : i32
        %dma_start3A_46 = tpu.memref_slice %arg6[%arg0, %dma_start3A_44, %dma_start3A_45] : memref<2x10000x128xf32, #tpu.memory_space<hbm>> -> memref<1x16x128xf32, #tpu.memory_space<hbm>>
        %dma_start3A_47 = tpu.memref_squeeze %dma_start3A_46 : memref<1x16x128xf32, #tpu.memory_space<hbm>> -> memref<16x128xf32, #tpu.memory_space<hbm>>
        %dma_start3A_48 = arith.constant 9984 : i32
        %dma_start3A_49 = arith.constant 0 : i32
        %dma_start3A_50 = tpu.memref_slice %arg18[%dma_start3A_48, %dma_start3A_49] : memref<10000x128xf32, #tpu.memory_space<vmem_shared>> -> memref<16x128xf32, #tpu.memory_space<vmem_shared>>
        tpu.enqueue_dma source(%dma_start3A_50 : memref<16x128xf32, #tpu.memory_space<vmem_shared>>) target(%dma_start3A_47 : memref<16x128xf32, #tpu.memory_space<hbm>>) target_semaphore(%run_scoped3A : memref<!tpu.dma_semaphore, #tpu.memory_space<semaphore_mem>>)
        %dma_wait3A_51 = arith.constant 9984 : i32
        %dma_wait3A_52 = arith.constant 0 : i32
        %dma_wait3A_53 = tpu.memref_slice %arg6[%arg0, %dma_wait3A_51, %dma_wait3A_52] : memref<2x10000x128xf32, #tpu.memory_space<hbm>> -> memref<1x16x128xf32, #tpu.memory_space<hbm>>
        %dma_wait3A_54 = tpu.memref_squeeze %dma_wait3A_53 : memref<1x16x128xf32, #tpu.memory_space<hbm>> -> memref<16x128xf32, #tpu.memory_space<hbm>>
        %dma_wait3A_55 = arith.constant 9984 : i32
        %dma_wait3A_56 = arith.constant 0 : i32
        %dma_wait3A_57 = tpu.memref_slice %arg18[%dma_wait3A_55, %dma_wait3A_56] : memref<10000x128xf32, #tpu.memory_space<vmem_shared>> -> memref<16x128xf32, #tpu.memory_space<vmem_shared>>
        tpu.wait_dma2 semaphore(%run_scoped3A : memref<!tpu.dma_semaphore, #tpu.memory_space<semaphore_mem>>) src(%dma_wait3A_57 : memref<16x128xf32, #tpu.memory_space<vmem_shared>>) dst(%dma_wait3A_54 : memref<16x128xf32, #tpu.memory_space<hbm>>)
        tpu.yield
      }) : () -> ()
    } else {
    }
    return
  }
}

module attributes {stable_mosaic.version = 14 : i64} {
  func.func @body(%arg0: i32, %arg1: memref<2x1000x128xf32, #tpu.memory_space<vmem>>, %arg2: memref<1000x128xf32, #tpu.memory_space<vmem>>, %arg3: memref<128x128xf32, #tpu.memory_space<vmem>>, %arg4: memref<128x128xf32, #tpu.memory_space<vmem>>, %arg5: memref<1000x128xf32, #tpu.memory_space<vmem>>) attributes {dimension_semantics = [#tpu.dimension_semantics<arbitrary>], iteration_bounds = array<i64: 10>, scalar_prefetch = 0 : i64, scratch_operands = 0 : i64, tpu.core_type = #tpu.core_type<tc>, window_params = [{transform_indices = @transform_0, window_bounds = array<i64: 2, 1000, 128>}, {transform_indices = @transform_1, window_bounds = array<i64: 1000, 128>}, {pipeline_mode = #tpu.pipeline_mode<synchronous>, transform_indices = @transform_2, window_bounds = array<i64: 128, 128>}, {pipeline_mode = #tpu.pipeline_mode<synchronous>, transform_indices = @transform_3, window_bounds = array<i64: 128, 128>}, {transform_indices = @transform_4, window_bounds = array<i64: 1000, 128>}]} {
    %get3A = arith.constant 0 : index
    %get3A_0 = arith.constant 0 : index
    %get3A_1 = arith.constant 0 : index
    %get3A_2 = vector.load %arg1[%get3A, %get3A_0, %get3A_1] : memref<2x1000x128xf32, #tpu.memory_space<vmem>>, vector<1x1000x128xf32>
    %get3A_3 = vector.shape_cast %get3A_2 : vector<1x1000x128xf32> to vector<1000x128xf32>
    %get3A_4 = arith.constant 1 : index
    %get3A_5 = arith.constant 0 : index
    %get3A_6 = arith.constant 0 : index
    %get3A_7 = vector.load %arg1[%get3A_4, %get3A_5, %get3A_6] : memref<2x1000x128xf32, #tpu.memory_space<vmem>>, vector<1x1000x128xf32>
    %get3A_8 = vector.shape_cast %get3A_7 : vector<1x1000x128xf32> to vector<1000x128xf32>
    %add3A = arith.addf %get3A_3, %get3A_8 : vector<1000x128xf32>
    %get3A_9 = arith.constant 0 : index
    %get3A_10 = arith.constant 0 : index
    %get3A_11 = vector.load %arg3[%get3A_9, %get3A_10] : memref<128x128xf32, #tpu.memory_space<vmem>>, vector<128x128xf32>
    %dot_general3A = arith.constant dense<0.000000e+00> : vector<1000x128xf32>
    %dot_general3A_12 = tpu.matmul %add3A, %get3A_11, %dot_general3A {dimension_numbers = #tpu.dot_dimension_numbers<[1], [1], [0], [0], [0, 0, 1, 0], [], []>, precision = #tpu.contract_precision<fp32>, transpose_lhs_hint = false} : vector<1000x128xf32>, vector<128x128xf32>, vector<1000x128xf32> -> vector<1000x128xf32>
    %get3A_13 = arith.constant 0 : index
    %get3A_14 = arith.constant 0 : index
    %get3A_15 = vector.load %arg2[%get3A_13, %get3A_14] : memref<1000x128xf32, #tpu.memory_space<vmem>>, vector<1000x128xf32>
    %get3A_16 = arith.constant 0 : index
    %get3A_17 = arith.constant 0 : index
    %get3A_18 = vector.load %arg4[%get3A_16, %get3A_17] : memref<128x128xf32, #tpu.memory_space<vmem>>, vector<128x128xf32>
    %dot_general3A_19 = arith.constant dense<0.000000e+00> : vector<1000x128xf32>
    %dot_general3A_20 = tpu.matmul %get3A_15, %get3A_18, %dot_general3A_19 {dimension_numbers = #tpu.dot_dimension_numbers<[1], [1], [0], [0], [0, 0, 1, 0], [], []>, precision = #tpu.contract_precision<fp32>, transpose_lhs_hint = false} : vector<1000x128xf32>, vector<128x128xf32>, vector<1000x128xf32> -> vector<1000x128xf32>
    %add3A_21 = arith.addf %dot_general3A_12, %dot_general3A_20 : vector<1000x128xf32>
    %max3A = arith.constant 0.000000e+00 : f32
    %max3A_22 = vector.broadcast %max3A : f32 to vector<1000x128xf32>
    %max3A_23 = arith.maximumf %add3A_21, %max3A_22 : vector<1000x128xf32>
    %swap3A = arith.constant 0 : index
    %swap3A_24 = arith.constant 0 : index
    %swap3A_25 = vector.load %arg5[%swap3A, %swap3A_24] : memref<1000x128xf32, #tpu.memory_space<vmem>>, vector<1000x128xf32>
    tpu.vector_store %arg5[%swap3A, %swap3A_24], %max3A_23 {strides = array<i32>} : memref<1000x128xf32, #tpu.memory_space<vmem>>, vector<1000x128xf32>,
    return
  }
  func.func @transform_0(%arg0: i32) -> (i32, i32, i32) {
    %c0_i32 = arith.constant 0 : i32
    %c0_i32_0 = arith.constant 0 : i32
    %c0_i32_1 = arith.constant 0 : i32
    return %c0_i32, %arg0, %c0_i32_0 : i32, i32, i32
  }
  func.func @transform_1(%arg0: i32) -> (i32, i32) {
    %c0_i32 = arith.constant 0 : i32
    %c0_i32_0 = arith.constant 0 : i32
    return %arg0, %c0_i32 : i32, i32
  }
  func.func @transform_2(%arg0: i32) -> (i32, i32) {
    %c0_i32 = arith.constant 0 : i32
    %c0_i32_0 = arith.constant 0 : i32
    %c0_i32_1 = arith.constant 0 : i32
    return %c0_i32, %c0_i32_0 : i32, i32
  }
  func.func @transform_3(%arg0: i32) -> (i32, i32) {
    %c0_i32 = arith.constant 0 : i32
    %c0_i32_0 = arith.constant 0 : i32
    %c0_i32_1 = arith.constant 0 : i32
    return %c0_i32, %c0_i32_0 : i32, i32
  }
  func.func @transform_4(%arg0: i32) -> (i32, i32) {
    %c0_i32 = arith.constant 0 : i32
    %c0_i32_0 = arith.constant 0 : i32
    return %arg0, %c0_i32 : i32, i32
  }
}

module attributes {stable_mosaic.version = 14 : i64} {
  func.func @body(%arg0: i32, %arg1: memref<2x1000x128xf32, #tpu.memory_space<vmem>>, %arg2: memref<1000x128xf32, #tpu.memory_space<vmem>>, %arg3: memref<32x128xf32, #tpu.memory_space<vmem>>, %arg4: memref<32x128xf32, #tpu.memory_space<vmem>>, %arg5: memref<1000x1xf32, #tpu.memory_space<vmem>>) attributes {dimension_semantics = [#tpu.dimension_semantics<arbitrary>], iteration_bounds = array<i64: 10>, scalar_prefetch = 0 : i64, scratch_operands = 0 : i64, tpu.core_type = #tpu.core_type<tc>, window_params = [{transform_indices = @transform_0, window_bounds = array<i64: 2, 1000, 128>}, {transform_indices = @transform_1, window_bounds = array<i64: 1000, 128>}, {pipeline_mode = #tpu.pipeline_mode<synchronous>, transform_indices = @transform_2, window_bounds = array<i64: 32, 128>}, {pipeline_mode = #tpu.pipeline_mode<synchronous>, transform_indices = @transform_3, window_bounds = array<i64: 32, 128>}, {transform_indices = @transform_4, window_bounds = array<i64: 1000, 1>}]} {
    %get3A = arith.constant 0 : index
    %get3A_0 = arith.constant 0 : index
    %get3A_1 = arith.constant 0 : index
    %get3A_2 = vector.load %arg1[%get3A, %get3A_0, %get3A_1] : memref<2x1000x128xf32, #tpu.memory_space<vmem>>, vector<1x1000x128xf32>
    %get3A_3 = vector.shape_cast %get3A_2 : vector<1x1000x128xf32> to vector<1000x128xf32>
    %get3A_4 = arith.constant 1 : index
    %get3A_5 = arith.constant 0 : index
    %get3A_6 = arith.constant 0 : index
    %get3A_7 = vector.load %arg1[%get3A_4, %get3A_5, %get3A_6] : memref<2x1000x128xf32, #tpu.memory_space<vmem>>, vector<1x1000x128xf32>
    %get3A_8 = vector.shape_cast %get3A_7 : vector<1x1000x128xf32> to vector<1000x128xf32>
    %add3A = arith.addf %get3A_3, %get3A_8 : vector<1000x128xf32>
    %get3A_9 = arith.constant 0 : index
    %get3A_10 = arith.constant 0 : index
    %get3A_11 = vector.load %arg3[%get3A_9, %get3A_10] : memref<32x128xf32, #tpu.memory_space<vmem>>, vector<32x128xf32>
    %dot_general3A = arith.constant dense<0.000000e+00> : vector<1000x32xf32>
    %dot_general3A_12 = tpu.matmul %add3A, %get3A_11, %dot_general3A {dimension_numbers = #tpu.dot_dimension_numbers<[1], [1], [0], [0], [0, 0, 1, 0], [], []>, precision = #tpu.contract_precision<fp32>, transpose_lhs_hint = false} : vector<1000x128xf32>, vector<32x128xf32>, vector<1000x32xf32> -> vector<1000x32xf32>
    %get3A_13 = arith.constant 0 : index
    %get3A_14 = arith.constant 0 : index
    %get3A_15 = vector.load %arg2[%get3A_13, %get3A_14] : memref<1000x128xf32, #tpu.memory_space<vmem>>, vector<1000x128xf32>
    %get3A_16 = arith.constant 0 : index
    %get3A_17 = arith.constant 0 : index
    %get3A_18 = vector.load %arg4[%get3A_16, %get3A_17] : memref<32x128xf32, #tpu.memory_space<vmem>>, vector<32x128xf32>
    %dot_general3A_19 = arith.constant dense<0.000000e+00> : vector<1000x32xf32>
    %dot_general3A_20 = tpu.matmul %get3A_15, %get3A_18, %dot_general3A_19 {dimension_numbers = #tpu.dot_dimension_numbers<[1], [1], [0], [0], [0, 0, 1, 0], [], []>, precision = #tpu.contract_precision<fp32>, transpose_lhs_hint = false} : vector<1000x128xf32>, vector<32x128xf32>, vector<1000x32xf32> -> vector<1000x32xf32>
    %add3A_21 = arith.addf %dot_general3A_12, %dot_general3A_20 : vector<1000x32xf32>
    %max3A = arith.constant 0.000000e+00 : f32
    %max3A_22 = vector.broadcast %max3A : f32 to vector<1000x32xf32>
    %max3A_23 = arith.maximumf %add3A_21, %max3A_22 : vector<1000x32xf32>
    %reduce_sum3A = arith.constant dense<0.000000e+00> : vector<1000xf32>
    %reduce_sum3A_24 = vector.multi_reduction <add>, %max3A_23, %reduce_sum3A [1] : vector<1000x32xf32> to vector<1000xf32>
    %broadcast_in_dim3A = vector.shape_cast %reduce_sum3A_24 : vector<1000xf32> to vector<1000x1xf32>
    %swap3A = arith.constant 0 : index
    %swap3A_25 = arith.constant 0 : index
    %swap3A_26 = vector.load %arg5[%swap3A, %swap3A_25] : memref<1000x1xf32, #tpu.memory_space<vmem>>, vector<1000x1xf32>
    tpu.vector_store %arg5[%swap3A, %swap3A_25], %broadcast_in_dim3A {strides = array<i32>} : memref<1000x1xf32, #tpu.memory_space<vmem>>, vector<1000x1xf32>,
    return
  }
  func.func @transform_0(%arg0: i32) -> (i32, i32, i32) {
    %c0_i32 = arith.constant 0 : i32
    %c0_i32_0 = arith.constant 0 : i32
    %c0_i32_1 = arith.constant 0 : i32
    return %c0_i32, %arg0, %c0_i32_0 : i32, i32, i32
  }
  func.func @transform_1(%arg0: i32) -> (i32, i32) {
    %c0_i32 = arith.constant 0 : i32
    %c0_i32_0 = arith.constant 0 : i32
    return %arg0, %c0_i32 : i32, i32
  }
  func.func @transform_2(%arg0: i32) -> (i32, i32) {
    %c0_i32 = arith.constant 0 : i32
    %c0_i32_0 = arith.constant 0 : i32
    %c0_i32_1 = arith.constant 0 : i32
    return %c0_i32, %c0_i32_0 : i32, i32
  }
  func.func @transform_3(%arg0: i32) -> (i32, i32) {
    %c0_i32 = arith.constant 0 : i32
    %c0_i32_0 = arith.constant 0 : i32
    %c0_i32_1 = arith.constant 0 : i32
    return %c0_i32, %c0_i32_0 : i32, i32
  }
  func.func @transform_4(%arg0: i32) -> (i32, i32) {
    %c0_i32 = arith.constant 0 : i32
    %c0_i32_0 = arith.constant 0 : i32
    return %arg0, %c0_i32 : i32, i32
  }
}

</mosaic_0001>

<sc_bundles>
// kernel: kernel.6.cloned.1.call-start
scs
__scs_entry_jumppad:
0x0: {  	(pc) =	sbr.rel $0x88, $3  }
0x1: {  	(tag) =	ssettag $0x0;
	lr =	simm.s32 $0x1  }
0x2: {  	[smem:$0x3F9D] =	sst lr;
	_ =	strace $0xD0000000  }
0x3: {  	_ = 	snop  }
0x4: {  	_ = 	snop  }
0x5: {  	_ = 	snop  }
0x6: {  	_ = 	snop  }
0x7: {  	_ = 	snop  }
__scs_overlays_trampoline_lowered:
0x8: {  	[smem:$0x3FAC] =	sst s0  }
0x9: {  	[smem:$0x3FAD] =	sst s1  }
0xa: {  	[smem:$0x3FAE] =	sst s2  }
0xb: {  	[smem:$0x3FAF] =	sst s3  }
0xc: {  	[smem:$0x3FB0] =	sst s4  }
0xd: {  	[smem:$0x3FB1] =	sst s5  }
0xe: {  	[smem:$0x3FB2] =	sst s6  }
0xf: {  	[smem:$0x3FB3] =	sst s7  }
0x10: {  	[smem:$0x3FB4] =	sst s8  }
0x11: {  	[smem:$0x3FB5] =	sst s9;
	s0 =	simm.s32 @!p0 $0x0  }
0x12: {  	s1 =	sld [smem:$0x3F9B];
	s0 =	simm.s32 @p0 $0x1  }
0x13: {  	[smem:$0x3FB6] =	sst s0;
	s0 =	simm.s32 @!p1 $0x0  }
0x14: {  	s2 =	sld [smem:$0x3F9A];
	s0 =	simm.s32 @p1 $0x1  }
0x15: {  	[smem:$0x3FB7] =	sst s0;
	s0 =	simm.s32 @!p2 $0x0  }
0x16: {  	s3 =	sld [smem:$0x3FDB];
	s0 =	simm.s32 @p2 $0x1  }
0x17: {  	s4 =	simm.s32 $0x1BF5;
	[smem:$0x3FB9] =	sst s0  }
0x18: {  	s0 =	sld [smem:$0x3F9C];
	_ =	swait.ge [sflag:s4], $0x0  }
0x19: {  	s7 =	sld [smem:$0x3F9D]  }
0x1a: {  	s8 =	sadd.s32 $0xFFFFE003, lr  }
0x1b: {  	s9 =	sadd.s32 $0xFFFFFEF7, lr;
	s5 =	simm.s32 $0xFFFFFFFF;
	p2 =	slt.u32 s8, $0xFFFFF086  }
0x1c: {  	p1 =	slt.u32 s9, $0xF7A;
	s5 =	simm.s32 @!p2 $0x0  }
0x1d: {  	s5 =	simm.s32 @p1 $0x1;
	p0 =	seq.s32 s7, s2  }
0x1e: {  	s7 =	smul.u32 @!p0 $0xF7A, s2;
	p2 =	seq.s32 @!p0 s5, $0x0  }
0x1f: {  	s9 =	smul.u32 $0xF7A, s1;
	s8 =	simm.s32 @!p0 $0x1BF5;
	p2 =	por !p2, p0  }
0x20: {  	[sflag:s8] =	ssyncset.s32 @!p0 $0xFFFFF086;
	s6 =	sadd.s32 @!p0 s3, s7;
	s7 =	simm.s32 @!p0 $0x108  }
0x21: {  	s3 =	sadd.s32 s3, s9;
	s6 =	sadd.s32 @!p0 $0x88, s6;
	s7 =	simm.s32 @p2 $0x1082  }
0x22: {  	[simem:s7], [sflag:s8] =	dma.local @!p0 [hbm:s6], $0xF7A  }
0x23: {  	s9 =	sor.u32 $0xD0000000, s2;
	s6 =	simm.s32 $0x108;
	_ =	swait.ge @!p0 [sflag:s8], $0x0  }
0x24: {  	s3 =	sadd.s32 $0x88, s3;
	s6 =	simm.s32 @!p1 $0x1082;
	[sflag:s4] =	ssyncset.s32 $0xFFFFF086  }
0x25: {  	[simem:s6], [sflag:s4] =	dma.local [hbm:s3], $0xF7A  }
0x26: {  	[smem:$0x3F9D] =	sst s1;
	(tag) =	ssettag s2;
	_ =	strace s9  }
0x27: {  	s1 =	sld [smem:$0x3FAD]  }
0x28: {  	s2 =	sld [smem:$0x3FAE]  }
0x29: {  	s4 =	sld [smem:$0x3FB0]  }
0x2a: {  	p0 =	seq.s32 s5, $0x0;
	s5 =	sld [smem:$0x3FB1]  }
0x2b: {  	s6 =	sld [smem:$0x3FB2]  }
0x2c: {  	s7 =	sld [smem:$0x3FB3]  }
0x2d: {  	s3 =	simm.s32 $0x108;
	s8 =	sld [smem:$0x3FB4]  }
0x2e: {  	s3 =	simm.s32 @!p0 $0x1082;
	s9 =	sld [smem:$0x3FB5]  }
0x2f: {  	lr =	sadd.s32 s0, s3;
	s0 =	sld [smem:$0x3FAC]  }
0x30: {  	s3 =	sld [smem:$0x3FAF]  }
0x31: {  	[smem:$0x3FB8] =	sst s10  }
0x32: {  	s10 =	sld [smem:$0x3FB6];
	_ =	sdelay $0x3  }
0x33: {  	p0 =	seq.s32 s10, $0x1;
	s10 =	sld [smem:$0x3FB8];
	_ =	sdelay $0x3  }
0x34: {  	[smem:$0x3FB8] =	sst s10  }
0x35: {  	s10 =	sld [smem:$0x3FB7];
	_ =	sdelay $0x3  }
0x36: {  	p1 =	seq.s32 s10, $0x1;
	s10 =	sld [smem:$0x3FB8];
	_ =	sdelay $0x3  }
0x37: {  	[smem:$0x3FB8] =	sst s10  }
0x38: {  	s10 =	sld [smem:$0x3FB9]  }
0x39: {  	_ = 	snop;
	(pc) =	sbr.ind lr, $3  }
0x3a: {  	_ = 	snop  }
0x3b: {  	_ = 	snop  }
0x3c: {  	p2 =	seq.s32 s10, $0x1;
	s10 =	sld [smem:$0x3FB8]  }
0x3d: {  	_ =	shalt  }
0x3e: {  	_ =	shalt  }
0x3f: {  	_ =	shalt  }
0x40: {  	_ =	shalt  }
0x41: {  	_ =	shalt  }
0x42: {  	_ =	shalt  }
0x43: {  	_ =	shalt  }
0x44: {  	_ =	shalt  }
0x45: {  	_ =	shalt  }
0x46: {  	_ =	shalt  }
0x47: {  	_ =	shalt  }
0x48: {  	_ =	shalt  }
0x49: {  	_ =	shalt  }
0x4a: {  	_ =	shalt  }
0x4b: {  	_ =	shalt  }
0x4c: {  	_ =	shalt  }
0x4d: {  	_ =	shalt  }
0x4e: {  	_ =	shalt  }
0x4f: {  	_ =	shalt  }
0x50: {  	_ =	shalt  }
0x51: {  	_ =	shalt  }
0x52: {  	_ =	shalt  }
0x53: {  	_ =	shalt  }
0x54: {  	_ =	shalt  }
0x55: {  	_ =	shalt  }
0x56: {  	_ =	shalt  }
0x57: {  	_ =	shalt  }
0x58: {  	_ =	shalt  }
0x59: {  	_ =	shalt  }
0x5a: {  	_ =	shalt  }
0x5b: {  	_ =	shalt  }
0x5c: {  	_ =	shalt  }
0x5d: {  	_ =	shalt  }
0x5e: {  	_ =	shalt  }
0x5f: {  	_ =	shalt  }
0x60: {  	_ =	shalt  }
0x61: {  	_ =	shalt  }
0x62: {  	_ =	shalt  }
0x63: {  	_ =	shalt  }
0x64: {  	_ =	shalt  }
0x65: {  	_ =	shalt  }
0x66: {  	_ =	shalt  }
0x67: {  	_ =	shalt  }
0x68: {  	_ =	shalt  }
0x69: {  	_ =	shalt  }
0x6a: {  	_ =	shalt  }
0x6b: {  	_ =	shalt  }
0x6c: {  	_ =	shalt  }
0x6d: {  	_ =	shalt  }
0x6e: {  	_ =	shalt  }
0x6f: {  	_ =	shalt  }
0x70: {  	_ =	shalt  }
0x71: {  	_ =	shalt  }
0x72: {  	_ =	shalt  }
0x73: {  	_ =	shalt  }
0x74: {  	_ =	shalt  }
0x75: {  	_ =	shalt  }
0x76: {  	_ =	shalt  }
0x77: {  	_ =	shalt  }
0x78: {  	_ =	shalt  }
0x79: {  	_ =	shalt  }
0x7a: {  	_ =	shalt  }
0x7b: {  	_ =	shalt  }
0x7c: {  	_ =	shalt  }
0x7d: {  	_ =	shalt  }
0x7e: {  	_ =	shalt  }
0x7f: {  	_ =	shalt  }
0x80: {  	_ =	shalt  }
0x81: {  	_ =	shalt  }
0x82: {  	_ =	shalt  }
0x83: {  	_ =	shalt  }
0x84: {  	_ =	shalt  }
0x85: {  	_ =	shalt  }
0x86: {  	_ =	shalt  }
0x87: {  	_ =	shalt  }
.Lfunc_end0:
.L_simem_size_0:
called_computation_lowered:
.L_overlay_start_0:
0x88: {  	s2 =	sld [smem:$0x3FD9]  }
0x89: {  	s3 =	sld [smem:$0x3FFE];
	_ =	sdelay $0x1  }
0x8a: {  	s1 =	srdreg.scid  }
0x8b: {  	s0 =	sand.u32 $0x1, s1  }
0x8c: {  	s17 =	sshll.u32 s0, $0xA;
	s2 =	sadd.s32 s3, s2  }
0x8d: {  	s2 =	sadd.s32 s2, s17  }
0x8e: {  	[smem:$0x3FC4] =	sst s2  }
0x8f: {  	_ = 	snop  }
0x90: {  	s2 =	sld [smem:$0x3FC9];
	(tm) =	ssettm $0x1  }
0x91: {  	s18 =	sld [smem:$0x3FFB];
	_ =	sdelay $0x3  }
0x92: {  	_ =	strace s18  }
0x93: {  	s3 =	sld [smem:$0x3FFC];
	_ =	sdelay $0x3  }
0x94: {  	_ =	strace s3  }
0x95: {  	s3 =	sld [smem:$0x3FFD];
	_ =	sdelay $0x3  }
0x96: {  	_ =	strace s3  }
0x97: {  	_ =	strace $0x8FFFFFFF  }
0x98: {  	s19 =	sld [smem:$0x3FDB];
	_ =	sdelay $0x1  }
0x99: {  	s4 =	simm.s32 $_scs_section_size  }
0x9a: {  	s5 =	simm.s32 $_size__tile_overlayer_lowered;
	s6 =	simm.s32 $_tile_overlayer_lowered  }
0x9b: {  	s22 =	simm.s32 $0x1BFF;
	s21 =	sshll.u32 s6, $0x1;
	s3 =	sadd.s32 s4, s19  }
0x9c: {  	s7 =	simm.s32 $0x0;
	s20 =	sshll.u32 s5, $0x1;
	s5 =	sadd.s32 s21, s3  }
0x9d: {  	[timem:s7], [sflag:s22] =	dma.local [hbm:s5], s20  }
0x9e: {  	_ =	swait.ge [sflag:s22], s20  }
0x9f: {  	s4 =	ssub.s32 $0x0, s20;
	[sflag:s22] =	ssyncset.done $0x0  }
0xa0: {  	[sflag:s22] =	ssyncadd.s32 s4;
	_ =	sdelay $0x1  }
0xa1: {  	s23 =	simm.s32 $0x1B8B  }
0xa2: {  	_ =	swait.ge [sflag:s23], $0x1  }
0xa3: {  	[sflag:s23] =	ssyncset.done $0x0  }
0xa4: {  	s25 =	simm.s32 $0x1B8E;
	s24 =	sld [smem:$0x3FFE];
	[sflag:s23] =	ssyncadd.s32 $0xFFFFFFFF  }
0xa5: {  	s26 =	simm.s32 $execute0_lowered;
	[smem:$0x3FD2] =	sst s25  }
0xa6: {  	s5 =	sshll.u32 s26, $0x1;
	_ =	strace $0x80000046;
	[dreg:$0x1] =	wrdreg $0xFFFFFFFF  }
0xa7: {  	s28 =	simm.s32 $_size_execute0_lowered;
	s3 =	sadd.s32 s3, s5;
	[dreg:$0x0] =	wrdreg $0x0  }
0xa8: {  	s5 =	sshll.u32 s28, $0x1;
	[dreg:$0x2] =	wrdreg s3  }
0xa9: {  	[dreg:$0x3] =	wrdreg s5  }
0xaa: {  	[dreg:$0x4] =	wrdreg $0xC0  }
0xab: {  	_ =	task [dreg:s7], $0x5FFFF  }
0xac: {  	[dreg:$0x1] =	wrdreg $0xFFFFFFFF  }
0xad: {  	[dreg:$0x0] =	wrdreg $0x60  }
0xae: {  	[dreg:$0x2] =	wrdreg s2  }
0xaf: {  	[dreg:$0x3] =	wrdreg s24  }
0xb0: {  	[dreg:$0x4] =	wrdreg $0xC7000  }
0xb1: {  	[dreg:$0x5] =	wrdreg $0x9  }
0xb2: {  	_ =	task.clear_ibuf [dreg:s7], $0x6FFFF;
	_ =	strace $0x90000046  }
0xb3: {  	s29 =	simm.s32 $0x9;
	_ =	strace $0x80000048  }
0xb4: {  	_ =	swait.ge [sflag:s29], $0x1  }
0xb5: {  	[sflag:s29] =	ssyncadd.s32 $0xFFFFFFFF  }
0xb6: {  	_ =	strace $0x90000048  }
0xb7: {  	_ =	sfence  }
0xb8: {  	s30 =	sld [smem:$0x0];
	_ =	sdelay $0x2  }
0xb9: {  	s31 =	sshll.u32 s1, $0xD;
	s1 =	sshrl.u32 s1, $0x2  }
0xba: {  	s3 =	sand.u32 $0x4000, s31;
	s1 =	sadd.s32 s1, s30  }
0xbb: {  	s0 =	sor.u32 s3, s0;
	s1 =	sshll.u32 s1, $0x11  }
0xbc: {  	s0 =	sor.u32 s1, s0  }
0xbd: {  	s0 =	sadd.s32 $0x8F2B, s0  }
0xbe: {  	[sflag:s0] =	ssyncadd.remote.s32 $0x1  }
0xbf: {  	_ =	sfence.sel $0xFFFF  }
0xc0: {  	[dreg:$0x0] =	wrdreg $0xFFFFFFFF;
	(pc) =	sbr.abs _section_cstart, $3  }
0xc1: {  	[dreg:$0x1] =	wrdreg $0xFFFFFFFF  }
0xc2: {  	_ =	task.clear_ibuf [dreg:s7], $0x2FFFF;
	_ =	strace $0x9FFFFFFF  }
0xc3: {  	(tm) =	ssettm $0x7FFFFFFF  }
tec
execute0_lowered:
.L_overlay_start_1:
0x0: {  	(tag) =	ssettag $0x1  }
0x1: {  	s1 =	rddreg [dreg:$0x0]  }
0x2: {  	s0 =	srdreg.scid;
	s7 =	rddreg [dreg:$0x1]  }
0x3: {  	s14 =	stileid.u32;
	s3 =	rddreg [dreg:$0x2]  }
0x4: {  	s4 =	simm.s32 $0x0;
	s28 =	simm.s32 $0x2;
	s29 =	simm.s32 $0x8F80  }
0x5: {  	s30 =	simm.s32 $0x9;
	s31 =	simm.s32 $0x3;
	s9 =	smul.u32 $0x13800, s14  }
0x6: {  	s6 =	sand.u32 $0x1, s0;
	s18 =	sshll.u32 s14, $0x1;
	s12 =	smul.u32 $0x4E000, s14  }
0x7: {  	[smem:$0x7FF] =	sst s4;
	s5 =	sadd.s32 $0x3BC00, s7;
	s23 =	smul.u32 $0x4E20, s14  }
0x8: {  	s25 =	sshll.u32 s14, $0x6;
	s26 =	sadd.s32 $0x138000, s3;
	p0 =	sne.s32 s14, $0xF  }
0x9: {  	s14 =	simm.s32 $0xF;
	s0 =	sor.u32 s6, s18;
	s21 =	smul.u32 $0x138800, s6  }
0xa: {  	_ =	strace $0x80000047;
	s11 =	ssub.s32 $0x2, s6;
	s6 =	smul.u32 $0x2710, s6  }
0xb: {  	[dreg:$0x14] =	wrdreg s26;
	s0 =	smul.u32 $0x2710, s0;
	s2 =	sshrl.u32 s9, $0x3  }
0xc: {  	s19 =	sshrl.u32 s11, $0x1;
	s20 =	sshrl.u32 s12, $0x2;
	s13 =	sadd.s32 s2, s7  }
0xd: {  	s2 =	ssub.s32 s11, s19;
	s22 =	sadd.s32 s20, s3;
	s16 =	sadd.s32 s9, s21  }
0xe: {  	s6 =	sadd.s32 s6, s23;
	s9 =	sshrl.u32 s21, $0x3;
	s8 =	sshrl.u32 s0, $0x3  }
0xf: {  	s0 =	sadd.s32 $0xE00, s7;
	[dreg:$0x11] =	wrdreg s22;
	s24 =	sadd.s32 $0x14A00, s13  }
0x10: {  	s13 =	sor.u32 $0x1C0F, s25;
	s17 =	sshrl.u32 s16, $0x3;
	s18 =	sadd.s32 $0x478, s6  }
0x11: {  	s20 =	sadd.s32 $0x410, s6;
	s22 =	sadd.s32 $0x3A8, s6;
	s11 =	sadd.s32 $0x270, s6  }
0x12: {  	s16 =	sadd.s32 $0x1A0, s6;
	s2 =	smax.u32 s2, $0x1;
	s10 =	sadd.s32 s8, s7  }
0x13: {  	[dreg:$0x12] =	wrdreg s24;
	s7 =	sadd.s32 $0x3BA00, s7;
	s15 =	sadd.s32 s0, s8  }
0x14: {  	s19 =	sshrl.u32 s18, $0x3;
	s8 =	sshrl.u32 s20, $0x3;
	s23 =	sshrl.u32 s22, $0x3  }
0x15: {  	s24 =	sadd.s32 $0x340, s6;
	s12 =	sshrl.u32 s11, $0x3;
	s18 =	sshrl.u32 s16, $0x3  }
0x16: {  	s20 =	sadd.s32 $0x138, s6;
	s22 =	sadd.s32 $0xD0, s6;
	[dreg:$0x19] =	wrdreg s2  }
0x17: {  	s2 =	simm.s32 $0xB;
	s11 =	simm.s32 $0x7;
	[dreg:$0x13] =	wrdreg s13  }
0x18: {  	s10 =	sadd.s32 $0xAC00, s10;
	[dreg:$0x15] =	wrdreg s7;
	s7 =	sadd.s32 $0x4E0, s15  }
0x19: {  	s21 =	sadd.s32 s8, s0;
	s8 =	sshrl.u32 s24, $0x3;
	[dreg:$0x10] =	wrdreg s10  }
0x1a: {  	s15 =	sadd.s32 $0x208, s6;
	[dreg:$0x16] =	wrdreg s7;
	s7 =	sadd.s32 s5, s17  }
0x1b: {  	[dreg:$0x5] =	wrdreg s21;
	s10 =	sadd.s32 $0x2D8, s6;
	s25 =	sadd.s32 s8, s0  }
0x1c: {  	s8 =	sshrl.u32 s15, $0x3;
	s21 =	sshrl.u32 s20, $0x3;
	s5 =	sadd.s32 s5, s9  }
0x1d: {  	s9 =	simm.s32 $0xD;
	s15 =	simm.s32 $0x0;
	[dreg:$0x17] =	wrdreg s7  }
0x1e: {  	s7 =	sadd.s32 s19, s0;
	s26 =	sshrl.u32 s10, $0x3;
	[dreg:$0x7] =	wrdreg s25  }
0x1f: {  	s17 =	sadd.s32 s8, s0;
	s19 =	sadd.s32 s18, s0;
	[dreg:$0x4] =	wrdreg s7  }
0x20: {  	s8 =	sshrl.u32 s22, $0x3;
	s5 =	sadd.s32 $0x27000, s5;
	[dreg:$0xa] =	wrdreg s17  }
0x21: {  	s22 =	simm.s32 $0xC600;
	s7 =	sadd.s32 s23, s0;
	[dreg:$0xb] =	wrdreg s19  }
0x22: {  	s10 =	sadd.s32 s26, s0;
	s23 =	sadd.s32 $0x68, s6;
	[dreg:$0x18] =	wrdreg s5  }
0x23: {  	s24 =	sadd.s32 s8, s0;
	s6 =	sshrl.u32 s6, $0x3;
	[dreg:$0x6] =	wrdreg s7  }
0x24: {  	s5 =	simm.s32 $0x4;
	[dreg:$0x8] =	wrdreg s10;
	s7 =	sadd.s32 s12, s0  }
0x25: {  	s25 =	sshrl.u32 s23, $0x3;
	[dreg:$0xd] =	wrdreg s24;
	s23 =	simm.s32 $0x68  }
0x26: {  	s24 =	simm.s32 $0x2780;
	[dreg:$0x9] =	wrdreg s7;
	s7 =	sadd.s32 s21, s0  }
0x27: {  	s10 =	simm.s32 $0x6;
	s26 =	sadd.s32 s25, s0;
	[dreg:$0xc] =	wrdreg s7  }
0x28: {  	s0 =	sadd.s32 s6, s0;
	s25 =	simm.s32 $0x5B80;
	[dreg:$0xe] =	wrdreg s26  }
0x29: {  	s6 =	simm.s32 $0xC;
	s21 =	simm.s32 $0xC500;
	[dreg:$0xf] =	wrdreg s0  }
0x2a: {  	s26 =	simm.s32 $0x8;
	s0 =	simm.s32 $0xA;
	s7 =	simm.s32 $0x5  }
.LBB2_1:
0x2b: {  	[dreg:$0x1a] =	wrdreg s15  }
0x2c: {  	s8 =	rddreg [dreg:$0x10]  }
0x2d: {  	s19 =	rddreg [dreg:$0x11]  }
0x2e: {  	[tilespmem:s4], [sflag:$0x1] =	stream.linear.gather [hbm4b:s8+s4], $0x2710, $0x38;
	[tilespmem:$0x1FF80] =	vst v63  }
0x2f: {  	s20 =	rddreg [dreg:$0x12];
	s12 =	sshrl.u32 s19, $0x3  }
0x30: {  	[dreg:$0x1b] =	wrdreg s12  }
0x31: {  	[spmem:s12], [sflag:s13] =	dma.local [hbm:s20], $0x2700  }
0x32: {  	_ =	swait.ge [sflag:s14], $0x2700  }
0x33: {  	s8 =	rddreg [dreg:$0x14]  }
0x34: {  	[sflag:s14] =	ssyncset.done $0x0;
	s12 =	sshrl.u32 @!p0 s8, $0x3;
	s8 =	rddreg [dreg:$0x15]  }
0x35: {  	[sflag:s14] =	ssyncadd.s32 $0xFFFFD900;
	[dreg:$0x1c] =	wrdreg s12  }
0x36: {  	[spmem:s12], [sflag:s13] =	dma.local @!p0 [hbm:s8], $0x100  }
0x37: {  	s8 =	simm.s32 @!p0 $0xF  }
0x38: {  	_ =	swait.ge @!p0 [sflag:s8], $0x100  }
0x39: {  	[sflag:s8] =	ssyncset.done @!p0 $0x0  }
0x3a: {  	s15 =	simm.s32 $0x1;
	[sflag:s8] =	ssyncadd.s32 @!p0 $0xFFFFFF00  }
0x3b: {  	_ =	swait.ge [sflag:s15], $0x2710  }
0x3c: {  	[sflag:s15] =	ssyncset.done $0x0  }
0x3d: {  	[sflag:s15] =	ssyncadd.s32 $0xFFFFD8F0  }
0x3e: {  	[bflag:$0x0] =	sbarrier.arrive $0xFFFF  }
0x3f: {  	s16 =	rddreg [dreg:$0xf]  }
0x40: {  	s12 =	simm.s32 $0xC380;
	s17 =	rddreg [dreg:$0xe];
	s8 =	sadd.s32 $0x0, s16  }
0x41: {  	[tilespmem:s12], [sflag:$0x2] =	stream.linear.gather [hbm4b:s8+s4], $0x68, $0x38;
	[tilespmem:$0x1FF80] =	vst v63  }
0x42: {  	s15 =	simm.s32 $0xC400;
	s18 =	rddreg [dreg:$0xd];
	s19 =	sadd.s32 $0x0, s17  }
0x43: {  	[tilespmem:s15], [sflag:$0x3] =	stream.linear.gather [hbm4b:s19+s4], $0x68, $0x38;
	[tilespmem:$0x1FF80] =	vst v63  }
0x44: {  	s20 =	rddreg [dreg:$0xc];
	s17 =	sadd.s32 $0x0, s18;
	s16 =	simm.s32 $0xC480  }
0x45: {  	[tilespmem:s16], [sflag:$0x4] =	stream.linear.gather [hbm4b:s17+s4], $0x68, $0x38;
	[tilespmem:$0x1FF80] =	vst v63  }
0x46: {  	s18 =	rddreg [dreg:$0xb];
	s19 =	sadd.s32 $0x0, s20;
	s17 =	simm.s32 $0xC500  }
0x47: {  	[tilespmem:s17], [sflag:$0x5] =	stream.linear.gather [hbm4b:s19+s4], $0x68, $0x38;
	[tilespmem:$0x1FF80] =	vst v63  }
0x48: {  	s14 =	simm.s32 $0xC580;
	s18 =	sadd.s32 $0x0, s18;
	s20 =	rddreg [dreg:$0xa]  }
0x49: {  	[tilespmem:s14], [sflag:$0x6] =	stream.linear.gather [hbm4b:s18+s4], $0x68, $0x38;
	[tilespmem:$0x1FF80] =	vst v63  }
0x4a: {  	s19 =	sadd.s32 $0x0, s20  }
0x4b: {  	[tilespmem:s22], [sflag:$0x7] =	stream.linear.gather [hbm4b:s19+s4], $0x68, $0x38;
	[tilespmem:$0x1FF80] =	vst v63  }
0x4c: {  	s20 =	simm.s32 $0x0  }
0x4d: {  	[tilespmem:s24], [sflag:$0x8] =	stream.indirect.gather [hbm4b:s1+s23], $0x80, s20, s23, $0xb8;
	[tilespmem:$0x1FF80] =	vst v63  }
0x4e: {  	s13 =	simm.s32 $0x68  }
0x4f: {  	[tilespmem:s25], [sflag:$0x9] =	stream.indirect.gather [hbm4b:s1+s23], $0x80, s13, s23, $0xb8;
	[tilespmem:$0x1FF80] =	vst v63  }
0x50: {  	_ =	swait.ge [sflag:s26], $0x3400  }
0x51: {  	[sflag:s26] =	ssyncset.done $0x0  }
0x52: {  	[sflag:s26] =	ssyncadd.s32 $0xFFFFCC00  }
0x53: {  	_ =	swait.ge [sflag:s28], $0x68  }
0x54: {  	[sflag:s28] =	ssyncset.done $0x0  }
0x55: {  	[sflag:s28] =	ssyncadd.s32 $0xFFFFFF98  }
0x56: {  	[spmem:s3] =	stream.indirect.scatter.add.f32 [tilespmem:s24], [sflag:$0xB], $0x80, s12, s23, $0xb8;
	[tilespmem:$0x1FF80] =	vst v63  }
0x57: {  	s18 =	simm.s32 $0xD0  }
0x58: {  	[tilespmem:s29], [sflag:$0xA] =	stream.indirect.gather [hbm4b:s1+s23], $0x80, s18, s23, $0xb8;
	[tilespmem:$0x1FF80] =	vst v63  }
0x59: {  	_ =	swait.ge [sflag:s30], $0x3400  }
0x5a: {  	[sflag:s30] =	ssyncset.done $0x0  }
0x5b: {  	[sflag:s30] =	ssyncadd.s32 $0xFFFFCC00  }
0x5c: {  	_ =	swait.ge [sflag:s31], $0x68  }
0x5d: {  	[sflag:s31] =	ssyncset.done $0x0  }
0x5e: {  	[sflag:s31] =	ssyncadd.s32 $0xFFFFFF98  }
0x5f: {  	[spmem:s3] =	stream.indirect.scatter.add.f32 [tilespmem:s25], [sflag:$0xC], $0x80, s15, s23, $0xb8;
	[tilespmem:$0x1FF80] =	vst v63  }
0x60: {  	_ =	swait.ge [sflag:s2], $0x3400  }
0x61: {  	s19 =	rddreg [dreg:$0x9];
	[sflag:s2] =	ssyncset.done $0x0  }
0x62: {  	[sflag:s2] =	ssyncadd.s32 $0xFFFFCC00;
	s8 =	sadd.s32 $0x0, s19  }
0x63: {  	[tilespmem:s12], [sflag:$0x2] =	stream.linear.gather [hbm4b:s8+s4], $0x68, $0x38;
	[tilespmem:$0x1FF80] =	vst v63  }
0x64: {  	s20 =	simm.s32 $0x138  }
0x65: {  	[tilespmem:s24], [sflag:$0x8] =	stream.indirect.gather [hbm4b:s1+s23], $0x80, s20, s23, $0xb8;
	[tilespmem:$0x1FF80] =	vst v63  }
0x66: {  	_ =	swait.ge [sflag:s0], $0x3400  }
0x67: {  	[sflag:s0] =	ssyncset.done $0x0  }
0x68: {  	[sflag:s0] =	ssyncadd.s32 $0xFFFFCC00  }
0x69: {  	_ =	swait.ge [sflag:s5], $0x68  }
0x6a: {  	[sflag:s5] =	ssyncset.done $0x0  }
0x6b: {  	[sflag:s5] =	ssyncadd.s32 $0xFFFFFF98  }
0x6c: {  	[spmem:s3] =	stream.indirect.scatter.add.f32 [tilespmem:s29], [sflag:$0xD], $0x80, s16, s23, $0xb8;
	[tilespmem:$0x1FF80] =	vst v63  }
0x6d: {  	_ =	swait.ge [sflag:s6], $0x3400  }
0x6e: {  	s13 =	rddreg [dreg:$0x8];
	[sflag:s6] =	ssyncset.done $0x0  }
0x6f: {  	[sflag:s6] =	ssyncadd.s32 $0xFFFFCC00;
	s8 =	sadd.s32 $0x0, s13  }
0x70: {  	[tilespmem:s15], [sflag:$0x3] =	stream.linear.gather [hbm4b:s8+s4], $0x68, $0x38;
	[tilespmem:$0x1FF80] =	vst v63  }
0x71: {  	s18 =	simm.s32 $0x1A0  }
0x72: {  	[tilespmem:s25], [sflag:$0x9] =	stream.indirect.gather [hbm4b:s1+s23], $0x80, s18, s23, $0xb8;
	[tilespmem:$0x1FF80] =	vst v63  }
0x73: {  	_ =	swait.ge [sflag:s26], $0x3400  }
0x74: {  	[sflag:s26] =	ssyncset.done $0x0  }
0x75: {  	[sflag:s26] =	ssyncadd.s32 $0xFFFFCC00  }
0x76: {  	_ =	swait.ge [sflag:s7], $0x68  }
0x77: {  	[sflag:s7] =	ssyncset.done $0x0  }
0x78: {  	[sflag:s7] =	ssyncadd.s32 $0xFFFFFF98  }
0x79: {  	[spmem:s3] =	stream.indirect.scatter.add.f32 [tilespmem:s24], [sflag:$0xB], $0x80, s17, s23, $0xb8;
	[tilespmem:$0x1FF80] =	vst v63  }
0x7a: {  	_ =	swait.ge [sflag:s9], $0x3400  }
0x7b: {  	s19 =	rddreg [dreg:$0x7];
	[sflag:s9] =	ssyncset.done $0x0  }
0x7c: {  	[sflag:s9] =	ssyncadd.s32 $0xFFFFCC00;
	s8 =	sadd.s32 $0x0, s19  }
0x7d: {  	[tilespmem:s16], [sflag:$0x4] =	stream.linear.gather [hbm4b:s8+s4], $0x68, $0x38;
	[tilespmem:$0x1FF80] =	vst v63  }
0x7e: {  	s20 =	simm.s32 $0x208  }
0x7f: {  	[tilespmem:s29], [sflag:$0xA] =	stream.indirect.gather [hbm4b:s1+s23], $0x80, s20, s23, $0xb8;
	[tilespmem:$0x1FF80] =	vst v63  }
0x80: {  	_ =	swait.ge [sflag:s30], $0x3400  }
0x81: {  	[sflag:s30] =	ssyncset.done $0x0  }
0x82: {  	[sflag:s30] =	ssyncadd.s32 $0xFFFFCC00  }
0x83: {  	_ =	swait.ge [sflag:s10], $0x68  }
0x84: {  	[sflag:s10] =	ssyncset.done $0x0  }
0x85: {  	[sflag:s10] =	ssyncadd.s32 $0xFFFFFF98  }
0x86: {  	[spmem:s3] =	stream.indirect.scatter.add.f32 [tilespmem:s25], [sflag:$0xC], $0x80, s14, s23, $0xb8;
	[tilespmem:$0x1FF80] =	vst v63  }
0x87: {  	_ =	swait.ge [sflag:s2], $0x3400  }
0x88: {  	s13 =	rddreg [dreg:$0x6];
	[sflag:s2] =	ssyncset.done $0x0  }
0x89: {  	[sflag:s2] =	ssyncadd.s32 $0xFFFFCC00;
	s8 =	sadd.s32 $0x0, s13  }
0x8a: {  	[tilespmem:s17], [sflag:$0x5] =	stream.linear.gather [hbm4b:s8+s4], $0x68, $0x38;
	[tilespmem:$0x1FF80] =	vst v63  }
0x8b: {  	s18 =	simm.s32 $0x270  }
0x8c: {  	[tilespmem:s24], [sflag:$0x8] =	stream.indirect.gather [hbm4b:s1+s23], $0x80, s18, s23, $0xb8;
	[tilespmem:$0x1FF80] =	vst v63  }
0x8d: {  	_ =	swait.ge [sflag:s0], $0x3400  }
0x8e: {  	[sflag:s0] =	ssyncset.done $0x0  }
0x8f: {  	[sflag:s0] =	ssyncadd.s32 $0xFFFFCC00  }
0x90: {  	_ =	swait.ge [sflag:s11], $0x68  }
0x91: {  	[sflag:s11] =	ssyncset.done $0x0  }
0x92: {  	[sflag:s11] =	ssyncadd.s32 $0xFFFFFF98  }
0x93: {  	[spmem:s3] =	stream.indirect.scatter.add.f32 [tilespmem:s29], [sflag:$0xD], $0x80, s22, s23, $0xb8;
	[tilespmem:$0x1FF80] =	vst v63  }
0x94: {  	_ =	swait.ge [sflag:s6], $0x3400  }
0x95: {  	s19 =	rddreg [dreg:$0x5];
	[sflag:s6] =	ssyncset.done $0x0  }
0x96: {  	[sflag:s6] =	ssyncadd.s32 $0xFFFFCC00;
	s8 =	sadd.s32 $0x0, s19  }
0x97: {  	[tilespmem:s14], [sflag:$0x6] =	stream.linear.gather [hbm4b:s8+s4], $0x68, $0x38;
	[tilespmem:$0x1FF80] =	vst v63  }
0x98: {  	s20 =	simm.s32 $0x2D8  }
0x99: {  	[tilespmem:s25], [sflag:$0x9] =	stream.indirect.gather [hbm4b:s1+s23], $0x80, s20, s23, $0xb8;
	[tilespmem:$0x1FF80] =	vst v63  }
0x9a: {  	_ =	swait.ge [sflag:s26], $0x3400  }
0x9b: {  	[sflag:s26] =	ssyncset.done $0x0  }
0x9c: {  	[sflag:s26] =	ssyncadd.s32 $0xFFFFCC00  }
0x9d: {  	_ =	swait.ge [sflag:s28], $0x68  }
0x9e: {  	[sflag:s28] =	ssyncset.done $0x0  }
0x9f: {  	[sflag:s28] =	ssyncadd.s32 $0xFFFFFF98  }
0xa0: {  	[spmem:s3] =	stream.indirect.scatter.add.f32 [tilespmem:s24], [sflag:$0xB], $0x80, s12, s23, $0xb8;
	[tilespmem:$0x1FF80] =	vst v63  }
0xa1: {  	_ =	swait.ge [sflag:s9], $0x3400  }
0xa2: {  	s13 =	rddreg [dreg:$0x4];
	[sflag:s9] =	ssyncset.done $0x0  }
0xa3: {  	[sflag:s9] =	ssyncadd.s32 $0xFFFFCC00;
	s8 =	sadd.s32 $0x0, s13  }
0xa4: {  	[tilespmem:s22], [sflag:$0x7] =	stream.linear.gather [hbm4b:s8+s4], $0x68, $0x38;
	[tilespmem:$0x1FF80] =	vst v63  }
0xa5: {  	s18 =	simm.s32 $0x340  }
0xa6: {  	[tilespmem:s29], [sflag:$0xA] =	stream.indirect.gather [hbm4b:s1+s23], $0x80, s18, s23, $0xb8;
	[tilespmem:$0x1FF80] =	vst v63  }
0xa7: {  	_ =	swait.ge [sflag:s30], $0x3400  }
0xa8: {  	[sflag:s30] =	ssyncset.done $0x0  }
0xa9: {  	[sflag:s30] =	ssyncadd.s32 $0xFFFFCC00  }
0xaa: {  	_ =	swait.ge [sflag:s31], $0x68  }
0xab: {  	[sflag:s31] =	ssyncset.done $0x0  }
0xac: {  	[sflag:s31] =	ssyncadd.s32 $0xFFFFFF98  }
0xad: {  	[spmem:s3] =	stream.indirect.scatter.add.f32 [tilespmem:s25], [sflag:$0xC], $0x80, s15, s23, $0xb8;
	[tilespmem:$0x1FF80] =	vst v63  }
0xae: {  	_ =	swait.ge [sflag:s2], $0x3400  }
0xaf: {  	[sflag:s2] =	ssyncset.done $0x0  }
0xb0: {  	s19 =	simm.s32 $0x3A8;
	[sflag:s2] =	ssyncadd.s32 $0xFFFFCC00  }
0xb1: {  	[tilespmem:s24], [sflag:$0x8] =	stream.indirect.gather [hbm4b:s1+s23], $0x80, s19, s23, $0xb8;
	[tilespmem:$0x1FF80] =	vst v63  }
0xb2: {  	_ =	swait.ge [sflag:s0], $0x3400  }
0xb3: {  	[sflag:s0] =	ssyncset.done $0x0  }
0xb4: {  	[sflag:s0] =	ssyncadd.s32 $0xFFFFCC00  }
0xb5: {  	_ =	swait.ge [sflag:s5], $0x68  }
0xb6: {  	[sflag:s5] =	ssyncset.done $0x0  }
0xb7: {  	[sflag:s5] =	ssyncadd.s32 $0xFFFFFF98  }
0xb8: {  	[spmem:s3] =	stream.indirect.scatter.add.f32 [tilespmem:s29], [sflag:$0xD], $0x80, s16, s23, $0xb8;
	[tilespmem:$0x1FF80] =	vst v63  }
0xb9: {  	_ =	swait.ge [sflag:s6], $0x3400  }
0xba: {  	[sflag:s6] =	ssyncset.done $0x0  }
0xbb: {  	s20 =	simm.s32 $0x410;
	[sflag:s6] =	ssyncadd.s32 $0xFFFFCC00  }
0xbc: {  	[tilespmem:s25], [sflag:$0x9] =	stream.indirect.gather [hbm4b:s1+s23], $0x80, s20, s23, $0xb8;
	[tilespmem:$0x1FF80] =	vst v63  }
0xbd: {  	_ =	swait.ge [sflag:s26], $0x3400  }
0xbe: {  	[sflag:s26] =	ssyncset.done $0x0  }
0xbf: {  	[sflag:s26] =	ssyncadd.s32 $0xFFFFCC00  }
0xc0: {  	_ =	swait.ge [sflag:s7], $0x68  }
0xc1: {  	[sflag:s7] =	ssyncset.done $0x0  }
0xc2: {  	[sflag:s7] =	ssyncadd.s32 $0xFFFFFF98  }
0xc3: {  	[spmem:s3] =	stream.indirect.scatter.add.f32 [tilespmem:s24], [sflag:$0xB], $0x80, s17, s23, $0xb8;
	[tilespmem:$0x1FF80] =	vst v63  }
0xc4: {  	_ =	swait.ge [sflag:s9], $0x3400  }
0xc5: {  	[sflag:s9] =	ssyncset.done $0x0  }
0xc6: {  	s13 =	simm.s32 $0x478;
	[sflag:s9] =	ssyncadd.s32 $0xFFFFCC00  }
0xc7: {  	[tilespmem:s29], [sflag:$0xA] =	stream.indirect.gather [hbm4b:s1+s23], $0x80, s13, s23, $0xb8;
	[tilespmem:$0x1FF80] =	vst v63  }
0xc8: {  	_ =	swait.ge [sflag:s30], $0x3400  }
0xc9: {  	[sflag:s30] =	ssyncset.done $0x0  }
0xca: {  	[sflag:s30] =	ssyncadd.s32 $0xFFFFCC00  }
0xcb: {  	_ =	swait.ge [sflag:s10], $0x68  }
0xcc: {  	[sflag:s10] =	ssyncset.done $0x0  }
0xcd: {  	[sflag:s10] =	ssyncadd.s32 $0xFFFFFF98  }
0xce: {  	[spmem:s3] =	stream.indirect.scatter.add.f32 [tilespmem:s25], [sflag:$0xC], $0x80, s14, s23, $0xb8;
	[tilespmem:$0x1FF80] =	vst v63  }
0xcf: {  	_ =	swait.ge [sflag:s0], $0x3400  }
0xd0: {  	[sflag:s0] =	ssyncset.done $0x0  }
0xd1: {  	[sflag:s0] =	ssyncadd.s32 $0xFFFFCC00  }
0xd2: {  	_ =	swait.ge [sflag:s11], $0x68  }
0xd3: {  	[sflag:s11] =	ssyncset.done $0x0  }
0xd4: {  	[sflag:s11] =	ssyncadd.s32 $0xFFFFFF98  }
0xd5: {  	[spmem:s3] =	stream.indirect.scatter.add.f32 [tilespmem:s29], [sflag:$0xD], $0x80, s22, s23, $0xb8;
	[tilespmem:$0x1FF80] =	vst v63  }
0xd6: {  	_ =	swait.ge [sflag:s2], $0x3400  }
0xd7: {  	[sflag:s2] =	ssyncset.done $0x0  }
0xd8: {  	[sflag:s2] =	ssyncadd.s32 $0xFFFFCC00  }
0xd9: {  	_ =	swait.ge [sflag:s6], $0x3400  }
0xda: {  	[sflag:s6] =	ssyncset.done $0x0  }
0xdb: {  	[sflag:s6] =	ssyncadd.s32 $0xFFFFCC00  }
0xdc: {  	s16 =	simm.s32 $0x138;
	_ =	swait.ge [sflag:s9], $0x3400  }
0xdd: {  	s14 =	simm.s32 $0x9C;
	s15 =	rddreg [dreg:$0xf];
	[sflag:s9] =	ssyncset.done $0x0  }
.LBB2_2:
0xde: {  	[sflag:s9] =	ssyncadd.s32 $0xFFFFCC00  }
0xdf: {  	s12 =	rddreg [dreg:$0xe];
	s15 =	sadd.s32 s14, s15;
	s18 =	simm.s32 $0xC380  }
0xe0: {  	[tilespmem:s18], [sflag:$0x2] =	stream.linear.gather [hbm4b:s15+s4], $0x68, $0x38;
	[tilespmem:$0x1FF80] =	vst v63  }
0xe1: {  	s17 =	rddreg [dreg:$0xd];
	s19 =	simm.s32 $0xC400;
	s12 =	sadd.s32 s14, s12  }
0xe2: {  	[tilespmem:s19], [sflag:$0x3] =	stream.linear.gather [hbm4b:s12+s4], $0x68, $0x38;
	[tilespmem:$0x1FF80] =	vst v63  }
0xe3: {  	s20 =	simm.s32 $0xC480;
	s15 =	rddreg [dreg:$0xc];
	s12 =	sadd.s32 s14, s17  }
0xe4: {  	[tilespmem:s20], [sflag:$0x4] =	stream.linear.gather [hbm4b:s12+s4], $0x68, $0x38;
	[tilespmem:$0x1FF80] =	vst v63  }
0xe5: {  	s17 =	rddreg [dreg:$0xb];
	s12 =	sadd.s32 s14, s15  }
0xe6: {  	[tilespmem:s21], [sflag:$0x5] =	stream.linear.gather [hbm4b:s12+s4], $0x68, $0x38;
	[tilespmem:$0x1FF80] =	vst v63  }
0xe7: {  	s15 =	rddreg [dreg:$0xa];
	s12 =	sadd.s32 s14, s17;
	s17 =	simm.s32 $0xC580  }
0xe8: {  	[tilespmem:s17], [sflag:$0x6] =	stream.linear.gather [hbm4b:s12+s4], $0x68, $0x38;
	[tilespmem:$0x1FF80] =	vst v63  }
0xe9: {  	s13 =	sadd.s32 $0x4E0, s13;
	s15 =	sadd.s32 s14, s15  }
0xea: {  	[tilespmem:s22], [sflag:$0x7] =	stream.linear.gather [hbm4b:s15+s4], $0x68, $0x38;
	[tilespmem:$0x1FF80] =	vst v63  }
0xeb: {  	s15 =	sadd.s32 $0xFFFFFB88, s13  }
0xec: {  	[tilespmem:s24], [sflag:$0x8] =	stream.indirect.gather [hbm4b:s1+s23], $0x80, s15, s23, $0xb8;
	[tilespmem:$0x1FF80] =	vst v63  }
0xed: {  	s15 =	sadd.s32 $0xFFFFFBF0, s13  }
0xee: {  	[tilespmem:s25], [sflag:$0x9] =	stream.indirect.gather [hbm4b:s1+s23], $0x80, s15, s23, $0xb8;
	[tilespmem:$0x1FF80] =	vst v63  }
0xef: {  	_ =	swait.ge [sflag:s26], $0x3400  }
0xf0: {  	[sflag:s26] =	ssyncset.done $0x0  }
0xf1: {  	[sflag:s26] =	ssyncadd.s32 $0xFFFFCC00  }
0xf2: {  	_ =	swait.ge [sflag:s28], $0x68  }
0xf3: {  	[sflag:s28] =	ssyncset.done $0x0  }
0xf4: {  	[sflag:s28] =	ssyncadd.s32 $0xFFFFFF98  }
0xf5: {  	[spmem:s3] =	stream.indirect.scatter.add.f32 [tilespmem:s24], [sflag:$0xB], $0x80, s18, s23, $0xb8;
	[tilespmem:$0x1FF80] =	vst v63  }
0xf6: {  	s15 =	sadd.s32 $0xFFFFFC58, s13  }
0xf7: {  	[tilespmem:s29], [sflag:$0xA] =	stream.indirect.gather [hbm4b:s1+s23], $0x80, s15, s23, $0xb8;
	[tilespmem:$0x1FF80] =	vst v63  }
0xf8: {  	_ =	swait.ge [sflag:s30], $0x3400  }
0xf9: {  	[sflag:s30] =	ssyncset.done $0x0  }
0xfa: {  	[sflag:s30] =	ssyncadd.s32 $0xFFFFCC00  }
0xfb: {  	_ =	swait.ge [sflag:s31], $0x68  }
0xfc: {  	[sflag:s31] =	ssyncset.done $0x0  }
0xfd: {  	[sflag:s31] =	ssyncadd.s32 $0xFFFFFF98  }
0xfe: {  	[spmem:s3] =	stream.indirect.scatter.add.f32 [tilespmem:s25], [sflag:$0xC], $0x80, s19, s23, $0xb8;
	[tilespmem:$0x1FF80] =	vst v63  }
0xff: {  	_ =	swait.ge [sflag:s2], $0x3400  }
0x100: {  	s15 =	rddreg [dreg:$0x9];
	[sflag:s2] =	ssyncset.done $0x0  }
0x101: {  	[sflag:s2] =	ssyncadd.s32 $0xFFFFCC00;
	s12 =	sadd.s32 s14, s15  }
0x102: {  	[tilespmem:s18], [sflag:$0x2] =	stream.linear.gather [hbm4b:s12+s4], $0x68, $0x38;
	[tilespmem:$0x1FF80] =	vst v63  }
0x103: {  	s15 =	sadd.s32 $0xFFFFFCC0, s13  }
0x104: {  	[tilespmem:s24], [sflag:$0x8] =	stream.indirect.gather [hbm4b:s1+s23], $0x80, s15, s23, $0xb8;
	[tilespmem:$0x1FF80] =	vst v63  }
0x105: {  	_ =	swait.ge [sflag:s0], $0x3400  }
0x106: {  	[sflag:s0] =	ssyncset.done $0x0  }
0x107: {  	[sflag:s0] =	ssyncadd.s32 $0xFFFFCC00  }
0x108: {  	_ =	swait.ge [sflag:s5], $0x68  }
0x109: {  	[sflag:s5] =	ssyncset.done $0x0  }
0x10a: {  	[sflag:s5] =	ssyncadd.s32 $0xFFFFFF98  }
0x10b: {  	[spmem:s3] =	stream.indirect.scatter.add.f32 [tilespmem:s29], [sflag:$0xD], $0x80, s20, s23, $0xb8;
	[tilespmem:$0x1FF80] =	vst v63  }
0x10c: {  	_ =	swait.ge [sflag:s6], $0x3400  }
0x10d: {  	s15 =	rddreg [dreg:$0x8];
	[sflag:s6] =	ssyncset.done $0x0  }
0x10e: {  	[sflag:s6] =	ssyncadd.s32 $0xFFFFCC00;
	s12 =	sadd.s32 s14, s15  }
0x10f: {  	[tilespmem:s19], [sflag:$0x3] =	stream.linear.gather [hbm4b:s12+s4], $0x68, $0x38;
	[tilespmem:$0x1FF80] =	vst v63  }
0x110: {  	s15 =	sadd.s32 $0xFFFFFD28, s13  }
0x111: {  	[tilespmem:s25], [sflag:$0x9] =	stream.indirect.gather [hbm4b:s1+s23], $0x80, s15, s23, $0xb8;
	[tilespmem:$0x1FF80] =	vst v63  }
0x112: {  	_ =	swait.ge [sflag:s26], $0x3400  }
0x113: {  	[sflag:s26] =	ssyncset.done $0x0  }
0x114: {  	[sflag:s26] =	ssyncadd.s32 $0xFFFFCC00  }
0x115: {  	_ =	swait.ge [sflag:s7], $0x68  }
0x116: {  	[sflag:s7] =	ssyncset.done $0x0  }
0x117: {  	[sflag:s7] =	ssyncadd.s32 $0xFFFFFF98  }
0x118: {  	[spmem:s3] =	stream.indirect.scatter.add.f32 [tilespmem:s24], [sflag:$0xB], $0x80, s21, s23, $0xb8;
	[tilespmem:$0x1FF80] =	vst v63  }
0x119: {  	_ =	swait.ge [sflag:s9], $0x3400  }
0x11a: {  	s15 =	rddreg [dreg:$0x7];
	[sflag:s9] =	ssyncset.done $0x0  }
0x11b: {  	[sflag:s9] =	ssyncadd.s32 $0xFFFFCC00;
	s12 =	sadd.s32 s14, s15  }
0x11c: {  	[tilespmem:s20], [sflag:$0x4] =	stream.linear.gather [hbm4b:s12+s4], $0x68, $0x38;
	[tilespmem:$0x1FF80] =	vst v63  }
0x11d: {  	s15 =	sadd.s32 $0xFFFFFD90, s13  }
0x11e: {  	[tilespmem:s29], [sflag:$0xA] =	stream.indirect.gather [hbm4b:s1+s23], $0x80, s15, s23, $0xb8;
	[tilespmem:$0x1FF80] =	vst v63  }
0x11f: {  	_ =	swait.ge [sflag:s30], $0x3400  }
0x120: {  	[sflag:s30] =	ssyncset.done $0x0  }
0x121: {  	[sflag:s30] =	ssyncadd.s32 $0xFFFFCC00  }
0x122: {  	_ =	swait.ge [sflag:s10], $0x68  }
0x123: {  	[sflag:s10] =	ssyncset.done $0x0  }
0x124: {  	[sflag:s10] =	ssyncadd.s32 $0xFFFFFF98  }
0x125: {  	[spmem:s3] =	stream.indirect.scatter.add.f32 [tilespmem:s25], [sflag:$0xC], $0x80, s17, s23, $0xb8;
	[tilespmem:$0x1FF80] =	vst v63  }
0x126: {  	_ =	swait.ge [sflag:s2], $0x3400  }
0x127: {  	s15 =	rddreg [dreg:$0x6];
	[sflag:s2] =	ssyncset.done $0x0  }
0x128: {  	[sflag:s2] =	ssyncadd.s32 $0xFFFFCC00;
	s12 =	sadd.s32 s14, s15  }
0x129: {  	[tilespmem:s21], [sflag:$0x5] =	stream.linear.gather [hbm4b:s12+s4], $0x68, $0x38;
	[tilespmem:$0x1FF80] =	vst v63  }
0x12a: {  	s15 =	sadd.s32 $0xFFFFFDF8, s13  }
0x12b: {  	[tilespmem:s24], [sflag:$0x8] =	stream.indirect.gather [hbm4b:s1+s23], $0x80, s15, s23, $0xb8;
	[tilespmem:$0x1FF80] =	vst v63  }
0x12c: {  	_ =	swait.ge [sflag:s0], $0x3400  }
0x12d: {  	[sflag:s0] =	ssyncset.done $0x0  }
0x12e: {  	[sflag:s0] =	ssyncadd.s32 $0xFFFFCC00  }
0x12f: {  	_ =	swait.ge [sflag:s11], $0x68  }
0x130: {  	[sflag:s11] =	ssyncset.done $0x0  }
0x131: {  	[sflag:s11] =	ssyncadd.s32 $0xFFFFFF98  }
0x132: {  	[spmem:s3] =	stream.indirect.scatter.add.f32 [tilespmem:s29], [sflag:$0xD], $0x80, s22, s23, $0xb8;
	[tilespmem:$0x1FF80] =	vst v63  }
0x133: {  	_ =	swait.ge [sflag:s6], $0x3400  }
0x134: {  	s15 =	rddreg [dreg:$0x5];
	[sflag:s6] =	ssyncset.done $0x0  }
0x135: {  	[sflag:s6] =	ssyncadd.s32 $0xFFFFCC00;
	s12 =	sadd.s32 s14, s15  }
0x136: {  	[tilespmem:s17], [sflag:$0x6] =	stream.linear.gather [hbm4b:s12+s4], $0x68, $0x38;
	[tilespmem:$0x1FF80] =	vst v63  }
0x137: {  	s15 =	sadd.s32 $0xFFFFFE60, s13  }
0x138: {  	[tilespmem:s25], [sflag:$0x9] =	stream.indirect.gather [hbm4b:s1+s23], $0x80, s15, s23, $0xb8;
	[tilespmem:$0x1FF80] =	vst v63  }
0x139: {  	_ =	swait.ge [sflag:s26], $0x3400  }
0x13a: {  	[sflag:s26] =	ssyncset.done $0x0  }
0x13b: {  	[sflag:s26] =	ssyncadd.s32 $0xFFFFCC00  }
0x13c: {  	_ =	swait.ge [sflag:s28], $0x68  }
0x13d: {  	[sflag:s28] =	ssyncset.done $0x0  }
0x13e: {  	[sflag:s28] =	ssyncadd.s32 $0xFFFFFF98  }
0x13f: {  	[spmem:s3] =	stream.indirect.scatter.add.f32 [tilespmem:s24], [sflag:$0xB], $0x80, s18, s23, $0xb8;
	[tilespmem:$0x1FF80] =	vst v63  }
0x140: {  	_ =	swait.ge [sflag:s9], $0x3400  }
0x141: {  	s15 =	rddreg [dreg:$0x4];
	[sflag:s9] =	ssyncset.done $0x0  }
0x142: {  	[sflag:s9] =	ssyncadd.s32 $0xFFFFCC00;
	s12 =	sadd.s32 s14, s15  }
0x143: {  	[tilespmem:s22], [sflag:$0x7] =	stream.linear.gather [hbm4b:s12+s4], $0x68, $0x38;
	[tilespmem:$0x1FF80] =	vst v63  }
0x144: {  	s18 =	sadd.s32 $0xFFFFFEC8, s13  }
0x145: {  	[tilespmem:s29], [sflag:$0xA] =	stream.indirect.gather [hbm4b:s1+s23], $0x80, s18, s23, $0xb8;
	[tilespmem:$0x1FF80] =	vst v63  }
0x146: {  	_ =	swait.ge [sflag:s30], $0x3400  }
0x147: {  	[sflag:s30] =	ssyncset.done $0x0  }
0x148: {  	[sflag:s30] =	ssyncadd.s32 $0xFFFFCC00  }
0x149: {  	_ =	swait.ge [sflag:s31], $0x68  }
0x14a: {  	[sflag:s31] =	ssyncset.done $0x0  }
0x14b: {  	[sflag:s31] =	ssyncadd.s32 $0xFFFFFF98  }
0x14c: {  	[spmem:s3] =	stream.indirect.scatter.add.f32 [tilespmem:s25], [sflag:$0xC], $0x80, s19, s23, $0xb8;
	[tilespmem:$0x1FF80] =	vst v63  }
0x14d: {  	_ =	swait.ge [sflag:s2], $0x3400  }
0x14e: {  	[sflag:s2] =	ssyncset.done $0x0  }
0x14f: {  	s19 =	sadd.s32 $0xFFFFFF30, s13;
	[sflag:s2] =	ssyncadd.s32 $0xFFFFCC00  }
0x150: {  	[tilespmem:s24], [sflag:$0x8] =	stream.indirect.gather [hbm4b:s1+s23], $0x80, s19, s23, $0xb8;
	[tilespmem:$0x1FF80] =	vst v63  }
0x151: {  	_ =	swait.ge [sflag:s0], $0x3400  }
0x152: {  	[sflag:s0] =	ssyncset.done $0x0  }
0x153: {  	[sflag:s0] =	ssyncadd.s32 $0xFFFFCC00  }
0x154: {  	_ =	swait.ge [sflag:s5], $0x68  }
0x155: {  	[sflag:s5] =	ssyncset.done $0x0  }
0x156: {  	[sflag:s5] =	ssyncadd.s32 $0xFFFFFF98  }
0x157: {  	[spmem:s3] =	stream.indirect.scatter.add.f32 [tilespmem:s29], [sflag:$0xD], $0x80, s20, s23, $0xb8;
	[tilespmem:$0x1FF80] =	vst v63  }
0x158: {  	_ =	swait.ge [sflag:s6], $0x3400  }
0x159: {  	[sflag:s6] =	ssyncset.done $0x0  }
0x15a: {  	s20 =	sadd.s32 $0xFFFFFF98, s13;
	[sflag:s6] =	ssyncadd.s32 $0xFFFFCC00  }
0x15b: {  	[tilespmem:s25], [sflag:$0x9] =	stream.indirect.gather [hbm4b:s1+s23], $0x80, s20, s23, $0xb8;
	[tilespmem:$0x1FF80] =	vst v63  }
0x15c: {  	_ =	swait.ge [sflag:s26], $0x3400  }
0x15d: {  	[sflag:s26] =	ssyncset.done $0x0  }
0x15e: {  	[sflag:s26] =	ssyncadd.s32 $0xFFFFCC00  }
0x15f: {  	_ =	swait.ge [sflag:s7], $0x68  }
0x160: {  	[sflag:s7] =	ssyncset.done $0x0  }
0x161: {  	[sflag:s7] =	ssyncadd.s32 $0xFFFFFF98  }
0x162: {  	[spmem:s3] =	stream.indirect.scatter.add.f32 [tilespmem:s24], [sflag:$0xB], $0x80, s21, s23, $0xb8;
	[tilespmem:$0x1FF80] =	vst v63  }
0x163: {  	_ =	swait.ge [sflag:s9], $0x3400  }
0x164: {  	[sflag:s9] =	ssyncset.done $0x0  }
0x165: {  	[sflag:s9] =	ssyncadd.s32 $0xFFFFCC00  }
0x166: {  	[tilespmem:s29], [sflag:$0xA] =	stream.indirect.gather [hbm4b:s1+s23], $0x80, s13, s23, $0xb8;
	[tilespmem:$0x1FF80] =	vst v63  }
0x167: {  	_ =	swait.ge [sflag:s30], $0x3400  }
0x168: {  	[sflag:s30] =	ssyncset.done $0x0  }
0x169: {  	[sflag:s30] =	ssyncadd.s32 $0xFFFFCC00  }
0x16a: {  	_ =	swait.ge [sflag:s10], $0x68  }
0x16b: {  	[sflag:s10] =	ssyncset.done $0x0  }
0x16c: {  	[sflag:s10] =	ssyncadd.s32 $0xFFFFFF98  }
0x16d: {  	[spmem:s3] =	stream.indirect.scatter.add.f32 [tilespmem:s25], [sflag:$0xC], $0x80, s17, s23, $0xb8;
	[tilespmem:$0x1FF80] =	vst v63  }
0x16e: {  	_ =	swait.ge [sflag:s0], $0x3400  }
0x16f: {  	[sflag:s0] =	ssyncset.done $0x0  }
0x170: {  	[sflag:s0] =	ssyncadd.s32 $0xFFFFCC00  }
0x171: {  	_ =	swait.ge [sflag:s11], $0x68  }
0x172: {  	[sflag:s11] =	ssyncset.done $0x0  }
0x173: {  	[sflag:s11] =	ssyncadd.s32 $0xFFFFFF98  }
0x174: {  	[spmem:s3] =	stream.indirect.scatter.add.f32 [tilespmem:s29], [sflag:$0xD], $0x80, s22, s23, $0xb8;
	[tilespmem:$0x1FF80] =	vst v63  }
0x175: {  	_ =	swait.ge [sflag:s2], $0x3400  }
0x176: {  	[sflag:s2] =	ssyncset.done $0x0  }
0x177: {  	p1 =	sne.s32 s16, $0x444;
	[sflag:s2] =	ssyncadd.s32 $0xFFFFCC00  }
.Ltmp0:
0x178: {  	_ =	swait.ge [sflag:s6], $0x3400;
	(pc) =	sbr.rel @p1 .LBB2_2-.Ltmp0, $4  }
0x179: {  	[sflag:s6] =	ssyncset.done $0x0  }
0x17a: {  	[sflag:s6] =	ssyncadd.s32 $0xFFFFCC00  }
0x17b: {  	s8 =	smov.u32 s16;
	s16 =	sadd.s32 $0x9C, s16;
	_ =	swait.ge [sflag:s9], $0x3400  }
0x17c: {  	s14 =	smov.u32 s8;
	s15 =	rddreg [dreg:$0xf];
	[sflag:s9] =	ssyncset.done $0x0  }
0x17d: {  	s8 =	rddreg [dreg:$0xe]  }
0x17e: {  	[sflag:s9] =	ssyncadd.s32 $0xFFFFCC00;
	s12 =	sadd.s32 s14, s15;
	s16 =	simm.s32 $0xC380  }
0x17f: {  	[tilespmem:s16], [sflag:$0x2] =	stream.linear.gather [hbm4b:s12+s4], $0x68, $0x38;
	[tilespmem:$0x1FF80] =	vst v63  }
0x180: {  	s18 =	rddreg [dreg:$0xd];
	s17 =	simm.s32 $0xC400;
	s8 =	sadd.s32 s14, s8  }
0x181: {  	[tilespmem:s17], [sflag:$0x3] =	stream.linear.gather [hbm4b:s8+s4], $0x68, $0x38;
	[tilespmem:$0x1FF80] =	vst v63  }
0x182: {  	s19 =	rddreg [dreg:$0xc];
	s12 =	sadd.s32 s14, s18;
	s18 =	simm.s32 $0xC480  }
0x183: {  	[tilespmem:s18], [sflag:$0x4] =	stream.linear.gather [hbm4b:s12+s4], $0x68, $0x38;
	[tilespmem:$0x1FF80] =	vst v63  }
0x184: {  	s20 =	rddreg [dreg:$0xb];
	s8 =	sadd.s32 s14, s19;
	s19 =	simm.s32 $0xC500  }
0x185: {  	[tilespmem:s19], [sflag:$0x5] =	stream.linear.gather [hbm4b:s8+s4], $0x68, $0x38;
	[tilespmem:$0x1FF80] =	vst v63  }
0x186: {  	s15 =	rddreg [dreg:$0xa];
	s12 =	sadd.s32 s14, s20;
	s20 =	simm.s32 $0xC580  }
0x187: {  	[tilespmem:s20], [sflag:$0x6] =	stream.linear.gather [hbm4b:s12+s4], $0x68, $0x38;
	[tilespmem:$0x1FF80] =	vst v63  }
0x188: {  	s15 =	sadd.s32 s14, s15;
	s8 =	sadd.s32 $0x4E0, s13  }
0x189: {  	[tilespmem:s22], [sflag:$0x7] =	stream.linear.gather [hbm4b:s15+s4], $0x68, $0x38;
	[tilespmem:$0x1FF80] =	vst v63  }
0x18a: {  	s13 =	sadd.s32 $0xFFFFFB88, s8  }
0x18b: {  	[tilespmem:s24], [sflag:$0x8] =	stream.indirect.gather [hbm4b:s1+s23], $0x80, s13, s23, $0xb8;
	[tilespmem:$0x1FF80] =	vst v63  }
0x18c: {  	s15 =	sadd.s32 $0xFFFFFBF0, s8  }
0x18d: {  	[tilespmem:s25], [sflag:$0x9] =	stream.indirect.gather [hbm4b:s1+s23], $0x80, s15, s23, $0xb8;
	[tilespmem:$0x1FF80] =	vst v63  }
0x18e: {  	_ =	swait.ge [sflag:s26], $0x3400  }
0x18f: {  	[sflag:s26] =	ssyncset.done $0x0  }
0x190: {  	[sflag:s26] =	ssyncadd.s32 $0xFFFFCC00  }
0x191: {  	_ =	swait.ge [sflag:s28], $0x68  }
0x192: {  	[sflag:s28] =	ssyncset.done $0x0  }
0x193: {  	[sflag:s28] =	ssyncadd.s32 $0xFFFFFF98  }
0x194: {  	[spmem:s3] =	stream.indirect.scatter.add.f32 [tilespmem:s24], [sflag:$0xB], $0x80, s16, s23, $0xb8;
	[tilespmem:$0x1FF80] =	vst v63  }
0x195: {  	s13 =	sadd.s32 $0xFFFFFC58, s8  }
0x196: {  	[tilespmem:s29], [sflag:$0xA] =	stream.indirect.gather [hbm4b:s1+s23], $0x80, s13, s23, $0xb8;
	[tilespmem:$0x1FF80] =	vst v63  }
0x197: {  	_ =	swait.ge [sflag:s30], $0x3400  }
0x198: {  	[sflag:s30] =	ssyncset.done $0x0  }
0x199: {  	[sflag:s30] =	ssyncadd.s32 $0xFFFFCC00  }
0x19a: {  	_ =	swait.ge [sflag:s31], $0x68  }
0x19b: {  	[sflag:s31] =	ssyncset.done $0x0  }
0x19c: {  	[sflag:s31] =	ssyncadd.s32 $0xFFFFFF98  }
0x19d: {  	[spmem:s3] =	stream.indirect.scatter.add.f32 [tilespmem:s25], [sflag:$0xC], $0x80, s17, s23, $0xb8;
	[tilespmem:$0x1FF80] =	vst v63  }
0x19e: {  	_ =	swait.ge [sflag:s2], $0x3400  }
0x19f: {  	s15 =	rddreg [dreg:$0x9];
	[sflag:s2] =	ssyncset.done $0x0  }
0x1a0: {  	[sflag:s2] =	ssyncadd.s32 $0xFFFFCC00;
	s12 =	sadd.s32 s14, s15  }
0x1a1: {  	[tilespmem:s16], [sflag:$0x2] =	stream.linear.gather [hbm4b:s12+s4], $0x68, $0x38;
	[tilespmem:$0x1FF80] =	vst v63  }
0x1a2: {  	s13 =	sadd.s32 $0xFFFFFCC0, s8  }
0x1a3: {  	[tilespmem:s24], [sflag:$0x8] =	stream.indirect.gather [hbm4b:s1+s23], $0x80, s13, s23, $0xb8;
	[tilespmem:$0x1FF80] =	vst v63  }
0x1a4: {  	_ =	swait.ge [sflag:s0], $0x3400  }
0x1a5: {  	[sflag:s0] =	ssyncset.done $0x0  }
0x1a6: {  	[sflag:s0] =	ssyncadd.s32 $0xFFFFCC00  }
0x1a7: {  	_ =	swait.ge [sflag:s5], $0x68  }
0x1a8: {  	[sflag:s5] =	ssyncset.done $0x0  }
0x1a9: {  	[sflag:s5] =	ssyncadd.s32 $0xFFFFFF98  }
0x1aa: {  	[spmem:s3] =	stream.indirect.scatter.add.f32 [tilespmem:s29], [sflag:$0xD], $0x80, s18, s23, $0xb8;
	[tilespmem:$0x1FF80] =	vst v63  }
0x1ab: {  	_ =	swait.ge [sflag:s6], $0x3400  }
0x1ac: {  	s15 =	rddreg [dreg:$0x8];
	[sflag:s6] =	ssyncset.done $0x0  }
0x1ad: {  	[sflag:s6] =	ssyncadd.s32 $0xFFFFCC00;
	s12 =	sadd.s32 s14, s15  }
0x1ae: {  	[tilespmem:s17], [sflag:$0x3] =	stream.linear.gather [hbm4b:s12+s4], $0x68, $0x38;
	[tilespmem:$0x1FF80] =	vst v63  }
0x1af: {  	s13 =	sadd.s32 $0xFFFFFD28, s8  }
0x1b0: {  	[tilespmem:s25], [sflag:$0x9] =	stream.indirect.gather [hbm4b:s1+s23], $0x80, s13, s23, $0xb8;
	[tilespmem:$0x1FF80] =	vst v63  }
0x1b1: {  	_ =	swait.ge [sflag:s26], $0x3400  }
0x1b2: {  	[sflag:s26] =	ssyncset.done $0x0  }
0x1b3: {  	[sflag:s26] =	ssyncadd.s32 $0xFFFFCC00  }
0x1b4: {  	_ =	swait.ge [sflag:s7], $0x68  }
0x1b5: {  	[sflag:s7] =	ssyncset.done $0x0  }
0x1b6: {  	[sflag:s7] =	ssyncadd.s32 $0xFFFFFF98  }
0x1b7: {  	[spmem:s3] =	stream.indirect.scatter.add.f32 [tilespmem:s24], [sflag:$0xB], $0x80, s19, s23, $0xb8;
	[tilespmem:$0x1FF80] =	vst v63  }
0x1b8: {  	_ =	swait.ge [sflag:s9], $0x3400  }
0x1b9: {  	s15 =	rddreg [dreg:$0x7];
	[sflag:s9] =	ssyncset.done $0x0  }
0x1ba: {  	[sflag:s9] =	ssyncadd.s32 $0xFFFFCC00;
	s12 =	sadd.s32 s14, s15  }
0x1bb: {  	[tilespmem:s18], [sflag:$0x4] =	stream.linear.gather [hbm4b:s12+s4], $0x68, $0x38;
	[tilespmem:$0x1FF80] =	vst v63  }
0x1bc: {  	s13 =	sadd.s32 $0xFFFFFD90, s8  }
0x1bd: {  	[tilespmem:s29], [sflag:$0xA] =	stream.indirect.gather [hbm4b:s1+s23], $0x80, s13, s23, $0xb8;
	[tilespmem:$0x1FF80] =	vst v63  }
0x1be: {  	_ =	swait.ge [sflag:s30], $0x3400  }
0x1bf: {  	[sflag:s30] =	ssyncset.done $0x0  }
0x1c0: {  	[sflag:s30] =	ssyncadd.s32 $0xFFFFCC00  }
0x1c1: {  	_ =	swait.ge [sflag:s10], $0x68  }
0x1c2: {  	[sflag:s10] =	ssyncset.done $0x0  }
0x1c3: {  	[sflag:s10] =	ssyncadd.s32 $0xFFFFFF98  }
0x1c4: {  	[spmem:s3] =	stream.indirect.scatter.add.f32 [tilespmem:s25], [sflag:$0xC], $0x80, s20, s23, $0xb8;
	[tilespmem:$0x1FF80] =	vst v63  }
0x1c5: {  	_ =	swait.ge [sflag:s2], $0x3400  }
0x1c6: {  	s15 =	rddreg [dreg:$0x6];
	[sflag:s2] =	ssyncset.done $0x0  }
0x1c7: {  	[sflag:s2] =	ssyncadd.s32 $0xFFFFCC00;
	s12 =	sadd.s32 s14, s15  }
0x1c8: {  	[tilespmem:s19], [sflag:$0x5] =	stream.linear.gather [hbm4b:s12+s4], $0x68, $0x38;
	[tilespmem:$0x1FF80] =	vst v63  }
0x1c9: {  	s13 =	sadd.s32 $0xFFFFFDF8, s8  }
0x1ca: {  	[tilespmem:s24], [sflag:$0x8] =	stream.indirect.gather [hbm4b:s1+s23], $0x80, s13, s23, $0xb8;
	[tilespmem:$0x1FF80] =	vst v63  }
0x1cb: {  	_ =	swait.ge [sflag:s0], $0x3400  }
0x1cc: {  	[sflag:s0] =	ssyncset.done $0x0  }
0x1cd: {  	[sflag:s0] =	ssyncadd.s32 $0xFFFFCC00  }
0x1ce: {  	_ =	swait.ge [sflag:s11], $0x68  }
0x1cf: {  	[sflag:s11] =	ssyncset.done $0x0  }
0x1d0: {  	[sflag:s11] =	ssyncadd.s32 $0xFFFFFF98  }
0x1d1: {  	[spmem:s3] =	stream.indirect.scatter.add.f32 [tilespmem:s29], [sflag:$0xD], $0x80, s22, s23, $0xb8;
	[tilespmem:$0x1FF80] =	vst v63  }
0x1d2: {  	_ =	swait.ge [sflag:s6], $0x3400  }
0x1d3: {  	s15 =	rddreg [dreg:$0x5];
	[sflag:s6] =	ssyncset.done $0x0  }
0x1d4: {  	[sflag:s6] =	ssyncadd.s32 $0xFFFFCC00;
	s12 =	sadd.s32 s14, s15  }
0x1d5: {  	[tilespmem:s20], [sflag:$0x6] =	stream.linear.gather [hbm4b:s12+s4], $0x68, $0x38;
	[tilespmem:$0x1FF80] =	vst v63  }
0x1d6: {  	s13 =	sadd.s32 $0xFFFFFE60, s8  }
0x1d7: {  	[tilespmem:s25], [sflag:$0x9] =	stream.indirect.gather [hbm4b:s1+s23], $0x80, s13, s23, $0xb8;
	[tilespmem:$0x1FF80] =	vst v63  }
0x1d8: {  	_ =	swait.ge [sflag:s26], $0x3400  }
0x1d9: {  	[sflag:s26] =	ssyncset.done $0x0  }
0x1da: {  	[sflag:s26] =	ssyncadd.s32 $0xFFFFCC00  }
0x1db: {  	_ =	swait.ge [sflag:s28], $0x68  }
0x1dc: {  	[sflag:s28] =	ssyncset.done $0x0  }
0x1dd: {  	[sflag:s28] =	ssyncadd.s32 $0xFFFFFF98  }
0x1de: {  	[spmem:s3] =	stream.indirect.scatter.add.f32 [tilespmem:s24], [sflag:$0xB], $0x80, s16, s23, $0xb8;
	[tilespmem:$0x1FF80] =	vst v63  }
0x1df: {  	_ =	swait.ge [sflag:s9], $0x3400  }
0x1e0: {  	s15 =	rddreg [dreg:$0x4];
	[sflag:s9] =	ssyncset.done $0x0  }
0x1e1: {  	s12 =	sadd.s32 s14, s15;
	[sflag:s9] =	ssyncadd.s32 $0xFFFFCC00  }
0x1e2: {  	[tilespmem:s22], [sflag:$0x7] =	stream.linear.gather [hbm4b:s12+s4], $0x68, $0x38;
	[tilespmem:$0x1FF80] =	vst v63  }
0x1e3: {  	s16 =	sadd.s32 $0xFFFFFEC8, s8  }
0x1e4: {  	[tilespmem:s29], [sflag:$0xA] =	stream.indirect.gather [hbm4b:s1+s23], $0x80, s16, s23, $0xb8;
	[tilespmem:$0x1FF80] =	vst v63  }
0x1e5: {  	_ =	swait.ge [sflag:s30], $0x3400  }
0x1e6: {  	[sflag:s30] =	ssyncset.done $0x0  }
0x1e7: {  	[sflag:s30] =	ssyncadd.s32 $0xFFFFCC00  }
0x1e8: {  	_ =	swait.ge [sflag:s31], $0x68  }
0x1e9: {  	[sflag:s31] =	ssyncset.done $0x0  }
0x1ea: {  	[sflag:s31] =	ssyncadd.s32 $0xFFFFFF98  }
0x1eb: {  	[spmem:s3] =	stream.indirect.scatter.add.f32 [tilespmem:s25], [sflag:$0xC], $0x80, s17, s23, $0xb8;
	[tilespmem:$0x1FF80] =	vst v63  }
0x1ec: {  	_ =	swait.ge [sflag:s2], $0x3400  }
0x1ed: {  	[sflag:s2] =	ssyncset.done $0x0  }
0x1ee: {  	s17 =	sadd.s32 $0xFFFFFF30, s8;
	[sflag:s2] =	ssyncadd.s32 $0xFFFFCC00  }
0x1ef: {  	[tilespmem:s24], [sflag:$0x8] =	stream.indirect.gather [hbm4b:s1+s23], $0x80, s17, s23, $0xb8;
	[tilespmem:$0x1FF80] =	vst v63  }
0x1f0: {  	_ =	swait.ge [sflag:s0], $0x3400  }
0x1f1: {  	[sflag:s0] =	ssyncset.done $0x0  }
0x1f2: {  	[sflag:s0] =	ssyncadd.s32 $0xFFFFCC00  }
0x1f3: {  	_ =	swait.ge [sflag:s5], $0x68  }
0x1f4: {  	[sflag:s5] =	ssyncset.done $0x0  }
0x1f5: {  	[sflag:s5] =	ssyncadd.s32 $0xFFFFFF98  }
0x1f6: {  	[spmem:s3] =	stream.indirect.scatter.add.f32 [tilespmem:s29], [sflag:$0xD], $0x80, s18, s23, $0xb8;
	[tilespmem:$0x1FF80] =	vst v63  }
0x1f7: {  	_ =	swait.ge [sflag:s6], $0x3400  }
0x1f8: {  	[sflag:s6] =	ssyncset.done $0x0  }
0x1f9: {  	s18 =	sadd.s32 $0xFFFFFF98, s8;
	[sflag:s6] =	ssyncadd.s32 $0xFFFFCC00  }
0x1fa: {  	[tilespmem:s25], [sflag:$0x9] =	stream.indirect.gather [hbm4b:s1+s23], $0x80, s18, s23, $0xb8;
	[tilespmem:$0x1FF80] =	vst v63  }
0x1fb: {  	_ =	swait.ge [sflag:s26], $0x3400  }
0x1fc: {  	[sflag:s26] =	ssyncset.done $0x0  }
0x1fd: {  	[sflag:s26] =	ssyncadd.s32 $0xFFFFCC00  }
0x1fe: {  	_ =	swait.ge [sflag:s7], $0x68  }
0x1ff: {  	[sflag:s7] =	ssyncset.done $0x0  }
0x200: {  	[sflag:s7] =	ssyncadd.s32 $0xFFFFFF98  }
0x201: {  	[spmem:s3] =	stream.indirect.scatter.add.f32 [tilespmem:s24], [sflag:$0xB], $0x80, s19, s23, $0xb8;
	[tilespmem:$0x1FF80] =	vst v63  }
0x202: {  	_ =	swait.ge [sflag:s9], $0x3400  }
0x203: {  	[sflag:s9] =	ssyncset.done $0x0  }
0x204: {  	[sflag:s9] =	ssyncadd.s32 $0xFFFFCC00  }
0x205: {  	[tilespmem:s29], [sflag:$0xA] =	stream.indirect.gather [hbm4b:s1+s23], $0x80, s8, s23, $0xb8;
	[tilespmem:$0x1FF80] =	vst v63  }
0x206: {  	_ =	swait.ge [sflag:s30], $0x3400  }
0x207: {  	[sflag:s30] =	ssyncset.done $0x0  }
0x208: {  	[sflag:s30] =	ssyncadd.s32 $0xFFFFCC00  }
0x209: {  	_ =	swait.ge [sflag:s10], $0x68  }
0x20a: {  	[sflag:s10] =	ssyncset.done $0x0  }
0x20b: {  	[sflag:s10] =	ssyncadd.s32 $0xFFFFFF98  }
0x20c: {  	[spmem:s3] =	stream.indirect.scatter.add.f32 [tilespmem:s25], [sflag:$0xC], $0x80, s20, s23, $0xb8;
	[tilespmem:$0x1FF80] =	vst v63  }
0x20d: {  	_ =	swait.ge [sflag:s0], $0x3400  }
0x20e: {  	[sflag:s0] =	ssyncset.done $0x0  }
0x20f: {  	[sflag:s0] =	ssyncadd.s32 $0xFFFFCC00  }
0x210: {  	_ =	swait.ge [sflag:s11], $0x68  }
0x211: {  	[sflag:s11] =	ssyncset.done $0x0  }
0x212: {  	[sflag:s11] =	ssyncadd.s32 $0xFFFFFF98  }
0x213: {  	[spmem:s3] =	stream.indirect.scatter.add.f32 [tilespmem:s29], [sflag:$0xD], $0x80, s22, s23, $0xb8;
	[tilespmem:$0x1FF80] =	vst v63  }
0x214: {  	_ =	swait.ge [sflag:s2], $0x3400  }
0x215: {  	[sflag:s2] =	ssyncset.done $0x0  }
0x216: {  	[sflag:s2] =	ssyncadd.s32 $0xFFFFCC00  }
0x217: {  	_ =	swait.ge [sflag:s6], $0x3400  }
0x218: {  	[sflag:s6] =	ssyncset.done $0x0  }
0x219: {  	[sflag:s6] =	ssyncadd.s32 $0xFFFFCC00  }
0x21a: {  	_ =	swait.ge [sflag:s9], $0x3400  }
0x21b: {  	[sflag:s9] =	ssyncset.done $0x0  }
0x21c: {  	s20 =	simm.s32 $0xC680;
	s19 =	rddreg [dreg:$0x16];
	[sflag:s9] =	ssyncadd.s32 $0xFFFFCC00  }
0x21d: {  	[tilespmem:s20], [sflag:$0xE] =	stream.linear.gather [hbm4b:s19+s4], $0x10, $0x38;
	[tilespmem:$0x1FF80] =	vst v63  }
0x21e: {  	s14 =	simm.s32 $0x10;
	s15 =	simm.s32 $0x2700;
	s16 =	simm.s32 $0xE  }
0x21f: {  	[tilespmem:s24], [sflag:$0xE] =	stream.indirect.gather [hbm4b:s1+s14], $0x80, s15, s14, $0xb8;
	[tilespmem:$0x1FF80] =	vst v63  }
0x220: {  	_ =	swait.ge [sflag:s16], $0x10  }
0x221: {  	[sflag:s16] =	ssyncset.done $0x0  }
0x222: {  	[sflag:s16] =	ssyncadd.s32 $0xFFFFFFF0  }
0x223: {  	_ =	swait.ge [sflag:s16], $0x800  }
0x224: {  	[sflag:s16] =	ssyncset.done $0x0  }
0x225: {  	[sflag:s16] =	ssyncadd.s32 $0xFFFFF800  }
0x226: {  	[spmem:s3] =	stream.indirect.scatter.add.f32 [tilespmem:s24], [sflag:$0xF], $0x80, s20, s14, $0xb8;
	[tilespmem:$0x1FF80] =	vst v63  }
0x227: {  	s14 =	simm.s32 $0xF  }
0x228: {  	_ =	swait.ge [sflag:s14], $0x800  }
0x229: {  	[sflag:s14] =	ssyncset.done $0x0  }
0x22a: {  	[sflag:s14] =	ssyncadd.s32 $0xFFFFF800  }
0x22b: {  	[bflag:$0x0] =	sbarrier.arrive $0xFFFF  }
0x22c: {  	s13 =	rddreg [dreg:$0x13]  }
0x22d: {  	s17 =	rddreg [dreg:$0x17]  }
0x22e: {  	s18 =	rddreg [dreg:$0x1b]  }
0x22f: {  	[hbm:s17], [sflag:s13] =	dma.local [spmem:s18], $0x2700  }
0x230: {  	_ =	swait.ge [sflag:s14], $0x2700  }
0x231: {  	[sflag:s14] =	ssyncset.done $0x0;
	s8 =	rddreg [dreg:$0x18]  }
0x232: {  	s12 =	rddreg [dreg:$0x1c];
	[sflag:s14] =	ssyncadd.s32 $0xFFFFD900  }
0x233: {  	[hbm:s8], [sflag:s13] =	dma.local @!p0 [spmem:s12], $0x100  }
0x234: {  	s8 =	simm.s32 @!p0 $0xF  }
0x235: {  	_ =	swait.ge @!p0 [sflag:s8], $0x100  }
0x236: {  	s19 =	rddreg [dreg:$0x1a]  }
0x237: {  	s20 =	rddreg [dreg:$0x19];
	s15 =	sadd.s32 $0x1, s19  }
0x238: {  	p1 =	sne.s32 s15, s20  }
.Ltmp1:
0x239: {  	_ = 	snop;
	(pc) =	sbr.rel @p1 .LBB2_1-.Ltmp1, $3  }
0x23a: {  	_ =	sdelay $0x1  }
0x23b: {  	[sflag:s8] =	ssyncset.done @!p0 $0x0  }
0x23c: {  	[sflag:s8] =	ssyncadd.s32 @!p0 $0xFFFFFF00  }
0x23d: {  	_ =	sfence.sel $0x180000  }
0x23e: {  	[bflag:$0x0] =	sbarrier.arrive $0xFFFF  }
0x23f: {  	_ =	strace $0x90000047  }
0x240: {  	s0 =	stileid.u32;
	[bflag:$0x2] =	sbarrier.arrive $0xFFFF  }
0x241: {  	p0 =	sne.s32 s0, $0x0;
	s0 =	rddreg [dreg:$0x3]  }
0x242: {  	s0 =	sadd.s32 @!p0 $0x100000, s0  }
0x243: {  	[sflag:s0] =	ssyncadd.tile.s32 @!p0 $0x1;
	_ =	shalt  }
.Lfunc_end2:
_tile_overlayer_lowered:
.L_overlay_start_2:
0x244: {  	(tag) =	ssettag $0x2  }
0x245: {  	s0 =	rddreg [dreg:$0x0];
	s2 =	stileid.u32  }
0x246: {  	s1 =	rddreg [dreg:$0x1];
	p0 =	sne.s32 s2, $0x0  }
0x247: {  	s3 =	rddreg [dreg:$0x2];
	[bflag:$0x3] =	sbarrier.arrive $0xFFFF;
	s2 =	simm.s32 @!p0 $0x1C0F  }
0x248: {  	[timem:s3], [sflag:s2] =	dma.local @!p0 [hbm:s0], s1  }
0x249: {  	s0 =	simm.s32 @!p0 $0xF  }
0x24a: {  	_ =	swait.ge @!p0 [sflag:s0], s1  }
0x24b: {  	s1 =	ssub.s32 @!p0 $0x0, s1;
	[sflag:s0] =	ssyncset.done @!p0 $0x0  }
0x24c: {  	[sflag:s0] =	ssyncadd.s32 @!p0 s1  }
0x24d: {  	[bflag:$0x3] =	sbarrier.arrive $0xFFFF  }
0x24e: {  	_ =	shalt  }

// kernel: kernel.9.cloned.1.call-start
scs
__scs_entry_jumppad:
0x0: {  	(pc) =	sbr.rel $0x88, $3  }
0x1: {  	(tag) =	ssettag $0x0;
	lr =	simm.s32 $0x1  }
0x2: {  	[smem:$0x3F9D] =	sst lr;
	_ =	strace $0xD0000000  }
0x3: {  	_ = 	snop  }
0x4: {  	_ = 	snop  }
0x5: {  	_ = 	snop  }
0x6: {  	_ = 	snop  }
0x7: {  	_ = 	snop  }
__scs_overlays_trampoline_lowered:
0x8: {  	[smem:$0x3FAC] =	sst s0  }
0x9: {  	[smem:$0x3FAD] =	sst s1  }
0xa: {  	[smem:$0x3FAE] =	sst s2  }
0xb: {  	[smem:$0x3FAF] =	sst s3  }
0xc: {  	[smem:$0x3FB0] =	sst s4  }
0xd: {  	[smem:$0x3FB1] =	sst s5  }
0xe: {  	[smem:$0x3FB2] =	sst s6  }
0xf: {  	[smem:$0x3FB3] =	sst s7  }
0x10: {  	[smem:$0x3FB4] =	sst s8  }
0x11: {  	[smem:$0x3FB5] =	sst s9;
	s0 =	simm.s32 @!p0 $0x0  }
0x12: {  	s1 =	sld [smem:$0x3F9B];
	s0 =	simm.s32 @p0 $0x1  }
0x13: {  	[smem:$0x3FB6] =	sst s0;
	s0 =	simm.s32 @!p1 $0x0  }
0x14: {  	s2 =	sld [smem:$0x3F9A];
	s0 =	simm.s32 @p1 $0x1  }
0x15: {  	[smem:$0x3FB7] =	sst s0;
	s0 =	simm.s32 @!p2 $0x0  }
0x16: {  	s3 =	sld [smem:$0x3FDB];
	s0 =	simm.s32 @p2 $0x1  }
0x17: {  	s4 =	simm.s32 $0x1BF5;
	[smem:$0x3FB9] =	sst s0  }
0x18: {  	s0 =	sld [smem:$0x3F9C];
	_ =	swait.ge [sflag:s4], $0x0  }
0x19: {  	s7 =	sld [smem:$0x3F9D]  }
0x1a: {  	s8 =	sadd.s32 $0xFFFFE003, lr  }
0x1b: {  	s9 =	sadd.s32 $0xFFFFFEF7, lr;
	s5 =	simm.s32 $0xFFFFFFFF;
	p2 =	slt.u32 s8, $0xFFFFF086  }
0x1c: {  	p1 =	slt.u32 s9, $0xF7A;
	s5 =	simm.s32 @!p2 $0x0  }
0x1d: {  	s5 =	simm.s32 @p1 $0x1;
	p0 =	seq.s32 s7, s2  }
0x1e: {  	s7 =	smul.u32 @!p0 $0xF7A, s2;
	p2 =	seq.s32 @!p0 s5, $0x0  }
0x1f: {  	s9 =	smul.u32 $0xF7A, s1;
	s8 =	simm.s32 @!p0 $0x1BF5;
	p2 =	por !p2, p0  }
0x20: {  	[sflag:s8] =	ssyncset.s32 @!p0 $0xFFFFF086;
	s6 =	sadd.s32 @!p0 s3, s7;
	s7 =	simm.s32 @!p0 $0x108  }
0x21: {  	s3 =	sadd.s32 s3, s9;
	s6 =	sadd.s32 @!p0 $0x88, s6;
	s7 =	simm.s32 @p2 $0x1082  }
0x22: {  	[simem:s7], [sflag:s8] =	dma.local @!p0 [hbm:s6], $0xF7A  }
0x23: {  	s9 =	sor.u32 $0xD0000000, s2;
	s6 =	simm.s32 $0x108;
	_ =	swait.ge @!p0 [sflag:s8], $0x0  }
0x24: {  	s3 =	sadd.s32 $0x88, s3;
	s6 =	simm.s32 @!p1 $0x1082;
	[sflag:s4] =	ssyncset.s32 $0xFFFFF086  }
0x25: {  	[simem:s6], [sflag:s4] =	dma.local [hbm:s3], $0xF7A  }
0x26: {  	[smem:$0x3F9D] =	sst s1;
	(tag) =	ssettag s2;
	_ =	strace s9  }
0x27: {  	s1 =	sld [smem:$0x3FAD]  }
0x28: {  	s2 =	sld [smem:$0x3FAE]  }
0x29: {  	s4 =	sld [smem:$0x3FB0]  }
0x2a: {  	p0 =	seq.s32 s5, $0x0;
	s5 =	sld [smem:$0x3FB1]  }
0x2b: {  	s6 =	sld [smem:$0x3FB2]  }
0x2c: {  	s7 =	sld [smem:$0x3FB3]  }
0x2d: {  	s3 =	simm.s32 $0x108;
	s8 =	sld [smem:$0x3FB4]  }
0x2e: {  	s3 =	simm.s32 @!p0 $0x1082;
	s9 =	sld [smem:$0x3FB5]  }
0x2f: {  	lr =	sadd.s32 s0, s3;
	s0 =	sld [smem:$0x3FAC]  }
0x30: {  	s3 =	sld [smem:$0x3FAF]  }
0x31: {  	[smem:$0x3FB8] =	sst s10  }
0x32: {  	s10 =	sld [smem:$0x3FB6];
	_ =	sdelay $0x3  }
0x33: {  	p0 =	seq.s32 s10, $0x1;
	s10 =	sld [smem:$0x3FB8];
	_ =	sdelay $0x3  }
0x34: {  	[smem:$0x3FB8] =	sst s10  }
0x35: {  	s10 =	sld [smem:$0x3FB7];
	_ =	sdelay $0x3  }
0x36: {  	p1 =	seq.s32 s10, $0x1;
	s10 =	sld [smem:$0x3FB8];
	_ =	sdelay $0x3  }
0x37: {  	[smem:$0x3FB8] =	sst s10  }
0x38: {  	s10 =	sld [smem:$0x3FB9]  }
0x39: {  	_ = 	snop;
	(pc) =	sbr.ind lr, $3  }
0x3a: {  	_ = 	snop  }
0x3b: {  	_ = 	snop  }
0x3c: {  	p2 =	seq.s32 s10, $0x1;
	s10 =	sld [smem:$0x3FB8]  }
0x3d: {  	_ =	shalt  }
0x3e: {  	_ =	shalt  }
0x3f: {  	_ =	shalt  }
0x40: {  	_ =	shalt  }
0x41: {  	_ =	shalt  }
0x42: {  	_ =	shalt  }
0x43: {  	_ =	shalt  }
0x44: {  	_ =	shalt  }
0x45: {  	_ =	shalt  }
0x46: {  	_ =	shalt  }
0x47: {  	_ =	shalt  }
0x48: {  	_ =	shalt  }
0x49: {  	_ =	shalt  }
0x4a: {  	_ =	shalt  }
0x4b: {  	_ =	shalt  }
0x4c: {  	_ =	shalt  }
0x4d: {  	_ =	shalt  }
0x4e: {  	_ =	shalt  }
0x4f: {  	_ =	shalt  }
0x50: {  	_ =	shalt  }
0x51: {  	_ =	shalt  }
0x52: {  	_ =	shalt  }
0x53: {  	_ =	shalt  }
0x54: {  	_ =	shalt  }
0x55: {  	_ =	shalt  }
0x56: {  	_ =	shalt  }
0x57: {  	_ =	shalt  }
0x58: {  	_ =	shalt  }
0x59: {  	_ =	shalt  }
0x5a: {  	_ =	shalt  }
0x5b: {  	_ =	shalt  }
0x5c: {  	_ =	shalt  }
0x5d: {  	_ =	shalt  }
0x5e: {  	_ =	shalt  }
0x5f: {  	_ =	shalt  }
0x60: {  	_ =	shalt  }
0x61: {  	_ =	shalt  }
0x62: {  	_ =	shalt  }
0x63: {  	_ =	shalt  }
0x64: {  	_ =	shalt  }
0x65: {  	_ =	shalt  }
0x66: {  	_ =	shalt  }
0x67: {  	_ =	shalt  }
0x68: {  	_ =	shalt  }
0x69: {  	_ =	shalt  }
0x6a: {  	_ =	shalt  }
0x6b: {  	_ =	shalt  }
0x6c: {  	_ =	shalt  }
0x6d: {  	_ =	shalt  }
0x6e: {  	_ =	shalt  }
0x6f: {  	_ =	shalt  }
0x70: {  	_ =	shalt  }
0x71: {  	_ =	shalt  }
0x72: {  	_ =	shalt  }
0x73: {  	_ =	shalt  }
0x74: {  	_ =	shalt  }
0x75: {  	_ =	shalt  }
0x76: {  	_ =	shalt  }
0x77: {  	_ =	shalt  }
0x78: {  	_ =	shalt  }
0x79: {  	_ =	shalt  }
0x7a: {  	_ =	shalt  }
0x7b: {  	_ =	shalt  }
0x7c: {  	_ =	shalt  }
0x7d: {  	_ =	shalt  }
0x7e: {  	_ =	shalt  }
0x7f: {  	_ =	shalt  }
0x80: {  	_ =	shalt  }
0x81: {  	_ =	shalt  }
0x82: {  	_ =	shalt  }
0x83: {  	_ =	shalt  }
0x84: {  	_ =	shalt  }
0x85: {  	_ =	shalt  }
0x86: {  	_ =	shalt  }
0x87: {  	_ =	shalt  }
.Lfunc_end0:
.L_simem_size_0:
called_computation.1_lowered:
.L_overlay_start_0:
0x88: {  	s2 =	sld [smem:$0x3FD9]  }
0x89: {  	s3 =	sld [smem:$0x3FFE];
	_ =	sdelay $0x1  }
0x8a: {  	s1 =	srdreg.scid  }
0x8b: {  	s0 =	sand.u32 $0x1, s1  }
0x8c: {  	s16 =	sshll.u32 s0, $0xA;
	s2 =	sadd.s32 s3, s2  }
0x8d: {  	s2 =	sadd.s32 s2, s16  }
0x8e: {  	[smem:$0x3FC4] =	sst s2  }
0x8f: {  	_ = 	snop  }
0x90: {  	(tm) =	ssettm $0x1  }
0x91: {  	s17 =	sld [smem:$0x3FFB];
	_ =	sdelay $0x3  }
0x92: {  	_ =	strace s17  }
0x93: {  	s2 =	sld [smem:$0x3FFC];
	_ =	sdelay $0x3  }
0x94: {  	_ =	strace s2  }
0x95: {  	s2 =	sld [smem:$0x3FFD];
	_ =	sdelay $0x3  }
0x96: {  	_ =	strace s2  }
0x97: {  	_ =	strace $0x8FFFFFFF  }
0x98: {  	s18 =	sld [smem:$0x3FDB];
	_ =	sdelay $0x1  }
0x99: {  	s19 =	simm.s32 $_scs_section_size  }
0x9a: {  	s4 =	simm.s32 $_size__tile_overlayer_lowered;
	s5 =	simm.s32 $_tile_overlayer_lowered  }
0x9b: {  	s22 =	simm.s32 $0x1BFF;
	s21 =	sshll.u32 s5, $0x1;
	s2 =	sadd.s32 s19, s18  }
0x9c: {  	s6 =	simm.s32 $0x0;
	s20 =	sshll.u32 s4, $0x1;
	s4 =	sadd.s32 s21, s2  }
0x9d: {  	[timem:s6], [sflag:s22] =	dma.local [hbm:s4], s20  }
0x9e: {  	_ =	swait.ge [sflag:s22], s20  }
0x9f: {  	s3 =	ssub.s32 $0x0, s20;
	[sflag:s22] =	ssyncset.done $0x0  }
0xa0: {  	[sflag:s22] =	ssyncadd.s32 s3;
	_ =	sdelay $0x1  }
0xa1: {  	s23 =	simm.s32 $0x1B8B  }
0xa2: {  	_ =	swait.ge [sflag:s23], $0x1  }
0xa3: {  	[sflag:s23] =	ssyncset.done $0x0  }
0xa4: {  	s25 =	simm.s32 $0x1B8E;
	s24 =	sld [smem:$0x3FFE];
	[sflag:s23] =	ssyncadd.s32 $0xFFFFFFFF  }
0xa5: {  	s26 =	simm.s32 $execute0_lowered;
	[smem:$0x3FD2] =	sst s25  }
0xa6: {  	s4 =	sshll.u32 s26, $0x1;
	_ =	strace $0x80000049;
	[dreg:$0x1] =	wrdreg $0xFFFFFFFF  }
0xa7: {  	s28 =	simm.s32 $_size_execute0_lowered;
	s2 =	sadd.s32 s2, s4;
	[dreg:$0x0] =	wrdreg $0x0  }
0xa8: {  	s4 =	sshll.u32 s28, $0x1;
	[dreg:$0x2] =	wrdreg s2  }
0xa9: {  	[dreg:$0x3] =	wrdreg s4  }
0xaa: {  	[dreg:$0x4] =	wrdreg $0xC0  }
0xab: {  	_ =	task [dreg:s6], $0x5FFFF  }
0xac: {  	[dreg:$0x1] =	wrdreg $0xFFFFFFFF  }
0xad: {  	[dreg:$0x0] =	wrdreg $0x60  }
0xae: {  	[dreg:$0x2] =	wrdreg s24  }
0xaf: {  	[dreg:$0x3] =	wrdreg $0xC7000  }
0xb0: {  	[dreg:$0x4] =	wrdreg $0x9  }
0xb1: {  	_ =	task.clear_ibuf [dreg:s6], $0x5FFFF;
	_ =	strace $0x90000049  }
0xb2: {  	s29 =	simm.s32 $0x9;
	_ =	strace $0x8000004B  }
0xb3: {  	_ =	swait.ge [sflag:s29], $0x1  }
0xb4: {  	[sflag:s29] =	ssyncadd.s32 $0xFFFFFFFF  }
0xb5: {  	_ =	strace $0x9000004B  }
0xb6: {  	_ =	sfence  }
0xb7: {  	s30 =	sld [smem:$0x0];
	_ =	sdelay $0x2  }
0xb8: {  	s31 =	sshll.u32 s1, $0xD;
	s1 =	sshrl.u32 s1, $0x2  }
0xb9: {  	s3 =	sand.u32 $0x4000, s31;
	s1 =	sadd.s32 s1, s30  }
0xba: {  	s0 =	sor.u32 s3, s0;
	s1 =	sshll.u32 s1, $0x11  }
0xbb: {  	s0 =	sor.u32 s1, s0  }
0xbc: {  	s0 =	sadd.s32 $0x8F2B, s0  }
0xbd: {  	[sflag:s0] =	ssyncadd.remote.s32 $0x1  }
0xbe: {  	_ =	sfence.sel $0xFFFF  }
0xbf: {  	[dreg:$0x0] =	wrdreg $0xFFFFFFFF;
	(pc) =	sbr.abs _section_cstart, $3  }
0xc0: {  	[dreg:$0x1] =	wrdreg $0xFFFFFFFF  }
0xc1: {  	_ =	task.clear_ibuf [dreg:s6], $0x2FFFF;
	_ =	strace $0x9FFFFFFF  }
0xc2: {  	(tm) =	ssettm $0x7FFFFFFF  }
0xc3: {  	_ =	shalt  }
tec
execute0_lowered:
.L_overlay_start_1:
0x0: {  	(tag) =	ssettag $0x1  }
0x1: {  	s0 =	srdreg.scid;
	s6 =	rddreg [dreg:$0x0]  }
0x2: {  	s14 =	stileid.u32;
	s2 =	rddreg [dreg:$0x1];
	s3 =	simm.s32 $0x0  }
0x3: {  	s28 =	simm.s32 $0x2;
	s29 =	simm.s32 $0x8F80;
	s30 =	simm.s32 $0x9  }
0x4: {  	s31 =	simm.s32 $0x3;
	s7 =	sand.u32 $0x1, s0;
	s9 =	smul.u32 $0x13800, s14  }
0x5: {  	s18 =	sshll.u32 s14, $0x1;
	[smem:$0x7FF] =	sst s3;
	s12 =	smul.u32 $0x4E000, s14  }
0x6: {  	s4 =	sadd.s32 $0x3BC00, s6;
	s5 =	sadd.s32 $0x62E00, s6;
	s23 =	smul.u32 $0x4E20, s14  }
0x7: {  	s25 =	sshll.u32 s14, $0x6;
	s26 =	sadd.s32 $0x138000, s2;
	p0 =	sne.s32 s14, $0xF  }
0x8: {  	s14 =	simm.s32 $0xF;
	s0 =	sor.u32 s7, s18;
	s21 =	smul.u32 $0x138800, s7  }
0x9: {  	_ =	strace $0x8000004A;
	s11 =	ssub.s32 $0x2, s7;
	s7 =	smul.u32 $0x2710, s7  }
0xa: {  	[dreg:$0x13] =	wrdreg s26;
	s0 =	smul.u32 $0x2710, s0;
	s1 =	sshrl.u32 s9, $0x3  }
0xb: {  	s19 =	sshrl.u32 s11, $0x1;
	s20 =	sshrl.u32 s12, $0x2;
	s13 =	sadd.s32 s1, s6  }
0xc: {  	s1 =	ssub.s32 s11, s19;
	s22 =	sadd.s32 s20, s2;
	s16 =	sadd.s32 s9, s21  }
0xd: {  	s7 =	sadd.s32 s7, s23;
	s9 =	sshrl.u32 s21, $0x3;
	s8 =	sshrl.u32 s0, $0x3  }
0xe: {  	s0 =	sadd.s32 $0xE00, s6;
	[dreg:$0x10] =	wrdreg s22;
	s24 =	sadd.s32 $0x14A00, s13  }
0xf: {  	s13 =	sor.u32 $0x1C0F, s25;
	s17 =	sshrl.u32 s16, $0x3;
	s18 =	sadd.s32 $0x478, s7  }
0x10: {  	s20 =	sadd.s32 $0x410, s7;
	s22 =	sadd.s32 $0x3A8, s7;
	s11 =	sadd.s32 $0x270, s7  }
0x11: {  	s16 =	sadd.s32 $0x1A0, s7;
	s1 =	smax.u32 s1, $0x1;
	s10 =	sadd.s32 s8, s6  }
0x12: {  	[dreg:$0x11] =	wrdreg s24;
	s6 =	sadd.s32 $0x3BA00, s6;
	s15 =	sadd.s32 s0, s8  }
0x13: {  	s19 =	sshrl.u32 s18, $0x3;
	s8 =	sshrl.u32 s20, $0x3;
	s23 =	sshrl.u32 s22, $0x3  }
0x14: {  	s24 =	sadd.s32 $0x340, s7;
	s12 =	sshrl.u32 s11, $0x3;
	s18 =	sshrl.u32 s16, $0x3  }
0x15: {  	s20 =	sadd.s32 $0x138, s7;
	s22 =	sadd.s32 $0xD0, s7;
	[dreg:$0x18] =	wrdreg s1  }
0x16: {  	s1 =	simm.s32 $0xB;
	s11 =	simm.s32 $0x7;
	[dreg:$0x12] =	wrdreg s13  }
0x17: {  	s10 =	sadd.s32 $0xAC00, s10;
	[dreg:$0x14] =	wrdreg s6;
	s6 =	sadd.s32 $0x4E0, s15  }
0x18: {  	s21 =	sadd.s32 s8, s0;
	s8 =	sshrl.u32 s24, $0x3;
	[dreg:$0xf] =	wrdreg s10  }
0x19: {  	s15 =	sadd.s32 $0x208, s7;
	[dreg:$0x15] =	wrdreg s6;
	s6 =	sadd.s32 s5, s17  }
0x1a: {  	[dreg:$0x4] =	wrdreg s21;
	s10 =	sadd.s32 $0x2D8, s7;
	s25 =	sadd.s32 s8, s0  }
0x1b: {  	s8 =	sshrl.u32 s15, $0x3;
	s21 =	sshrl.u32 s20, $0x3;
	s5 =	sadd.s32 s5, s9  }
0x1c: {  	s9 =	simm.s32 $0xD;
	s15 =	simm.s32 $0x0;
	[dreg:$0x16] =	wrdreg s6  }
0x1d: {  	s6 =	sadd.s32 s19, s0;
	s26 =	sshrl.u32 s10, $0x3;
	[dreg:$0x6] =	wrdreg s25  }
0x1e: {  	s17 =	sadd.s32 s8, s0;
	s19 =	sadd.s32 s18, s0;
	[dreg:$0x3] =	wrdreg s6  }
0x1f: {  	s8 =	sshrl.u32 s22, $0x3;
	s5 =	sadd.s32 $0x27000, s5;
	[dreg:$0x9] =	wrdreg s17  }
0x20: {  	s22 =	simm.s32 $0xC600;
	s6 =	sadd.s32 s23, s0;
	[dreg:$0xa] =	wrdreg s19  }
0x21: {  	s10 =	sadd.s32 s26, s0;
	s23 =	sadd.s32 $0x68, s7;
	[dreg:$0x17] =	wrdreg s5  }
0x22: {  	s24 =	sadd.s32 s8, s0;
	s7 =	sshrl.u32 s7, $0x3;
	[dreg:$0x5] =	wrdreg s6  }
0x23: {  	s5 =	simm.s32 $0x4;
	[dreg:$0x7] =	wrdreg s10;
	s6 =	sadd.s32 s12, s0  }
0x24: {  	s25 =	sshrl.u32 s23, $0x3;
	[dreg:$0xc] =	wrdreg s24;
	s23 =	simm.s32 $0x68  }
0x25: {  	s24 =	simm.s32 $0x2780;
	[dreg:$0x8] =	wrdreg s6;
	s6 =	sadd.s32 s21, s0  }
0x26: {  	s10 =	simm.s32 $0x6;
	s26 =	sadd.s32 s25, s0;
	[dreg:$0xb] =	wrdreg s6  }
0x27: {  	s0 =	sadd.s32 s7, s0;
	s25 =	simm.s32 $0x5B80;
	[dreg:$0xd] =	wrdreg s26  }
0x28: {  	s7 =	simm.s32 $0x5;
	s21 =	simm.s32 $0xC500;
	[dreg:$0xe] =	wrdreg s0  }
0x29: {  	s26 =	simm.s32 $0x8;
	s0 =	simm.s32 $0xA;
	s6 =	simm.s32 $0xC  }
.LBB2_1:
0x2a: {  	[dreg:$0x19] =	wrdreg s15  }
0x2b: {  	s8 =	rddreg [dreg:$0xf]  }
0x2c: {  	s19 =	rddreg [dreg:$0x10]  }
0x2d: {  	[tilespmem:s3], [sflag:$0x1] =	stream.linear.gather [hbm4b:s8+s3], $0x2710, $0x38;
	[tilespmem:$0x1FF80] =	vst v63  }
0x2e: {  	s20 =	rddreg [dreg:$0x11];
	s12 =	sshrl.u32 s19, $0x3  }
0x2f: {  	[dreg:$0x1a] =	wrdreg s12  }
0x30: {  	[spmem:s12], [sflag:s13] =	dma.local [hbm:s20], $0x2700  }
0x31: {  	_ =	swait.ge [sflag:s14], $0x2700  }
0x32: {  	s8 =	rddreg [dreg:$0x13]  }
0x33: {  	[sflag:s14] =	ssyncset.done $0x0;
	s12 =	sshrl.u32 @!p0 s8, $0x3;
	s8 =	rddreg [dreg:$0x14]  }
0x34: {  	[sflag:s14] =	ssyncadd.s32 $0xFFFFD900;
	[dreg:$0x1b] =	wrdreg s12  }
0x35: {  	[spmem:s12], [sflag:s13] =	dma.local @!p0 [hbm:s8], $0x100  }
0x36: {  	s8 =	simm.s32 @!p0 $0xF  }
0x37: {  	_ =	swait.ge @!p0 [sflag:s8], $0x100  }
0x38: {  	[sflag:s8] =	ssyncset.done @!p0 $0x0  }
0x39: {  	s15 =	simm.s32 $0x1;
	[sflag:s8] =	ssyncadd.s32 @!p0 $0xFFFFFF00  }
0x3a: {  	_ =	swait.ge [sflag:s15], $0x2710  }
0x3b: {  	[sflag:s15] =	ssyncset.done $0x0  }
0x3c: {  	[sflag:s15] =	ssyncadd.s32 $0xFFFFD8F0  }
0x3d: {  	[bflag:$0x0] =	sbarrier.arrive $0xFFFF  }
0x3e: {  	s16 =	rddreg [dreg:$0xe]  }
0x3f: {  	s12 =	simm.s32 $0xC380;
	s17 =	rddreg [dreg:$0xd];
	s8 =	sadd.s32 $0x0, s16  }
0x40: {  	[tilespmem:s12], [sflag:$0x2] =	stream.linear.gather [hbm4b:s8+s3], $0x68, $0x38;
	[tilespmem:$0x1FF80] =	vst v63  }
0x41: {  	s15 =	simm.s32 $0xC400;
	s18 =	rddreg [dreg:$0xc];
	s19 =	sadd.s32 $0x0, s17  }
0x42: {  	[tilespmem:s15], [sflag:$0x3] =	stream.linear.gather [hbm4b:s19+s3], $0x68, $0x38;
	[tilespmem:$0x1FF80] =	vst v63  }
0x43: {  	s20 =	rddreg [dreg:$0xb];
	s17 =	sadd.s32 $0x0, s18;
	s16 =	simm.s32 $0xC480  }
0x44: {  	[tilespmem:s16], [sflag:$0x4] =	stream.linear.gather [hbm4b:s17+s3], $0x68, $0x38;
	[tilespmem:$0x1FF80] =	vst v63  }
0x45: {  	s18 =	rddreg [dreg:$0xa];
	s19 =	sadd.s32 $0x0, s20;
	s17 =	simm.s32 $0xC500  }
0x46: {  	[tilespmem:s17], [sflag:$0x5] =	stream.linear.gather [hbm4b:s19+s3], $0x68, $0x38;
	[tilespmem:$0x1FF80] =	vst v63  }
0x47: {  	s14 =	simm.s32 $0xC580;
	s18 =	sadd.s32 $0x0, s18;
	s20 =	rddreg [dreg:$0x9]  }
0x48: {  	[tilespmem:s14], [sflag:$0x6] =	stream.linear.gather [hbm4b:s18+s3], $0x68, $0x38;
	[tilespmem:$0x1FF80] =	vst v63  }
0x49: {  	s19 =	sadd.s32 $0x0, s20  }
0x4a: {  	[tilespmem:s22], [sflag:$0x7] =	stream.linear.gather [hbm4b:s19+s3], $0x68, $0x38;
	[tilespmem:$0x1FF80] =	vst v63  }
0x4b: {  	s20 =	simm.s32 $0x0  }
0x4c: {  	[tilespmem:s24], [sflag:$0x8] =	stream.indirect.gather [hbm4b:s4+s23], $0x80, s20, s23, $0xb8;
	[tilespmem:$0x1FF80] =	vst v63  }
0x4d: {  	s13 =	simm.s32 $0x68  }
0x4e: {  	[tilespmem:s25], [sflag:$0x9] =	stream.indirect.gather [hbm4b:s4+s23], $0x80, s13, s23, $0xb8;
	[tilespmem:$0x1FF80] =	vst v63  }
0x4f: {  	_ =	swait.ge [sflag:s26], $0x3400  }
0x50: {  	[sflag:s26] =	ssyncset.done $0x0  }
0x51: {  	[sflag:s26] =	ssyncadd.s32 $0xFFFFCC00  }
0x52: {  	_ =	swait.ge [sflag:s28], $0x68  }
0x53: {  	[sflag:s28] =	ssyncset.done $0x0  }
0x54: {  	[sflag:s28] =	ssyncadd.s32 $0xFFFFFF98  }
0x55: {  	[spmem:s2] =	stream.indirect.scatter.add.f32 [tilespmem:s24], [sflag:$0xB], $0x80, s12, s23, $0xb8;
	[tilespmem:$0x1FF80] =	vst v63  }
0x56: {  	s18 =	simm.s32 $0xD0  }
0x57: {  	[tilespmem:s29], [sflag:$0xA] =	stream.indirect.gather [hbm4b:s4+s23], $0x80, s18, s23, $0xb8;
	[tilespmem:$0x1FF80] =	vst v63  }
0x58: {  	_ =	swait.ge [sflag:s30], $0x3400  }
0x59: {  	[sflag:s30] =	ssyncset.done $0x0  }
0x5a: {  	[sflag:s30] =	ssyncadd.s32 $0xFFFFCC00  }
0x5b: {  	_ =	swait.ge [sflag:s31], $0x68  }
0x5c: {  	[sflag:s31] =	ssyncset.done $0x0  }
0x5d: {  	[sflag:s31] =	ssyncadd.s32 $0xFFFFFF98  }
0x5e: {  	[spmem:s2] =	stream.indirect.scatter.add.f32 [tilespmem:s25], [sflag:$0xC], $0x80, s15, s23, $0xb8;
	[tilespmem:$0x1FF80] =	vst v63  }
0x5f: {  	_ =	swait.ge [sflag:s1], $0x3400  }
0x60: {  	s19 =	rddreg [dreg:$0x8];
	[sflag:s1] =	ssyncset.done $0x0  }
0x61: {  	[sflag:s1] =	ssyncadd.s32 $0xFFFFCC00;
	s8 =	sadd.s32 $0x0, s19  }
0x62: {  	[tilespmem:s12], [sflag:$0x2] =	stream.linear.gather [hbm4b:s8+s3], $0x68, $0x38;
	[tilespmem:$0x1FF80] =	vst v63  }
0x63: {  	s20 =	simm.s32 $0x138  }
0x64: {  	[tilespmem:s24], [sflag:$0x8] =	stream.indirect.gather [hbm4b:s4+s23], $0x80, s20, s23, $0xb8;
	[tilespmem:$0x1FF80] =	vst v63  }
0x65: {  	_ =	swait.ge [sflag:s0], $0x3400  }
0x66: {  	[sflag:s0] =	ssyncset.done $0x0  }
0x67: {  	[sflag:s0] =	ssyncadd.s32 $0xFFFFCC00  }
0x68: {  	_ =	swait.ge [sflag:s5], $0x68  }
0x69: {  	[sflag:s5] =	ssyncset.done $0x0  }
0x6a: {  	[sflag:s5] =	ssyncadd.s32 $0xFFFFFF98  }
0x6b: {  	[spmem:s2] =	stream.indirect.scatter.add.f32 [tilespmem:s29], [sflag:$0xD], $0x80, s16, s23, $0xb8;
	[tilespmem:$0x1FF80] =	vst v63  }
0x6c: {  	_ =	swait.ge [sflag:s6], $0x3400  }
0x6d: {  	s13 =	rddreg [dreg:$0x7];
	[sflag:s6] =	ssyncset.done $0x0  }
0x6e: {  	[sflag:s6] =	ssyncadd.s32 $0xFFFFCC00;
	s8 =	sadd.s32 $0x0, s13  }
0x6f: {  	[tilespmem:s15], [sflag:$0x3] =	stream.linear.gather [hbm4b:s8+s3], $0x68, $0x38;
	[tilespmem:$0x1FF80] =	vst v63  }
0x70: {  	s18 =	simm.s32 $0x1A0  }
0x71: {  	[tilespmem:s25], [sflag:$0x9] =	stream.indirect.gather [hbm4b:s4+s23], $0x80, s18, s23, $0xb8;
	[tilespmem:$0x1FF80] =	vst v63  }
0x72: {  	_ =	swait.ge [sflag:s26], $0x3400  }
0x73: {  	[sflag:s26] =	ssyncset.done $0x0  }
0x74: {  	[sflag:s26] =	ssyncadd.s32 $0xFFFFCC00  }
0x75: {  	_ =	swait.ge [sflag:s7], $0x68  }
0x76: {  	[sflag:s7] =	ssyncset.done $0x0  }
0x77: {  	[sflag:s7] =	ssyncadd.s32 $0xFFFFFF98  }
0x78: {  	[spmem:s2] =	stream.indirect.scatter.add.f32 [tilespmem:s24], [sflag:$0xB], $0x80, s17, s23, $0xb8;
	[tilespmem:$0x1FF80] =	vst v63  }
0x79: {  	_ =	swait.ge [sflag:s9], $0x3400  }
0x7a: {  	s19 =	rddreg [dreg:$0x6];
	[sflag:s9] =	ssyncset.done $0x0  }
0x7b: {  	[sflag:s9] =	ssyncadd.s32 $0xFFFFCC00;
	s8 =	sadd.s32 $0x0, s19  }
0x7c: {  	[tilespmem:s16], [sflag:$0x4] =	stream.linear.gather [hbm4b:s8+s3], $0x68, $0x38;
	[tilespmem:$0x1FF80] =	vst v63  }
0x7d: {  	s20 =	simm.s32 $0x208  }
0x7e: {  	[tilespmem:s29], [sflag:$0xA] =	stream.indirect.gather [hbm4b:s4+s23], $0x80, s20, s23, $0xb8;
	[tilespmem:$0x1FF80] =	vst v63  }
0x7f: {  	_ =	swait.ge [sflag:s30], $0x3400  }
0x80: {  	[sflag:s30] =	ssyncset.done $0x0  }
0x81: {  	[sflag:s30] =	ssyncadd.s32 $0xFFFFCC00  }
0x82: {  	_ =	swait.ge [sflag:s10], $0x68  }
0x83: {  	[sflag:s10] =	ssyncset.done $0x0  }
0x84: {  	[sflag:s10] =	ssyncadd.s32 $0xFFFFFF98  }
0x85: {  	[spmem:s2] =	stream.indirect.scatter.add.f32 [tilespmem:s25], [sflag:$0xC], $0x80, s14, s23, $0xb8;
	[tilespmem:$0x1FF80] =	vst v63  }
0x86: {  	_ =	swait.ge [sflag:s1], $0x3400  }
0x87: {  	s13 =	rddreg [dreg:$0x5];
	[sflag:s1] =	ssyncset.done $0x0  }
0x88: {  	[sflag:s1] =	ssyncadd.s32 $0xFFFFCC00;
	s8 =	sadd.s32 $0x0, s13  }
0x89: {  	[tilespmem:s17], [sflag:$0x5] =	stream.linear.gather [hbm4b:s8+s3], $0x68, $0x38;
	[tilespmem:$0x1FF80] =	vst v63  }
0x8a: {  	s18 =	simm.s32 $0x270  }
0x8b: {  	[tilespmem:s24], [sflag:$0x8] =	stream.indirect.gather [hbm4b:s4+s23], $0x80, s18, s23, $0xb8;
	[tilespmem:$0x1FF80] =	vst v63  }
0x8c: {  	_ =	swait.ge [sflag:s0], $0x3400  }
0x8d: {  	[sflag:s0] =	ssyncset.done $0x0  }
0x8e: {  	[sflag:s0] =	ssyncadd.s32 $0xFFFFCC00  }
0x8f: {  	_ =	swait.ge [sflag:s11], $0x68  }
0x90: {  	[sflag:s11] =	ssyncset.done $0x0  }
0x91: {  	[sflag:s11] =	ssyncadd.s32 $0xFFFFFF98  }
0x92: {  	[spmem:s2] =	stream.indirect.scatter.add.f32 [tilespmem:s29], [sflag:$0xD], $0x80, s22, s23, $0xb8;
	[tilespmem:$0x1FF80] =	vst v63  }
0x93: {  	_ =	swait.ge [sflag:s6], $0x3400  }
0x94: {  	s19 =	rddreg [dreg:$0x4];
	[sflag:s6] =	ssyncset.done $0x0  }
0x95: {  	[sflag:s6] =	ssyncadd.s32 $0xFFFFCC00;
	s8 =	sadd.s32 $0x0, s19  }
0x96: {  	[tilespmem:s14], [sflag:$0x6] =	stream.linear.gather [hbm4b:s8+s3], $0x68, $0x38;
	[tilespmem:$0x1FF80] =	vst v63  }
0x97: {  	s20 =	simm.s32 $0x2D8  }
0x98: {  	[tilespmem:s25], [sflag:$0x9] =	stream.indirect.gather [hbm4b:s4+s23], $0x80, s20, s23, $0xb8;
	[tilespmem:$0x1FF80] =	vst v63  }
0x99: {  	_ =	swait.ge [sflag:s26], $0x3400  }
0x9a: {  	[sflag:s26] =	ssyncset.done $0x0  }
0x9b: {  	[sflag:s26] =	ssyncadd.s32 $0xFFFFCC00  }
0x9c: {  	_ =	swait.ge [sflag:s28], $0x68  }
0x9d: {  	[sflag:s28] =	ssyncset.done $0x0  }
0x9e: {  	[sflag:s28] =	ssyncadd.s32 $0xFFFFFF98  }
0x9f: {  	[spmem:s2] =	stream.indirect.scatter.add.f32 [tilespmem:s24], [sflag:$0xB], $0x80, s12, s23, $0xb8;
	[tilespmem:$0x1FF80] =	vst v63  }
0xa0: {  	_ =	swait.ge [sflag:s9], $0x3400  }
0xa1: {  	s13 =	rddreg [dreg:$0x3];
	[sflag:s9] =	ssyncset.done $0x0  }
0xa2: {  	[sflag:s9] =	ssyncadd.s32 $0xFFFFCC00;
	s8 =	sadd.s32 $0x0, s13  }
0xa3: {  	[tilespmem:s22], [sflag:$0x7] =	stream.linear.gather [hbm4b:s8+s3], $0x68, $0x38;
	[tilespmem:$0x1FF80] =	vst v63  }
0xa4: {  	s18 =	simm.s32 $0x340  }
0xa5: {  	[tilespmem:s29], [sflag:$0xA] =	stream.indirect.gather [hbm4b:s4+s23], $0x80, s18, s23, $0xb8;
	[tilespmem:$0x1FF80] =	vst v63  }
0xa6: {  	_ =	swait.ge [sflag:s30], $0x3400  }
0xa7: {  	[sflag:s30] =	ssyncset.done $0x0  }
0xa8: {  	[sflag:s30] =	ssyncadd.s32 $0xFFFFCC00  }
0xa9: {  	_ =	swait.ge [sflag:s31], $0x68  }
0xaa: {  	[sflag:s31] =	ssyncset.done $0x0  }
0xab: {  	[sflag:s31] =	ssyncadd.s32 $0xFFFFFF98  }
0xac: {  	[spmem:s2] =	stream.indirect.scatter.add.f32 [tilespmem:s25], [sflag:$0xC], $0x80, s15, s23, $0xb8;
	[tilespmem:$0x1FF80] =	vst v63  }
0xad: {  	_ =	swait.ge [sflag:s1], $0x3400  }
0xae: {  	[sflag:s1] =	ssyncset.done $0x0  }
0xaf: {  	s19 =	simm.s32 $0x3A8;
	[sflag:s1] =	ssyncadd.s32 $0xFFFFCC00  }
0xb0: {  	[tilespmem:s24], [sflag:$0x8] =	stream.indirect.gather [hbm4b:s4+s23], $0x80, s19, s23, $0xb8;
	[tilespmem:$0x1FF80] =	vst v63  }
0xb1: {  	_ =	swait.ge [sflag:s0], $0x3400  }
0xb2: {  	[sflag:s0] =	ssyncset.done $0x0  }
0xb3: {  	[sflag:s0] =	ssyncadd.s32 $0xFFFFCC00  }
0xb4: {  	_ =	swait.ge [sflag:s5], $0x68  }
0xb5: {  	[sflag:s5] =	ssyncset.done $0x0  }
0xb6: {  	[sflag:s5] =	ssyncadd.s32 $0xFFFFFF98  }
0xb7: {  	[spmem:s2] =	stream.indirect.scatter.add.f32 [tilespmem:s29], [sflag:$0xD], $0x80, s16, s23, $0xb8;
	[tilespmem:$0x1FF80] =	vst v63  }
0xb8: {  	_ =	swait.ge [sflag:s6], $0x3400  }
0xb9: {  	[sflag:s6] =	ssyncset.done $0x0  }
0xba: {  	s20 =	simm.s32 $0x410;
	[sflag:s6] =	ssyncadd.s32 $0xFFFFCC00  }
0xbb: {  	[tilespmem:s25], [sflag:$0x9] =	stream.indirect.gather [hbm4b:s4+s23], $0x80, s20, s23, $0xb8;
	[tilespmem:$0x1FF80] =	vst v63  }
0xbc: {  	_ =	swait.ge [sflag:s26], $0x3400  }
0xbd: {  	[sflag:s26] =	ssyncset.done $0x0  }
0xbe: {  	[sflag:s26] =	ssyncadd.s32 $0xFFFFCC00  }
0xbf: {  	_ =	swait.ge [sflag:s7], $0x68  }
0xc0: {  	[sflag:s7] =	ssyncset.done $0x0  }
0xc1: {  	[sflag:s7] =	ssyncadd.s32 $0xFFFFFF98  }
0xc2: {  	[spmem:s2] =	stream.indirect.scatter.add.f32 [tilespmem:s24], [sflag:$0xB], $0x80, s17, s23, $0xb8;
	[tilespmem:$0x1FF80] =	vst v63  }
0xc3: {  	_ =	swait.ge [sflag:s9], $0x3400  }
0xc4: {  	[sflag:s9] =	ssyncset.done $0x0  }
0xc5: {  	s13 =	simm.s32 $0x478;
	[sflag:s9] =	ssyncadd.s32 $0xFFFFCC00  }
0xc6: {  	[tilespmem:s29], [sflag:$0xA] =	stream.indirect.gather [hbm4b:s4+s23], $0x80, s13, s23, $0xb8;
	[tilespmem:$0x1FF80] =	vst v63  }
0xc7: {  	_ =	swait.ge [sflag:s30], $0x3400  }
0xc8: {  	[sflag:s30] =	ssyncset.done $0x0  }
0xc9: {  	[sflag:s30] =	ssyncadd.s32 $0xFFFFCC00  }
0xca: {  	_ =	swait.ge [sflag:s10], $0x68  }
0xcb: {  	[sflag:s10] =	ssyncset.done $0x0  }
0xcc: {  	[sflag:s10] =	ssyncadd.s32 $0xFFFFFF98  }
0xcd: {  	[spmem:s2] =	stream.indirect.scatter.add.f32 [tilespmem:s25], [sflag:$0xC], $0x80, s14, s23, $0xb8;
	[tilespmem:$0x1FF80] =	vst v63  }
0xce: {  	_ =	swait.ge [sflag:s0], $0x3400  }
0xcf: {  	[sflag:s0] =	ssyncset.done $0x0  }
0xd0: {  	[sflag:s0] =	ssyncadd.s32 $0xFFFFCC00  }
0xd1: {  	_ =	swait.ge [sflag:s11], $0x68  }
0xd2: {  	[sflag:s11] =	ssyncset.done $0x0  }
0xd3: {  	[sflag:s11] =	ssyncadd.s32 $0xFFFFFF98  }
0xd4: {  	[spmem:s2] =	stream.indirect.scatter.add.f32 [tilespmem:s29], [sflag:$0xD], $0x80, s22, s23, $0xb8;
	[tilespmem:$0x1FF80] =	vst v63  }
0xd5: {  	_ =	swait.ge [sflag:s1], $0x3400  }
0xd6: {  	[sflag:s1] =	ssyncset.done $0x0  }
0xd7: {  	[sflag:s1] =	ssyncadd.s32 $0xFFFFCC00  }
0xd8: {  	_ =	swait.ge [sflag:s6], $0x3400  }
0xd9: {  	[sflag:s6] =	ssyncset.done $0x0  }
0xda: {  	[sflag:s6] =	ssyncadd.s32 $0xFFFFCC00  }
0xdb: {  	s16 =	simm.s32 $0x138;
	_ =	swait.ge [sflag:s9], $0x3400  }
0xdc: {  	s14 =	simm.s32 $0x9C;
	s15 =	rddreg [dreg:$0xe];
	[sflag:s9] =	ssyncset.done $0x0  }
.LBB2_2:
0xdd: {  	[sflag:s9] =	ssyncadd.s32 $0xFFFFCC00  }
0xde: {  	s12 =	rddreg [dreg:$0xd];
	s15 =	sadd.s32 s14, s15;
	s18 =	simm.s32 $0xC380  }
0xdf: {  	[tilespmem:s18], [sflag:$0x2] =	stream.linear.gather [hbm4b:s15+s3], $0x68, $0x38;
	[tilespmem:$0x1FF80] =	vst v63  }
0xe0: {  	s17 =	rddreg [dreg:$0xc];
	s19 =	simm.s32 $0xC400;
	s12 =	sadd.s32 s14, s12  }
0xe1: {  	[tilespmem:s19], [sflag:$0x3] =	stream.linear.gather [hbm4b:s12+s3], $0x68, $0x38;
	[tilespmem:$0x1FF80] =	vst v63  }
0xe2: {  	s20 =	simm.s32 $0xC480;
	s15 =	rddreg [dreg:$0xb];
	s12 =	sadd.s32 s14, s17  }
0xe3: {  	[tilespmem:s20], [sflag:$0x4] =	stream.linear.gather [hbm4b:s12+s3], $0x68, $0x38;
	[tilespmem:$0x1FF80] =	vst v63  }
0xe4: {  	s17 =	rddreg [dreg:$0xa];
	s12 =	sadd.s32 s14, s15  }
0xe5: {  	[tilespmem:s21], [sflag:$0x5] =	stream.linear.gather [hbm4b:s12+s3], $0x68, $0x38;
	[tilespmem:$0x1FF80] =	vst v63  }
0xe6: {  	s15 =	rddreg [dreg:$0x9];
	s12 =	sadd.s32 s14, s17;
	s17 =	simm.s32 $0xC580  }
0xe7: {  	[tilespmem:s17], [sflag:$0x6] =	stream.linear.gather [hbm4b:s12+s3], $0x68, $0x38;
	[tilespmem:$0x1FF80] =	vst v63  }
0xe8: {  	s13 =	sadd.s32 $0x4E0, s13;
	s15 =	sadd.s32 s14, s15  }
0xe9: {  	[tilespmem:s22], [sflag:$0x7] =	stream.linear.gather [hbm4b:s15+s3], $0x68, $0x38;
	[tilespmem:$0x1FF80] =	vst v63  }
0xea: {  	s15 =	sadd.s32 $0xFFFFFB88, s13  }
0xeb: {  	[tilespmem:s24], [sflag:$0x8] =	stream.indirect.gather [hbm4b:s4+s23], $0x80, s15, s23, $0xb8;
	[tilespmem:$0x1FF80] =	vst v63  }
0xec: {  	s15 =	sadd.s32 $0xFFFFFBF0, s13  }
0xed: {  	[tilespmem:s25], [sflag:$0x9] =	stream.indirect.gather [hbm4b:s4+s23], $0x80, s15, s23, $0xb8;
	[tilespmem:$0x1FF80] =	vst v63  }
0xee: {  	_ =	swait.ge [sflag:s26], $0x3400  }
0xef: {  	[sflag:s26] =	ssyncset.done $0x0  }
0xf0: {  	[sflag:s26] =	ssyncadd.s32 $0xFFFFCC00  }
0xf1: {  	_ =	swait.ge [sflag:s28], $0x68  }
0xf2: {  	[sflag:s28] =	ssyncset.done $0x0  }
0xf3: {  	[sflag:s28] =	ssyncadd.s32 $0xFFFFFF98  }
0xf4: {  	[spmem:s2] =	stream.indirect.scatter.add.f32 [tilespmem:s24], [sflag:$0xB], $0x80, s18, s23, $0xb8;
	[tilespmem:$0x1FF80] =	vst v63  }
0xf5: {  	s15 =	sadd.s32 $0xFFFFFC58, s13  }
0xf6: {  	[tilespmem:s29], [sflag:$0xA] =	stream.indirect.gather [hbm4b:s4+s23], $0x80, s15, s23, $0xb8;
	[tilespmem:$0x1FF80] =	vst v63  }
0xf7: {  	_ =	swait.ge [sflag:s30], $0x3400  }
0xf8: {  	[sflag:s30] =	ssyncset.done $0x0  }
0xf9: {  	[sflag:s30] =	ssyncadd.s32 $0xFFFFCC00  }
0xfa: {  	_ =	swait.ge [sflag:s31], $0x68  }
0xfb: {  	[sflag:s31] =	ssyncset.done $0x0  }
0xfc: {  	[sflag:s31] =	ssyncadd.s32 $0xFFFFFF98  }
0xfd: {  	[spmem:s2] =	stream.indirect.scatter.add.f32 [tilespmem:s25], [sflag:$0xC], $0x80, s19, s23, $0xb8;
	[tilespmem:$0x1FF80] =	vst v63  }
0xfe: {  	_ =	swait.ge [sflag:s1], $0x3400  }
0xff: {  	s15 =	rddreg [dreg:$0x8];
	[sflag:s1] =	ssyncset.done $0x0  }
0x100: {  	[sflag:s1] =	ssyncadd.s32 $0xFFFFCC00;
	s12 =	sadd.s32 s14, s15  }
0x101: {  	[tilespmem:s18], [sflag:$0x2] =	stream.linear.gather [hbm4b:s12+s3], $0x68, $0x38;
	[tilespmem:$0x1FF80] =	vst v63  }
0x102: {  	s15 =	sadd.s32 $0xFFFFFCC0, s13  }
0x103: {  	[tilespmem:s24], [sflag:$0x8] =	stream.indirect.gather [hbm4b:s4+s23], $0x80, s15, s23, $0xb8;
	[tilespmem:$0x1FF80] =	vst v63  }
0x104: {  	_ =	swait.ge [sflag:s0], $0x3400  }
0x105: {  	[sflag:s0] =	ssyncset.done $0x0  }
0x106: {  	[sflag:s0] =	ssyncadd.s32 $0xFFFFCC00  }
0x107: {  	_ =	swait.ge [sflag:s5], $0x68  }
0x108: {  	[sflag:s5] =	ssyncset.done $0x0  }
0x109: {  	[sflag:s5] =	ssyncadd.s32 $0xFFFFFF98  }
0x10a: {  	[spmem:s2] =	stream.indirect.scatter.add.f32 [tilespmem:s29], [sflag:$0xD], $0x80, s20, s23, $0xb8;
	[tilespmem:$0x1FF80] =	vst v63  }
0x10b: {  	_ =	swait.ge [sflag:s6], $0x3400  }
0x10c: {  	s15 =	rddreg [dreg:$0x7];
	[sflag:s6] =	ssyncset.done $0x0  }
0x10d: {  	[sflag:s6] =	ssyncadd.s32 $0xFFFFCC00;
	s12 =	sadd.s32 s14, s15  }
0x10e: {  	[tilespmem:s19], [sflag:$0x3] =	stream.linear.gather [hbm4b:s12+s3], $0x68, $0x38;
	[tilespmem:$0x1FF80] =	vst v63  }
0x10f: {  	s15 =	sadd.s32 $0xFFFFFD28, s13  }
0x110: {  	[tilespmem:s25], [sflag:$0x9] =	stream.indirect.gather [hbm4b:s4+s23], $0x80, s15, s23, $0xb8;
	[tilespmem:$0x1FF80] =	vst v63  }
0x111: {  	_ =	swait.ge [sflag:s26], $0x3400  }
0x112: {  	[sflag:s26] =	ssyncset.done $0x0  }
0x113: {  	[sflag:s26] =	ssyncadd.s32 $0xFFFFCC00  }
0x114: {  	_ =	swait.ge [sflag:s7], $0x68  }
0x115: {  	[sflag:s7] =	ssyncset.done $0x0  }
0x116: {  	[sflag:s7] =	ssyncadd.s32 $0xFFFFFF98  }
0x117: {  	[spmem:s2] =	stream.indirect.scatter.add.f32 [tilespmem:s24], [sflag:$0xB], $0x80, s21, s23, $0xb8;
	[tilespmem:$0x1FF80] =	vst v63  }
0x118: {  	_ =	swait.ge [sflag:s9], $0x3400  }
0x119: {  	s15 =	rddreg [dreg:$0x6];
	[sflag:s9] =	ssyncset.done $0x0  }
0x11a: {  	[sflag:s9] =	ssyncadd.s32 $0xFFFFCC00;
	s12 =	sadd.s32 s14, s15  }
0x11b: {  	[tilespmem:s20], [sflag:$0x4] =	stream.linear.gather [hbm4b:s12+s3], $0x68, $0x38;
	[tilespmem:$0x1FF80] =	vst v63  }
0x11c: {  	s15 =	sadd.s32 $0xFFFFFD90, s13  }
0x11d: {  	[tilespmem:s29], [sflag:$0xA] =	stream.indirect.gather [hbm4b:s4+s23], $0x80, s15, s23, $0xb8;
	[tilespmem:$0x1FF80] =	vst v63  }
0x11e: {  	_ =	swait.ge [sflag:s30], $0x3400  }
0x11f: {  	[sflag:s30] =	ssyncset.done $0x0  }
0x120: {  	[sflag:s30] =	ssyncadd.s32 $0xFFFFCC00  }
0x121: {  	_ =	swait.ge [sflag:s10], $0x68  }
0x122: {  	[sflag:s10] =	ssyncset.done $0x0  }
0x123: {  	[sflag:s10] =	ssyncadd.s32 $0xFFFFFF98  }
0x124: {  	[spmem:s2] =	stream.indirect.scatter.add.f32 [tilespmem:s25], [sflag:$0xC], $0x80, s17, s23, $0xb8;
	[tilespmem:$0x1FF80] =	vst v63  }
0x125: {  	_ =	swait.ge [sflag:s1], $0x3400  }
0x126: {  	s15 =	rddreg [dreg:$0x5];
	[sflag:s1] =	ssyncset.done $0x0  }
0x127: {  	[sflag:s1] =	ssyncadd.s32 $0xFFFFCC00;
	s12 =	sadd.s32 s14, s15  }
0x128: {  	[tilespmem:s21], [sflag:$0x5] =	stream.linear.gather [hbm4b:s12+s3], $0x68, $0x38;
	[tilespmem:$0x1FF80] =	vst v63  }
0x129: {  	s15 =	sadd.s32 $0xFFFFFDF8, s13  }
0x12a: {  	[tilespmem:s24], [sflag:$0x8] =	stream.indirect.gather [hbm4b:s4+s23], $0x80, s15, s23, $0xb8;
	[tilespmem:$0x1FF80] =	vst v63  }
0x12b: {  	_ =	swait.ge [sflag:s0], $0x3400  }
0x12c: {  	[sflag:s0] =	ssyncset.done $0x0  }
0x12d: {  	[sflag:s0] =	ssyncadd.s32 $0xFFFFCC00  }
0x12e: {  	_ =	swait.ge [sflag:s11], $0x68  }
0x12f: {  	[sflag:s11] =	ssyncset.done $0x0  }
0x130: {  	[sflag:s11] =	ssyncadd.s32 $0xFFFFFF98  }
0x131: {  	[spmem:s2] =	stream.indirect.scatter.add.f32 [tilespmem:s29], [sflag:$0xD], $0x80, s22, s23, $0xb8;
	[tilespmem:$0x1FF80] =	vst v63  }
0x132: {  	_ =	swait.ge [sflag:s6], $0x3400  }
0x133: {  	s15 =	rddreg [dreg:$0x4];
	[sflag:s6] =	ssyncset.done $0x0  }
0x134: {  	[sflag:s6] =	ssyncadd.s32 $0xFFFFCC00;
	s12 =	sadd.s32 s14, s15  }
0x135: {  	[tilespmem:s17], [sflag:$0x6] =	stream.linear.gather [hbm4b:s12+s3], $0x68, $0x38;
	[tilespmem:$0x1FF80] =	vst v63  }
0x136: {  	s15 =	sadd.s32 $0xFFFFFE60, s13  }
0x137: {  	[tilespmem:s25], [sflag:$0x9] =	stream.indirect.gather [hbm4b:s4+s23], $0x80, s15, s23, $0xb8;
	[tilespmem:$0x1FF80] =	vst v63  }
0x138: {  	_ =	swait.ge [sflag:s26], $0x3400  }
0x139: {  	[sflag:s26] =	ssyncset.done $0x0  }
0x13a: {  	[sflag:s26] =	ssyncadd.s32 $0xFFFFCC00  }
0x13b: {  	_ =	swait.ge [sflag:s28], $0x68  }
0x13c: {  	[sflag:s28] =	ssyncset.done $0x0  }
0x13d: {  	[sflag:s28] =	ssyncadd.s32 $0xFFFFFF98  }
0x13e: {  	[spmem:s2] =	stream.indirect.scatter.add.f32 [tilespmem:s24], [sflag:$0xB], $0x80, s18, s23, $0xb8;
	[tilespmem:$0x1FF80] =	vst v63  }
0x13f: {  	_ =	swait.ge [sflag:s9], $0x3400  }
0x140: {  	s15 =	rddreg [dreg:$0x3];
	[sflag:s9] =	ssyncset.done $0x0  }
0x141: {  	[sflag:s9] =	ssyncadd.s32 $0xFFFFCC00;
	s12 =	sadd.s32 s14, s15  }
0x142: {  	[tilespmem:s22], [sflag:$0x7] =	stream.linear.gather [hbm4b:s12+s3], $0x68, $0x38;
	[tilespmem:$0x1FF80] =	vst v63  }
0x143: {  	s18 =	sadd.s32 $0xFFFFFEC8, s13  }
0x144: {  	[tilespmem:s29], [sflag:$0xA] =	stream.indirect.gather [hbm4b:s4+s23], $0x80, s18, s23, $0xb8;
	[tilespmem:$0x1FF80] =	vst v63  }
0x145: {  	_ =	swait.ge [sflag:s30], $0x3400  }
0x146: {  	[sflag:s30] =	ssyncset.done $0x0  }
0x147: {  	[sflag:s30] =	ssyncadd.s32 $0xFFFFCC00  }
0x148: {  	_ =	swait.ge [sflag:s31], $0x68  }
0x149: {  	[sflag:s31] =	ssyncset.done $0x0  }
0x14a: {  	[sflag:s31] =	ssyncadd.s32 $0xFFFFFF98  }
0x14b: {  	[spmem:s2] =	stream.indirect.scatter.add.f32 [tilespmem:s25], [sflag:$0xC], $0x80, s19, s23, $0xb8;
	[tilespmem:$0x1FF80] =	vst v63  }
0x14c: {  	_ =	swait.ge [sflag:s1], $0x3400  }
0x14d: {  	[sflag:s1] =	ssyncset.done $0x0  }
0x14e: {  	s19 =	sadd.s32 $0xFFFFFF30, s13;
	[sflag:s1] =	ssyncadd.s32 $0xFFFFCC00  }
0x14f: {  	[tilespmem:s24], [sflag:$0x8] =	stream.indirect.gather [hbm4b:s4+s23], $0x80, s19, s23, $0xb8;
	[tilespmem:$0x1FF80] =	vst v63  }
0x150: {  	_ =	swait.ge [sflag:s0], $0x3400  }
0x151: {  	[sflag:s0] =	ssyncset.done $0x0  }
0x152: {  	[sflag:s0] =	ssyncadd.s32 $0xFFFFCC00  }
0x153: {  	_ =	swait.ge [sflag:s5], $0x68  }
0x154: {  	[sflag:s5] =	ssyncset.done $0x0  }
0x155: {  	[sflag:s5] =	ssyncadd.s32 $0xFFFFFF98  }
0x156: {  	[spmem:s2] =	stream.indirect.scatter.add.f32 [tilespmem:s29], [sflag:$0xD], $0x80, s20, s23, $0xb8;
	[tilespmem:$0x1FF80] =	vst v63  }
0x157: {  	_ =	swait.ge [sflag:s6], $0x3400  }
0x158: {  	[sflag:s6] =	ssyncset.done $0x0  }
0x159: {  	s20 =	sadd.s32 $0xFFFFFF98, s13;
	[sflag:s6] =	ssyncadd.s32 $0xFFFFCC00  }
0x15a: {  	[tilespmem:s25], [sflag:$0x9] =	stream.indirect.gather [hbm4b:s4+s23], $0x80, s20, s23, $0xb8;
	[tilespmem:$0x1FF80] =	vst v63  }
0x15b: {  	_ =	swait.ge [sflag:s26], $0x3400  }
0x15c: {  	[sflag:s26] =	ssyncset.done $0x0  }
0x15d: {  	[sflag:s26] =	ssyncadd.s32 $0xFFFFCC00  }
0x15e: {  	_ =	swait.ge [sflag:s7], $0x68  }
0x15f: {  	[sflag:s7] =	ssyncset.done $0x0  }
0x160: {  	[sflag:s7] =	ssyncadd.s32 $0xFFFFFF98  }
0x161: {  	[spmem:s2] =	stream.indirect.scatter.add.f32 [tilespmem:s24], [sflag:$0xB], $0x80, s21, s23, $0xb8;
	[tilespmem:$0x1FF80] =	vst v63  }
0x162: {  	_ =	swait.ge [sflag:s9], $0x3400  }
0x163: {  	[sflag:s9] =	ssyncset.done $0x0  }
0x164: {  	[sflag:s9] =	ssyncadd.s32 $0xFFFFCC00  }
0x165: {  	[tilespmem:s29], [sflag:$0xA] =	stream.indirect.gather [hbm4b:s4+s23], $0x80, s13, s23, $0xb8;
	[tilespmem:$0x1FF80] =	vst v63  }
0x166: {  	_ =	swait.ge [sflag:s30], $0x3400  }
0x167: {  	[sflag:s30] =	ssyncset.done $0x0  }
0x168: {  	[sflag:s30] =	ssyncadd.s32 $0xFFFFCC00  }
0x169: {  	_ =	swait.ge [sflag:s10], $0x68  }
0x16a: {  	[sflag:s10] =	ssyncset.done $0x0  }
0x16b: {  	[sflag:s10] =	ssyncadd.s32 $0xFFFFFF98  }
0x16c: {  	[spmem:s2] =	stream.indirect.scatter.add.f32 [tilespmem:s25], [sflag:$0xC], $0x80, s17, s23, $0xb8;
	[tilespmem:$0x1FF80] =	vst v63  }
0x16d: {  	_ =	swait.ge [sflag:s0], $0x3400  }
0x16e: {  	[sflag:s0] =	ssyncset.done $0x0  }
0x16f: {  	[sflag:s0] =	ssyncadd.s32 $0xFFFFCC00  }
0x170: {  	_ =	swait.ge [sflag:s11], $0x68  }
0x171: {  	[sflag:s11] =	ssyncset.done $0x0  }
0x172: {  	[sflag:s11] =	ssyncadd.s32 $0xFFFFFF98  }
0x173: {  	[spmem:s2] =	stream.indirect.scatter.add.f32 [tilespmem:s29], [sflag:$0xD], $0x80, s22, s23, $0xb8;
	[tilespmem:$0x1FF80] =	vst v63  }
0x174: {  	_ =	swait.ge [sflag:s1], $0x3400  }
0x175: {  	[sflag:s1] =	ssyncset.done $0x0  }
0x176: {  	p1 =	sne.s32 s16, $0x444;
	[sflag:s1] =	ssyncadd.s32 $0xFFFFCC00  }
.Ltmp0:
0x177: {  	_ =	swait.ge [sflag:s6], $0x3400;
	(pc) =	sbr.rel @p1 .LBB2_2-.Ltmp0, $4  }
0x178: {  	[sflag:s6] =	ssyncset.done $0x0  }
0x179: {  	[sflag:s6] =	ssyncadd.s32 $0xFFFFCC00  }
0x17a: {  	s8 =	smov.u32 s16;
	s16 =	sadd.s32 $0x9C, s16;
	_ =	swait.ge [sflag:s9], $0x3400  }
0x17b: {  	s14 =	smov.u32 s8;
	s15 =	rddreg [dreg:$0xe];
	[sflag:s9] =	ssyncset.done $0x0  }
0x17c: {  	s8 =	rddreg [dreg:$0xd]  }
0x17d: {  	[sflag:s9] =	ssyncadd.s32 $0xFFFFCC00;
	s12 =	sadd.s32 s14, s15;
	s16 =	simm.s32 $0xC380  }
0x17e: {  	[tilespmem:s16], [sflag:$0x2] =	stream.linear.gather [hbm4b:s12+s3], $0x68, $0x38;
	[tilespmem:$0x1FF80] =	vst v63  }
0x17f: {  	s18 =	rddreg [dreg:$0xc];
	s17 =	simm.s32 $0xC400;
	s8 =	sadd.s32 s14, s8  }
0x180: {  	[tilespmem:s17], [sflag:$0x3] =	stream.linear.gather [hbm4b:s8+s3], $0x68, $0x38;
	[tilespmem:$0x1FF80] =	vst v63  }
0x181: {  	s19 =	rddreg [dreg:$0xb];
	s12 =	sadd.s32 s14, s18;
	s18 =	simm.s32 $0xC480  }
0x182: {  	[tilespmem:s18], [sflag:$0x4] =	stream.linear.gather [hbm4b:s12+s3], $0x68, $0x38;
	[tilespmem:$0x1FF80] =	vst v63  }
0x183: {  	s20 =	rddreg [dreg:$0xa];
	s8 =	sadd.s32 s14, s19;
	s19 =	simm.s32 $0xC500  }
0x184: {  	[tilespmem:s19], [sflag:$0x5] =	stream.linear.gather [hbm4b:s8+s3], $0x68, $0x38;
	[tilespmem:$0x1FF80] =	vst v63  }
0x185: {  	s15 =	rddreg [dreg:$0x9];
	s12 =	sadd.s32 s14, s20;
	s20 =	simm.s32 $0xC580  }
0x186: {  	[tilespmem:s20], [sflag:$0x6] =	stream.linear.gather [hbm4b:s12+s3], $0x68, $0x38;
	[tilespmem:$0x1FF80] =	vst v63  }
0x187: {  	s15 =	sadd.s32 s14, s15;
	s8 =	sadd.s32 $0x4E0, s13  }
0x188: {  	[tilespmem:s22], [sflag:$0x7] =	stream.linear.gather [hbm4b:s15+s3], $0x68, $0x38;
	[tilespmem:$0x1FF80] =	vst v63  }
0x189: {  	s13 =	sadd.s32 $0xFFFFFB88, s8  }
0x18a: {  	[tilespmem:s24], [sflag:$0x8] =	stream.indirect.gather [hbm4b:s4+s23], $0x80, s13, s23, $0xb8;
	[tilespmem:$0x1FF80] =	vst v63  }
0x18b: {  	s15 =	sadd.s32 $0xFFFFFBF0, s8  }
0x18c: {  	[tilespmem:s25], [sflag:$0x9] =	stream.indirect.gather [hbm4b:s4+s23], $0x80, s15, s23, $0xb8;
	[tilespmem:$0x1FF80] =	vst v63  }
0x18d: {  	_ =	swait.ge [sflag:s26], $0x3400  }
0x18e: {  	[sflag:s26] =	ssyncset.done $0x0  }
0x18f: {  	[sflag:s26] =	ssyncadd.s32 $0xFFFFCC00  }
0x190: {  	_ =	swait.ge [sflag:s28], $0x68  }
0x191: {  	[sflag:s28] =	ssyncset.done $0x0  }
0x192: {  	[sflag:s28] =	ssyncadd.s32 $0xFFFFFF98  }
0x193: {  	[spmem:s2] =	stream.indirect.scatter.add.f32 [tilespmem:s24], [sflag:$0xB], $0x80, s16, s23, $0xb8;
	[tilespmem:$0x1FF80] =	vst v63  }
0x194: {  	s13 =	sadd.s32 $0xFFFFFC58, s8  }
0x195: {  	[tilespmem:s29], [sflag:$0xA] =	stream.indirect.gather [hbm4b:s4+s23], $0x80, s13, s23, $0xb8;
	[tilespmem:$0x1FF80] =	vst v63  }
0x196: {  	_ =	swait.ge [sflag:s30], $0x3400  }
0x197: {  	[sflag:s30] =	ssyncset.done $0x0  }
0x198: {  	[sflag:s30] =	ssyncadd.s32 $0xFFFFCC00  }
0x199: {  	_ =	swait.ge [sflag:s31], $0x68  }
0x19a: {  	[sflag:s31] =	ssyncset.done $0x0  }
0x19b: {  	[sflag:s31] =	ssyncadd.s32 $0xFFFFFF98  }
0x19c: {  	[spmem:s2] =	stream.indirect.scatter.add.f32 [tilespmem:s25], [sflag:$0xC], $0x80, s17, s23, $0xb8;
	[tilespmem:$0x1FF80] =	vst v63  }
0x19d: {  	_ =	swait.ge [sflag:s1], $0x3400  }
0x19e: {  	s15 =	rddreg [dreg:$0x8];
	[sflag:s1] =	ssyncset.done $0x0  }
0x19f: {  	[sflag:s1] =	ssyncadd.s32 $0xFFFFCC00;
	s12 =	sadd.s32 s14, s15  }
0x1a0: {  	[tilespmem:s16], [sflag:$0x2] =	stream.linear.gather [hbm4b:s12+s3], $0x68, $0x38;
	[tilespmem:$0x1FF80] =	vst v63  }
0x1a1: {  	s13 =	sadd.s32 $0xFFFFFCC0, s8  }
0x1a2: {  	[tilespmem:s24], [sflag:$0x8] =	stream.indirect.gather [hbm4b:s4+s23], $0x80, s13, s23, $0xb8;
	[tilespmem:$0x1FF80] =	vst v63  }
0x1a3: {  	_ =	swait.ge [sflag:s0], $0x3400  }
0x1a4: {  	[sflag:s0] =	ssyncset.done $0x0  }
0x1a5: {  	[sflag:s0] =	ssyncadd.s32 $0xFFFFCC00  }
0x1a6: {  	_ =	swait.ge [sflag:s5], $0x68  }
0x1a7: {  	[sflag:s5] =	ssyncset.done $0x0  }
0x1a8: {  	[sflag:s5] =	ssyncadd.s32 $0xFFFFFF98  }
0x1a9: {  	[spmem:s2] =	stream.indirect.scatter.add.f32 [tilespmem:s29], [sflag:$0xD], $0x80, s18, s23, $0xb8;
	[tilespmem:$0x1FF80] =	vst v63  }
0x1aa: {  	_ =	swait.ge [sflag:s6], $0x3400  }
0x1ab: {  	s15 =	rddreg [dreg:$0x7];
	[sflag:s6] =	ssyncset.done $0x0  }
0x1ac: {  	[sflag:s6] =	ssyncadd.s32 $0xFFFFCC00;
	s12 =	sadd.s32 s14, s15  }
0x1ad: {  	[tilespmem:s17], [sflag:$0x3] =	stream.linear.gather [hbm4b:s12+s3], $0x68, $0x38;
	[tilespmem:$0x1FF80] =	vst v63  }
0x1ae: {  	s13 =	sadd.s32 $0xFFFFFD28, s8  }
0x1af: {  	[tilespmem:s25], [sflag:$0x9] =	stream.indirect.gather [hbm4b:s4+s23], $0x80, s13, s23, $0xb8;
	[tilespmem:$0x1FF80] =	vst v63  }
0x1b0: {  	_ =	swait.ge [sflag:s26], $0x3400  }
0x1b1: {  	[sflag:s26] =	ssyncset.done $0x0  }
0x1b2: {  	[sflag:s26] =	ssyncadd.s32 $0xFFFFCC00  }
0x1b3: {  	_ =	swait.ge [sflag:s7], $0x68  }
0x1b4: {  	[sflag:s7] =	ssyncset.done $0x0  }
0x1b5: {  	[sflag:s7] =	ssyncadd.s32 $0xFFFFFF98  }
0x1b6: {  	[spmem:s2] =	stream.indirect.scatter.add.f32 [tilespmem:s24], [sflag:$0xB], $0x80, s19, s23, $0xb8;
	[tilespmem:$0x1FF80] =	vst v63  }
0x1b7: {  	_ =	swait.ge [sflag:s9], $0x3400  }
0x1b8: {  	s15 =	rddreg [dreg:$0x6];
	[sflag:s9] =	ssyncset.done $0x0  }
0x1b9: {  	[sflag:s9] =	ssyncadd.s32 $0xFFFFCC00;
	s12 =	sadd.s32 s14, s15  }
0x1ba: {  	[tilespmem:s18], [sflag:$0x4] =	stream.linear.gather [hbm4b:s12+s3], $0x68, $0x38;
	[tilespmem:$0x1FF80] =	vst v63  }
0x1bb: {  	s13 =	sadd.s32 $0xFFFFFD90, s8  }
0x1bc: {  	[tilespmem:s29], [sflag:$0xA] =	stream.indirect.gather [hbm4b:s4+s23], $0x80, s13, s23, $0xb8;
	[tilespmem:$0x1FF80] =	vst v63  }
0x1bd: {  	_ =	swait.ge [sflag:s30], $0x3400  }
0x1be: {  	[sflag:s30] =	ssyncset.done $0x0  }
0x1bf: {  	[sflag:s30] =	ssyncadd.s32 $0xFFFFCC00  }
0x1c0: {  	_ =	swait.ge [sflag:s10], $0x68  }
0x1c1: {  	[sflag:s10] =	ssyncset.done $0x0  }
0x1c2: {  	[sflag:s10] =	ssyncadd.s32 $0xFFFFFF98  }
0x1c3: {  	[spmem:s2] =	stream.indirect.scatter.add.f32 [tilespmem:s25], [sflag:$0xC], $0x80, s20, s23, $0xb8;
	[tilespmem:$0x1FF80] =	vst v63  }
0x1c4: {  	_ =	swait.ge [sflag:s1], $0x3400  }
0x1c5: {  	s15 =	rddreg [dreg:$0x5];
	[sflag:s1] =	ssyncset.done $0x0  }
0x1c6: {  	[sflag:s1] =	ssyncadd.s32 $0xFFFFCC00;
	s12 =	sadd.s32 s14, s15  }
0x1c7: {  	[tilespmem:s19], [sflag:$0x5] =	stream.linear.gather [hbm4b:s12+s3], $0x68, $0x38;
	[tilespmem:$0x1FF80] =	vst v63  }
0x1c8: {  	s13 =	sadd.s32 $0xFFFFFDF8, s8  }
0x1c9: {  	[tilespmem:s24], [sflag:$0x8] =	stream.indirect.gather [hbm4b:s4+s23], $0x80, s13, s23, $0xb8;
	[tilespmem:$0x1FF80] =	vst v63  }
0x1ca: {  	_ =	swait.ge [sflag:s0], $0x3400  }
0x1cb: {  	[sflag:s0] =	ssyncset.done $0x0  }
0x1cc: {  	[sflag:s0] =	ssyncadd.s32 $0xFFFFCC00  }
0x1cd: {  	_ =	swait.ge [sflag:s11], $0x68  }
0x1ce: {  	[sflag:s11] =	ssyncset.done $0x0  }
0x1cf: {  	[sflag:s11] =	ssyncadd.s32 $0xFFFFFF98  }
0x1d0: {  	[spmem:s2] =	stream.indirect.scatter.add.f32 [tilespmem:s29], [sflag:$0xD], $0x80, s22, s23, $0xb8;
	[tilespmem:$0x1FF80] =	vst v63  }
0x1d1: {  	_ =	swait.ge [sflag:s6], $0x3400  }
0x1d2: {  	s15 =	rddreg [dreg:$0x4];
	[sflag:s6] =	ssyncset.done $0x0  }
0x1d3: {  	[sflag:s6] =	ssyncadd.s32 $0xFFFFCC00;
	s12 =	sadd.s32 s14, s15  }
0x1d4: {  	[tilespmem:s20], [sflag:$0x6] =	stream.linear.gather [hbm4b:s12+s3], $0x68, $0x38;
	[tilespmem:$0x1FF80] =	vst v63  }
0x1d5: {  	s13 =	sadd.s32 $0xFFFFFE60, s8  }
0x1d6: {  	[tilespmem:s25], [sflag:$0x9] =	stream.indirect.gather [hbm4b:s4+s23], $0x80, s13, s23, $0xb8;
	[tilespmem:$0x1FF80] =	vst v63  }
0x1d7: {  	_ =	swait.ge [sflag:s26], $0x3400  }
0x1d8: {  	[sflag:s26] =	ssyncset.done $0x0  }
0x1d9: {  	[sflag:s26] =	ssyncadd.s32 $0xFFFFCC00  }
0x1da: {  	_ =	swait.ge [sflag:s28], $0x68  }
0x1db: {  	[sflag:s28] =	ssyncset.done $0x0  }
0x1dc: {  	[sflag:s28] =	ssyncadd.s32 $0xFFFFFF98  }
0x1dd: {  	[spmem:s2] =	stream.indirect.scatter.add.f32 [tilespmem:s24], [sflag:$0xB], $0x80, s16, s23, $0xb8;
	[tilespmem:$0x1FF80] =	vst v63  }
0x1de: {  	_ =	swait.ge [sflag:s9], $0x3400  }
0x1df: {  	s15 =	rddreg [dreg:$0x3];
	[sflag:s9] =	ssyncset.done $0x0  }
0x1e0: {  	s12 =	sadd.s32 s14, s15;
	[sflag:s9] =	ssyncadd.s32 $0xFFFFCC00  }
0x1e1: {  	[tilespmem:s22], [sflag:$0x7] =	stream.linear.gather [hbm4b:s12+s3], $0x68, $0x38;
	[tilespmem:$0x1FF80] =	vst v63  }
0x1e2: {  	s16 =	sadd.s32 $0xFFFFFEC8, s8  }
0x1e3: {  	[tilespmem:s29], [sflag:$0xA] =	stream.indirect.gather [hbm4b:s4+s23], $0x80, s16, s23, $0xb8;
	[tilespmem:$0x1FF80] =	vst v63  }
0x1e4: {  	_ =	swait.ge [sflag:s30], $0x3400  }
0x1e5: {  	[sflag:s30] =	ssyncset.done $0x0  }
0x1e6: {  	[sflag:s30] =	ssyncadd.s32 $0xFFFFCC00  }
0x1e7: {  	_ =	swait.ge [sflag:s31], $0x68  }
0x1e8: {  	[sflag:s31] =	ssyncset.done $0x0  }
0x1e9: {  	[sflag:s31] =	ssyncadd.s32 $0xFFFFFF98  }
0x1ea: {  	[spmem:s2] =	stream.indirect.scatter.add.f32 [tilespmem:s25], [sflag:$0xC], $0x80, s17, s23, $0xb8;
	[tilespmem:$0x1FF80] =	vst v63  }
0x1eb: {  	_ =	swait.ge [sflag:s1], $0x3400  }
0x1ec: {  	[sflag:s1] =	ssyncset.done $0x0  }
0x1ed: {  	s17 =	sadd.s32 $0xFFFFFF30, s8;
	[sflag:s1] =	ssyncadd.s32 $0xFFFFCC00  }
0x1ee: {  	[tilespmem:s24], [sflag:$0x8] =	stream.indirect.gather [hbm4b:s4+s23], $0x80, s17, s23, $0xb8;
	[tilespmem:$0x1FF80] =	vst v63  }
0x1ef: {  	_ =	swait.ge [sflag:s0], $0x3400  }
0x1f0: {  	[sflag:s0] =	ssyncset.done $0x0  }
0x1f1: {  	[sflag:s0] =	ssyncadd.s32 $0xFFFFCC00  }
0x1f2: {  	_ =	swait.ge [sflag:s5], $0x68  }
0x1f3: {  	[sflag:s5] =	ssyncset.done $0x0  }
0x1f4: {  	[sflag:s5] =	ssyncadd.s32 $0xFFFFFF98  }
0x1f5: {  	[spmem:s2] =	stream.indirect.scatter.add.f32 [tilespmem:s29], [sflag:$0xD], $0x80, s18, s23, $0xb8;
	[tilespmem:$0x1FF80] =	vst v63  }
0x1f6: {  	_ =	swait.ge [sflag:s6], $0x3400  }
0x1f7: {  	[sflag:s6] =	ssyncset.done $0x0  }
0x1f8: {  	s18 =	sadd.s32 $0xFFFFFF98, s8;
	[sflag:s6] =	ssyncadd.s32 $0xFFFFCC00  }
0x1f9: {  	[tilespmem:s25], [sflag:$0x9] =	stream.indirect.gather [hbm4b:s4+s23], $0x80, s18, s23, $0xb8;
	[tilespmem:$0x1FF80] =	vst v63  }
0x1fa: {  	_ =	swait.ge [sflag:s26], $0x3400  }
0x1fb: {  	[sflag:s26] =	ssyncset.done $0x0  }
0x1fc: {  	[sflag:s26] =	ssyncadd.s32 $0xFFFFCC00  }
0x1fd: {  	_ =	swait.ge [sflag:s7], $0x68  }
0x1fe: {  	[sflag:s7] =	ssyncset.done $0x0  }
0x1ff: {  	[sflag:s7] =	ssyncadd.s32 $0xFFFFFF98  }
0x200: {  	[spmem:s2] =	stream.indirect.scatter.add.f32 [tilespmem:s24], [sflag:$0xB], $0x80, s19, s23, $0xb8;
	[tilespmem:$0x1FF80] =	vst v63  }
0x201: {  	_ =	swait.ge [sflag:s9], $0x3400  }
0x202: {  	[sflag:s9] =	ssyncset.done $0x0  }
0x203: {  	[sflag:s9] =	ssyncadd.s32 $0xFFFFCC00  }
0x204: {  	[tilespmem:s29], [sflag:$0xA] =	stream.indirect.gather [hbm4b:s4+s23], $0x80, s8, s23, $0xb8;
	[tilespmem:$0x1FF80] =	vst v63  }
0x205: {  	_ =	swait.ge [sflag:s30], $0x3400  }
0x206: {  	[sflag:s30] =	ssyncset.done $0x0  }
0x207: {  	[sflag:s30] =	ssyncadd.s32 $0xFFFFCC00  }
0x208: {  	_ =	swait.ge [sflag:s10], $0x68  }
0x209: {  	[sflag:s10] =	ssyncset.done $0x0  }
0x20a: {  	[sflag:s10] =	ssyncadd.s32 $0xFFFFFF98  }
0x20b: {  	[spmem:s2] =	stream.indirect.scatter.add.f32 [tilespmem:s25], [sflag:$0xC], $0x80, s20, s23, $0xb8;
	[tilespmem:$0x1FF80] =	vst v63  }
0x20c: {  	_ =	swait.ge [sflag:s0], $0x3400  }
0x20d: {  	[sflag:s0] =	ssyncset.done $0x0  }
0x20e: {  	[sflag:s0] =	ssyncadd.s32 $0xFFFFCC00  }
0x20f: {  	_ =	swait.ge [sflag:s11], $0x68  }
0x210: {  	[sflag:s11] =	ssyncset.done $0x0  }
0x211: {  	[sflag:s11] =	ssyncadd.s32 $0xFFFFFF98  }
0x212: {  	[spmem:s2] =	stream.indirect.scatter.add.f32 [tilespmem:s29], [sflag:$0xD], $0x80, s22, s23, $0xb8;
	[tilespmem:$0x1FF80] =	vst v63  }
0x213: {  	_ =	swait.ge [sflag:s1], $0x3400  }
0x214: {  	[sflag:s1] =	ssyncset.done $0x0  }
0x215: {  	[sflag:s1] =	ssyncadd.s32 $0xFFFFCC00  }
0x216: {  	_ =	swait.ge [sflag:s6], $0x3400  }
0x217: {  	[sflag:s6] =	ssyncset.done $0x0  }
0x218: {  	[sflag:s6] =	ssyncadd.s32 $0xFFFFCC00  }
0x219: {  	_ =	swait.ge [sflag:s9], $0x3400  }
0x21a: {  	[sflag:s9] =	ssyncset.done $0x0  }
0x21b: {  	s20 =	simm.s32 $0xC680;
	s19 =	rddreg [dreg:$0x15];
	[sflag:s9] =	ssyncadd.s32 $0xFFFFCC00  }
0x21c: {  	[tilespmem:s20], [sflag:$0xE] =	stream.linear.gather [hbm4b:s19+s3], $0x10, $0x38;
	[tilespmem:$0x1FF80] =	vst v63  }
0x21d: {  	s14 =	simm.s32 $0x10;
	s15 =	simm.s32 $0x2700;
	s16 =	simm.s32 $0xE  }
0x21e: {  	[tilespmem:s24], [sflag:$0xE] =	stream.indirect.gather [hbm4b:s4+s14], $0x80, s15, s14, $0xb8;
	[tilespmem:$0x1FF80] =	vst v63  }
0x21f: {  	_ =	swait.ge [sflag:s16], $0x10  }
0x220: {  	[sflag:s16] =	ssyncset.done $0x0  }
0x221: {  	[sflag:s16] =	ssyncadd.s32 $0xFFFFFFF0  }
0x222: {  	_ =	swait.ge [sflag:s16], $0x800  }
0x223: {  	[sflag:s16] =	ssyncset.done $0x0  }
0x224: {  	[sflag:s16] =	ssyncadd.s32 $0xFFFFF800  }
0x225: {  	[spmem:s2] =	stream.indirect.scatter.add.f32 [tilespmem:s24], [sflag:$0xF], $0x80, s20, s14, $0xb8;
	[tilespmem:$0x1FF80] =	vst v63  }
0x226: {  	s14 =	simm.s32 $0xF  }
0x227: {  	_ =	swait.ge [sflag:s14], $0x800  }
0x228: {  	[sflag:s14] =	ssyncset.done $0x0  }
0x229: {  	[sflag:s14] =	ssyncadd.s32 $0xFFFFF800  }
0x22a: {  	[bflag:$0x0] =	sbarrier.arrive $0xFFFF  }
0x22b: {  	s13 =	rddreg [dreg:$0x12]  }
0x22c: {  	s17 =	rddreg [dreg:$0x16]  }
0x22d: {  	s18 =	rddreg [dreg:$0x1a]  }
0x22e: {  	[hbm:s17], [sflag:s13] =	dma.local [spmem:s18], $0x2700  }
0x22f: {  	_ =	swait.ge [sflag:s14], $0x2700  }
0x230: {  	[sflag:s14] =	ssyncset.done $0x0;
	s8 =	rddreg [dreg:$0x17]  }
0x231: {  	s12 =	rddreg [dreg:$0x1b];
	[sflag:s14] =	ssyncadd.s32 $0xFFFFD900  }
0x232: {  	[hbm:s8], [sflag:s13] =	dma.local @!p0 [spmem:s12], $0x100  }
0x233: {  	s8 =	simm.s32 @!p0 $0xF  }
0x234: {  	_ =	swait.ge @!p0 [sflag:s8], $0x100  }
0x235: {  	s19 =	rddreg [dreg:$0x19]  }
0x236: {  	s20 =	rddreg [dreg:$0x18];
	s15 =	sadd.s32 $0x1, s19  }
0x237: {  	p1 =	sne.s32 s15, s20  }
.Ltmp1:
0x238: {  	_ = 	snop;
	(pc) =	sbr.rel @p1 .LBB2_1-.Ltmp1, $3  }
0x239: {  	_ =	sdelay $0x1  }
0x23a: {  	[sflag:s8] =	ssyncset.done @!p0 $0x0  }
0x23b: {  	[sflag:s8] =	ssyncadd.s32 @!p0 $0xFFFFFF00  }
0x23c: {  	_ =	sfence.sel $0x180000  }
0x23d: {  	[bflag:$0x0] =	sbarrier.arrive $0xFFFF  }
0x23e: {  	_ =	strace $0x9000004A  }
0x23f: {  	s0 =	stileid.u32;
	[bflag:$0x2] =	sbarrier.arrive $0xFFFF  }
0x240: {  	p0 =	sne.s32 s0, $0x0;
	s0 =	rddreg [dreg:$0x2]  }
0x241: {  	s0 =	sadd.s32 @!p0 $0x100000, s0  }
0x242: {  	[sflag:s0] =	ssyncadd.tile.s32 @!p0 $0x1;
	_ =	shalt  }
.Lfunc_end2:
_tile_overlayer_lowered:
.L_overlay_start_2:
0x243: {  	(tag) =	ssettag $0x2  }
0x244: {  	s0 =	rddreg [dreg:$0x0];
	s2 =	stileid.u32  }
0x245: {  	s1 =	rddreg [dreg:$0x1];
	p0 =	sne.s32 s2, $0x0  }
0x246: {  	s3 =	rddreg [dreg:$0x2];
	[bflag:$0x3] =	sbarrier.arrive $0xFFFF;
	s2 =	simm.s32 @!p0 $0x1C0F  }
0x247: {  	[timem:s3], [sflag:s2] =	dma.local @!p0 [hbm:s0], s1  }
0x248: {  	s0 =	simm.s32 @!p0 $0xF  }
0x249: {  	_ =	swait.ge @!p0 [sflag:s0], s1  }
0x24a: {  	s1 =	ssub.s32 @!p0 $0x0, s1;
	[sflag:s0] =	ssyncset.done @!p0 $0x0  }
0x24b: {  	[sflag:s0] =	ssyncadd.s32 @!p0 s1  }
0x24c: {  	[bflag:$0x3] =	sbarrier.arrive $0xFFFF  }
0x24d: {  	_ =	shalt  }

</sc_bundles>
